<compile_context>
chip_gen: v7x
topology: tpu7x:2x2x1
jax: 0.10.2.dev20260603
libtpu: 0.0.44.dev20260713+nightly
codegen_flags: <defaults>
</compile_context>

<pallas_src>
import functools

import jax
import jax.numpy as jnp
from jax import lax
from jax.experimental import pallas as pl
from jax.experimental.pallas import tpu as pltpu
from jax.experimental.pallas import tpu_sc as plsc

BLANK = 0
DEPTH = 1000
T_DIM = 50
B_DIM = 1024
TC_T = 30
SC_T = T_DIM - TC_T
NUM_SLOTS = 5
CHUNK = 40
N_CHUNKS = DEPTH // CHUNK
N_UNITS = SC_T * N_CHUNKS
N_VREGS = B_DIM // 16
MAX_PAIRS = (N_UNITS // 32 + 2) // 2 + 1


def _tc_body(idx_ref, out_ref, scratch, sems):
    i = pl.program_id(0)
    for k in range(NUM_SLOTS):
        @pl.when(i > 0)
        def _wait_prev():
            pltpu.make_async_copy(
                scratch.at[k],
                out_ref.at[(i - 1) * NUM_SLOTS + k],
                sems.at[k],
            ).wait()

        row = idx_ref[k]
        shifted = jnp.where(row == BLANK, -1, row)
        iota = lax.broadcasted_iota(jnp.int32, (DEPTH, idx_ref.shape[2]), 0)
        scratch[k] = (shifted == iota).astype(jnp.float32)

        pltpu.make_async_copy(
            scratch.at[k],
            out_ref.at[i * NUM_SLOTS + k],
            sems.at[k],
        ).start()

    @pl.when(i == pl.num_programs(0) - 1)
    def _drain():
        for k in range(NUM_SLOTS):
            pltpu.make_async_copy(
                scratch.at[k],
                out_ref.at[i * NUM_SLOTS + k],
                sems.at[k],
            ).wait()


def _sc_onehot(idx_hbm, out_hbm, bufs, ids, sems):
    info = plsc.get_sparse_core_info()
    nc = info.num_cores
    nw = nc * info.num_subcores
    wid = lax.axis_index("s") * nc + lax.axis_index("c")

    base_units = N_UNITS // nw
    n_extra = N_UNITS - base_units * nw
    lo = base_units * wid + jnp.minimum(wid, n_extra)
    cnt = base_units + jnp.where(wid < n_extra, 1, 0)

    lane = lax.broadcasted_iota(jnp.int32, (16,), 0)
    ones16 = jnp.full((16,), 1.0, dtype=jnp.float32)
    zeros16 = jnp.zeros((16,), dtype=jnp.float32)

    for b in range(2):
        def _zero_row(r, _):
            for c in range(N_VREGS):
                bufs[b, r, pl.ds(c * 16, 16)] = zeros16
            return 0
        lax.fori_loop(0, CHUNK, _zero_row, 0)

    def _scatter(b, c0, vals):
        def _step(v, _):
            vec = ids[b, pl.ds(v * 16, 16)]
            m = (vec > 0) & (vec >= c0) & (vec < c0 + CHUNK)
            plsc.store_scatter(
                bufs.at[b], [vec - c0, v * 16 + lane], vals, mask=m)
            return 0
        lax.fori_loop(0, N_VREGS, _step, 0)

    def _pair(p, _):
        for b in range(2):
            kk = 2 * p + b
            u = lo + kk

            @pl.when(kk < cnt)
            def _do_unit():
                t = u // N_CHUNKS
                c0 = (u % N_CHUNKS) * CHUNK

                @pl.when(p > 0)
                def _recycle():
                    u_prev = u - 2
                    t_prev = u_prev // N_CHUNKS
                    c0_prev = (u_prev % N_CHUNKS) * CHUNK
                    pltpu.make_async_copy(
                        bufs.at[b],
                        out_hbm.at[t_prev, pl.ds(c0_prev, CHUNK)],
                        sems.at[b],
                    ).wait()
                    _scatter(b, c0_prev, zeros16)

                pltpu.sync_copy(idx_hbm.at[t], ids.at[b])
                _scatter(b, c0, ones16)
                pltpu.make_async_copy(
                    bufs.at[b],
                    out_hbm.at[t, pl.ds(c0, CHUNK)],
                    sems.at[b],
                ).start()
        return 0

    lax.fori_loop(0, MAX_PAIRS, _pair, 0)

    for b in range(2):
        kl = cnt - 1 - ((cnt - 1 - b) % 2)
        u = lo + kl
        t = u // N_CHUNKS
        c0 = (u % N_CHUNKS) * CHUNK
        pltpu.make_async_copy(
            bufs.at[b],
            out_hbm.at[t, pl.ds(c0, CHUNK)],
            sems.at[b],
        ).wait()


def kernel(outputs, outputs_length):
    b, t = outputs.shape
    idx_t = outputs.astype(jnp.int32).T

    tc_part = pl.pallas_call(
        _tc_body,
        grid=(TC_T // NUM_SLOTS,),
        in_specs=[pl.BlockSpec((NUM_SLOTS, 1, b), lambda i: (i, 0, 0))],
        out_specs=pl.BlockSpec(memory_space=pl.ANY),
        out_shape=jax.ShapeDtypeStruct((TC_T, DEPTH, b), jnp.float32),
        scratch_shapes=[
            pltpu.VMEM((NUM_SLOTS, DEPTH, b), jnp.float32),
            pltpu.SemaphoreType.DMA((NUM_SLOTS,)),
        ],
    )(idx_t[:TC_T].reshape(TC_T, 1, b))

    mesh = plsc.VectorSubcoreMesh(core_axis_name="c", subcore_axis_name="s")
    sc_part = functools.partial(
        pl.kernel,
        mesh=mesh,
        compiler_params=pltpu.CompilerParams(needs_layout_passes=False),
        out_type=jax.ShapeDtypeStruct((SC_T, DEPTH, B_DIM), jnp.float32),
        scratch_types=[
            pltpu.VMEM((2, CHUNK, B_DIM), jnp.float32),
            pltpu.VMEM((2, B_DIM), jnp.int32),
            pltpu.SemaphoreType.DMA((2,)),
        ],
    )(_sc_onehot)(idx_t[TC_T:])

    one_hot_t = jnp.concatenate([tc_part, sc_part], axis=0)
    return (jnp.transpose(one_hot_t, (2, 0, 1)), outputs_length)

# --- scband reference (transcript-rebuilt; emitter-appended) ---
"""Pipeline reference for scband-one-hot-blank-29807073034322 (READ-ONLY COPY).

The authoritative reference and input builder live on the scoring server;
editing this copy changes nothing except your own understanding.
"""

import jax, jax.numpy as jnp
import numpy as np

BLANK = 0
DEPTH = 1000

def setup_inputs(seed: int = 0) -> dict:
    key = jax.random.key(seed)
    k1, k2 = jax.random.split(key)
    outputs = jax.random.randint(k1, (1024, 50), 0, 1000, dtype=jnp.int64) if jax.config.read('jax_enable_x64') else jax.random.randint(k1, (1024, 50), 0, 1000).astype(jnp.int32)
    outputs_length = jax.random.randint(k2, (1024,), 0, 51).astype(jnp.int32)
    return {"outputs": outputs, "outputs_length": outputs_length}

def reference(outputs, outputs_length):
    # tf.where(tf.equal(outputs, blank), -1, outputs)
    minus_one_at_blank = jnp.where(outputs == BLANK, -1, outputs)
    # tf.one_hot with index -1 yields an all-zero row; jax.nn.one_hot matches this
    # (out-of-range indices produce zero vectors)
    one_hot = jax.nn.one_hot(minus_one_at_blank, DEPTH, dtype=jnp.float32)
    return (one_hot, outputs_length)

if __name__ == "__main__":
    import jax
    _d = setup_inputs()
    print(jax.jit(kernel)(*tuple(_d.values())))

</pallas_src>

<mosaic_0001>
#map = affine_map<(d0, d1) -> (0, 0)>
#map1 = affine_map<(d0, d1) -> (0, 0, 0)>
module attributes {stable_mosaic.version = 14 : i64} {
  func.func @_sc_onehot(%arg0: i32, %arg1: i32, %arg2: memref<20x1024xi32, #tpu.memory_space<hbm>>, %arg3: memref<20x1000x1024xf32, #tpu.memory_space<hbm>>, %arg4: memref<2x40x1024xf32, #tpu.memory_space<vmem>>, %arg5: memref<2x1024xi32, #tpu.memory_space<vmem>>, %arg6: memref<2x!tpu.dma_semaphore, #tpu.memory_space<semaphore_mem>>) attributes {dimension_semantics = [#tpu.dimension_semantics<core_parallel>, #tpu.dimension_semantics<subcore_parallel>], iteration_bounds = array<i64: 2, 16>, scalar_prefetch = 0 : i64, scratch_operands = 3 : i64, tpu.core_type = #tpu.core_type<sc_vector_subcore>, window_params = [{transform_indices = #map}, {transform_indices = #map1}]} {
    %mul3A = arith.constant 2 : i32
    %mul3A_0 = arith.muli %arg1, %mul3A : i32
    %add3A = arith.addi %mul3A_0, %arg0 : i32
    %mul3A_1 = arith.constant 15 : i32
    %mul3A_2 = arith.muli %mul3A_1, %add3A : i32
    %min3A = arith.constant 20 : i32
    %min3A_3 = arith.minsi %add3A, %min3A : i32
    %add3A_4 = arith.addi %mul3A_2, %min3A_3 : i32
    %lt3A = arith.constant 20 : i32
    %lt3A_5 = arith.cmpi slt, %add3A, %lt3A : i32
    %jit3A = arith.constant 1 : i32
    %jit3A_6 = arith.constant 0 : i32
    %select_n3A = arith.select %lt3A_5, %jit3A, %jit3A_6 : i32
    %add3A_7 = arith.constant 15 : i32
    %add3A_8 = arith.addi %add3A_7, %select_n3A : i32
    %iota3A = tpu.iota {dimensions = array<i32: 0>} : vector<16xi32>
    %broadcast_in_dim3A = arith.constant 1.000000e+00 : f32
    %broadcast_in_dim3A_9 = vector.broadcast %broadcast_in_dim3A : f32 to vector<16xf32>
    %broadcast_in_dim3A_10 = arith.constant 0.000000e+00 : f32
    %broadcast_in_dim3A_11 = vector.broadcast %broadcast_in_dim3A_10 : f32 to vector<16xf32>
    %scan3A = arith.constant 0 : i32
    %scan3A_12 = arith.constant 0 : i32
    %scan3A_13 = arith.constant 40 : i32
    %scan3A_14 = arith.addi %scan3A_12, %scan3A_13 : i32
    %scan3A_15 = arith.constant 1 : i32
    %scan3A_16 = scf.for %scan3A_192 = %scan3A_12 to %scan3A_14 step %scan3A_15 iter_args(%scan3A_193 = %scan3A) -> (i32)  : i32 {
      %swap3A = arith.constant 0 : i32
      %swap3A_194 = arith.index_cast %swap3A : i32 to index
      %swap3A_195 = arith.index_cast %scan3A_192 : i32 to index
      %swap3A_196 = arith.constant 0 : index
      %swap3A_197 = tpu.vector_load %arg4[%swap3A_194, %swap3A_195, %swap3A_196] {strides = array<i32>} : memref<2x40x1024xf32, #tpu.memory_space<vmem>>, vector<16xf32>,
      tpu.vector_store %arg4[%swap3A_194, %swap3A_195, %swap3A_196], %broadcast_in_dim3A_11 {strides = array<i32>} : memref<2x40x1024xf32, #tpu.memory_space<vmem>>, vector<16xf32>,
      %swap3A_198 = arith.constant 0 : i32
      %swap3A_199 = arith.index_cast %swap3A_198 : i32 to index
      %swap3A_200 = arith.index_cast %scan3A_192 : i32 to index
      %swap3A_201 = arith.constant 16 : index
      %swap3A_202 = tpu.vector_load %arg4[%swap3A_199, %swap3A_200, %swap3A_201] {strides = array<i32>} : memref<2x40x1024xf32, #tpu.memory_space<vmem>>, vector<16xf32>,
      tpu.vector_store %arg4[%swap3A_199, %swap3A_200, %swap3A_201], %broadcast_in_dim3A_11 {strides = array<i32>} : memref<2x40x1024xf32, #tpu.memory_space<vmem>>, vector<16xf32>,
      %swap3A_203 = arith.constant 0 : i32
      %swap3A_204 = arith.index_cast %swap3A_203 : i32 to index
      %swap3A_205 = arith.index_cast %scan3A_192 : i32 to index
      %swap3A_206 = arith.constant 32 : index
      %swap3A_207 = tpu.vector_load %arg4[%swap3A_204, %swap3A_205, %swap3A_206] {strides = array<i32>} : memref<2x40x1024xf32, #tpu.memory_space<vmem>>, vector<16xf32>,
      tpu.vector_store %arg4[%swap3A_204, %swap3A_205, %swap3A_206], %broadcast_in_dim3A_11 {strides = array<i32>} : memref<2x40x1024xf32, #tpu.memory_space<vmem>>, vector<16xf32>,
      %swap3A_208 = arith.constant 0 : i32
      %swap3A_209 = arith.index_cast %swap3A_208 : i32 to index
      %swap3A_210 = arith.index_cast %scan3A_192 : i32 to index
      %swap3A_211 = arith.constant 48 : index
      %swap3A_212 = tpu.vector_load %arg4[%swap3A_209, %swap3A_210, %swap3A_211] {strides = array<i32>} : memref<2x40x1024xf32, #tpu.memory_space<vmem>>, vector<16xf32>,
      tpu.vector_store %arg4[%swap3A_209, %swap3A_210, %swap3A_211], %broadcast_in_dim3A_11 {strides = array<i32>} : memref<2x40x1024xf32, #tpu.memory_space<vmem>>, vector<16xf32>,
      %swap3A_213 = arith.constant 0 : i32
      %swap3A_214 = arith.index_cast %swap3A_213 : i32 to index
      %swap3A_215 = arith.index_cast %scan3A_192 : i32 to index
      %swap3A_216 = arith.constant 64 : index
      %swap3A_217 = tpu.vector_load %arg4[%swap3A_214, %swap3A_215, %swap3A_216] {strides = array<i32>} : memref<2x40x1024xf32, #tpu.memory_space<vmem>>, vector<16xf32>,
      tpu.vector_store %arg4[%swap3A_214, %swap3A_215, %swap3A_216], %broadcast_in_dim3A_11 {strides = array<i32>} : memref<2x40x1024xf32, #tpu.memory_space<vmem>>, vector<16xf32>,
      %swap3A_218 = arith.constant 0 : i32
      %swap3A_219 = arith.index_cast %swap3A_218 : i32 to index
      %swap3A_220 = arith.index_cast %scan3A_192 : i32 to index
      %swap3A_221 = arith.constant 80 : index
      %swap3A_222 = tpu.vector_load %arg4[%swap3A_219, %swap3A_220, %swap3A_221] {strides = array<i32>} : memref<2x40x1024xf32, #tpu.memory_space<vmem>>, vector<16xf32>,
      tpu.vector_store %arg4[%swap3A_219, %swap3A_220, %swap3A_221], %broadcast_in_dim3A_11 {strides = array<i32>} : memref<2x40x1024xf32, #tpu.memory_space<vmem>>, vector<16xf32>,
      %swap3A_223 = arith.constant 0 : i32
      %swap3A_224 = arith.index_cast %swap3A_223 : i32 to index
      %swap3A_225 = arith.index_cast %scan3A_192 : i32 to index
      %swap3A_226 = arith.constant 96 : index
      %swap3A_227 = tpu.vector_load %arg4[%swap3A_224, %swap3A_225, %swap3A_226] {strides = array<i32>} : memref<2x40x1024xf32, #tpu.memory_space<vmem>>, vector<16xf32>,
      tpu.vector_store %arg4[%swap3A_224, %swap3A_225, %swap3A_226], %broadcast_in_dim3A_11 {strides = array<i32>} : memref<2x40x1024xf32, #tpu.memory_space<vmem>>, vector<16xf32>,
      %swap3A_228 = arith.constant 0 : i32
      %swap3A_229 = arith.index_cast %swap3A_228 : i32 to index
      %swap3A_230 = arith.index_cast %scan3A_192 : i32 to index
      %swap3A_231 = arith.constant 112 : index
      %swap3A_232 = tpu.vector_load %arg4[%swap3A_229, %swap3A_230, %swap3A_231] {strides = array<i32>} : memref<2x40x1024xf32, #tpu.memory_space<vmem>>, vector<16xf32>,
      tpu.vector_store %arg4[%swap3A_229, %swap3A_230, %swap3A_231], %broadcast_in_dim3A_11 {strides = array<i32>} : memref<2x40x1024xf32, #tpu.memory_space<vmem>>, vector<16xf32>,
      %swap3A_233 = arith.constant 0 : i32
      %swap3A_234 = arith.index_cast %swap3A_233 : i32 to index
      %swap3A_235 = arith.index_cast %scan3A_192 : i32 to index
      %swap3A_236 = arith.constant 128 : index
      %swap3A_237 = tpu.vector_load %arg4[%swap3A_234, %swap3A_235, %swap3A_236] {strides = array<i32>} : memref<2x40x1024xf32, #tpu.memory_space<vmem>>, vector<16xf32>,
      tpu.vector_store %arg4[%swap3A_234, %swap3A_235, %swap3A_236], %broadcast_in_dim3A_11 {strides = array<i32>} : memref<2x40x1024xf32, #tpu.memory_space<vmem>>, vector<16xf32>,
      %swap3A_238 = arith.constant 0 : i32
      %swap3A_239 = arith.index_cast %swap3A_238 : i32 to index
      %swap3A_240 = arith.index_cast %scan3A_192 : i32 to index
      %swap3A_241 = arith.constant 144 : index
      %swap3A_242 = tpu.vector_load %arg4[%swap3A_239, %swap3A_240, %swap3A_241] {strides = array<i32>} : memref<2x40x1024xf32, #tpu.memory_space<vmem>>, vector<16xf32>,
      tpu.vector_store %arg4[%swap3A_239, %swap3A_240, %swap3A_241], %broadcast_in_dim3A_11 {strides = array<i32>} : memref<2x40x1024xf32, #tpu.memory_space<vmem>>, vector<16xf32>,
      %swap3A_243 = arith.constant 0 : i32
      %swap3A_244 = arith.index_cast %swap3A_243 : i32 to index
      %swap3A_245 = arith.index_cast %scan3A_192 : i32 to index
      %swap3A_246 = arith.constant 160 : index
      %swap3A_247 = tpu.vector_load %arg4[%swap3A_244, %swap3A_245, %swap3A_246] {strides = array<i32>} : memref<2x40x1024xf32, #tpu.memory_space<vmem>>, vector<16xf32>,
      tpu.vector_store %arg4[%swap3A_244, %swap3A_245, %swap3A_246], %broadcast_in_dim3A_11 {strides = array<i32>} : memref<2x40x1024xf32, #tpu.memory_space<vmem>>, vector<16xf32>,
      %swap3A_248 = arith.constant 0 : i32
      %swap3A_249 = arith.index_cast %swap3A_248 : i32 to index
      %swap3A_250 = arith.index_cast %scan3A_192 : i32 to index
      %swap3A_251 = arith.constant 176 : index
      %swap3A_252 = tpu.vector_load %arg4[%swap3A_249, %swap3A_250, %swap3A_251] {strides = array<i32>} : memref<2x40x1024xf32, #tpu.memory_space<vmem>>, vector<16xf32>,
      tpu.vector_store %arg4[%swap3A_249, %swap3A_250, %swap3A_251], %broadcast_in_dim3A_11 {strides = array<i32>} : memref<2x40x1024xf32, #tpu.memory_space<vmem>>, vector<16xf32>,
      %swap3A_253 = arith.constant 0 : i32
      %swap3A_254 = arith.index_cast %swap3A_253 : i32 to index
      %swap3A_255 = arith.index_cast %scan3A_192 : i32 to index
      %swap3A_256 = arith.constant 192 : index
      %swap3A_257 = tpu.vector_load %arg4[%swap3A_254, %swap3A_255, %swap3A_256] {strides = array<i32>} : memref<2x40x1024xf32, #tpu.memory_space<vmem>>, vector<16xf32>,
      tpu.vector_store %arg4[%swap3A_254, %swap3A_255, %swap3A_256], %broadcast_in_dim3A_11 {strides = array<i32>} : memref<2x40x1024xf32, #tpu.memory_space<vmem>>, vector<16xf32>,
      %swap3A_258 = arith.constant 0 : i32
      %swap3A_259 = arith.index_cast %swap3A_258 : i32 to index
      %swap3A_260 = arith.index_cast %scan3A_192 : i32 to index
      %swap3A_261 = arith.constant 208 : index
      %swap3A_262 = tpu.vector_load %arg4[%swap3A_259, %swap3A_260, %swap3A_261] {strides = array<i32>} : memref<2x40x1024xf32, #tpu.memory_space<vmem>>, vector<16xf32>,
      tpu.vector_store %arg4[%swap3A_259, %swap3A_260, %swap3A_261], %broadcast_in_dim3A_11 {strides = array<i32>} : memref<2x40x1024xf32, #tpu.memory_space<vmem>>, vector<16xf32>,
      %swap3A_263 = arith.constant 0 : i32
      %swap3A_264 = arith.index_cast %swap3A_263 : i32 to index
      %swap3A_265 = arith.index_cast %scan3A_192 : i32 to index
      %swap3A_266 = arith.constant 224 : index
      %swap3A_267 = tpu.vector_load %arg4[%swap3A_264, %swap3A_265, %swap3A_266] {strides = array<i32>} : memref<2x40x1024xf32, #tpu.memory_space<vmem>>, vector<16xf32>,
      tpu.vector_store %arg4[%swap3A_264, %swap3A_265, %swap3A_266], %broadcast_in_dim3A_11 {strides = array<i32>} : memref<2x40x1024xf32, #tpu.memory_space<vmem>>, vector<16xf32>,
      %swap3A_268 = arith.constant 0 : i32
      %swap3A_269 = arith.index_cast %swap3A_268 : i32 to index
      %swap3A_270 = arith.index_cast %scan3A_192 : i32 to index
      %swap3A_271 = arith.constant 240 : index
      %swap3A_272 = tpu.vector_load %arg4[%swap3A_269, %swap3A_270, %swap3A_271] {strides = array<i32>} : memref<2x40x1024xf32, #tpu.memory_space<vmem>>, vector<16xf32>,
      tpu.vector_store %arg4[%swap3A_269, %swap3A_270, %swap3A_271], %broadcast_in_dim3A_11 {strides = array<i32>} : memref<2x40x1024xf32, #tpu.memory_space<vmem>>, vector<16xf32>,
      %swap3A_273 = arith.constant 0 : i32
      %swap3A_274 = arith.index_cast %swap3A_273 : i32 to index
      %swap3A_275 = arith.index_cast %scan3A_192 : i32 to index
      %swap3A_276 = arith.constant 256 : index
      %swap3A_277 = tpu.vector_load %arg4[%swap3A_274, %swap3A_275, %swap3A_276] {strides = array<i32>} : memref<2x40x1024xf32, #tpu.memory_space<vmem>>, vector<16xf32>,
      tpu.vector_store %arg4[%swap3A_274, %swap3A_275, %swap3A_276], %broadcast_in_dim3A_11 {strides = array<i32>} : memref<2x40x1024xf32, #tpu.memory_space<vmem>>, vector<16xf32>,
      %swap3A_278 = arith.constant 0 : i32
      %swap3A_279 = arith.index_cast %swap3A_278 : i32 to index
      %swap3A_280 = arith.index_cast %scan3A_192 : i32 to index
      %swap3A_281 = arith.constant 272 : index
      %swap3A_282 = tpu.vector_load %arg4[%swap3A_279, %swap3A_280, %swap3A_281] {strides = array<i32>} : memref<2x40x1024xf32, #tpu.memory_space<vmem>>, vector<16xf32>,
      tpu.vector_store %arg4[%swap3A_279, %swap3A_280, %swap3A_281], %broadcast_in_dim3A_11 {strides = array<i32>} : memref<2x40x1024xf32, #tpu.memory_space<vmem>>, vector<16xf32>,
      %swap3A_283 = arith.constant 0 : i32
      %swap3A_284 = arith.index_cast %swap3A_283 : i32 to index
      %swap3A_285 = arith.index_cast %scan3A_192 : i32 to index
      %swap3A_286 = arith.constant 288 : index
      %swap3A_287 = tpu.vector_load %arg4[%swap3A_284, %swap3A_285, %swap3A_286] {strides = array<i32>} : memref<2x40x1024xf32, #tpu.memory_space<vmem>>, vector<16xf32>,
      tpu.vector_store %arg4[%swap3A_284, %swap3A_285, %swap3A_286], %broadcast_in_dim3A_11 {strides = array<i32>} : memref<2x40x1024xf32, #tpu.memory_space<vmem>>, vector<16xf32>,
      %swap3A_288 = arith.constant 0 : i32
      %swap3A_289 = arith.index_cast %swap3A_288 : i32 to index
      %swap3A_290 = arith.index_cast %scan3A_192 : i32 to index
      %swap3A_291 = arith.constant 304 : index
      %swap3A_292 = tpu.vector_load %arg4[%swap3A_289, %swap3A_290, %swap3A_291] {strides = array<i32>} : memref<2x40x1024xf32, #tpu.memory_space<vmem>>, vector<16xf32>,
      tpu.vector_store %arg4[%swap3A_289, %swap3A_290, %swap3A_291], %broadcast_in_dim3A_11 {strides = array<i32>} : memref<2x40x1024xf32, #tpu.memory_space<vmem>>, vector<16xf32>,
      %swap3A_293 = arith.constant 0 : i32
      %swap3A_294 = arith.index_cast %swap3A_293 : i32 to index
      %swap3A_295 = arith.index_cast %scan3A_192 : i32 to index
      %swap3A_296 = arith.constant 320 : index
      %swap3A_297 = tpu.vector_load %arg4[%swap3A_294, %swap3A_295, %swap3A_296] {strides = array<i32>} : memref<2x40x1024xf32, #tpu.memory_space<vmem>>, vector<16xf32>,
      tpu.vector_store %arg4[%swap3A_294, %swap3A_295, %swap3A_296], %broadcast_in_dim3A_11 {strides = array<i32>} : memref<2x40x1024xf32, #tpu.memory_space<vmem>>, vector<16xf32>,
      %swap3A_298 = arith.constant 0 : i32
      %swap3A_299 = arith.index_cast %swap3A_298 : i32 to index
      %swap3A_300 = arith.index_cast %scan3A_192 : i32 to index
      %swap3A_301 = arith.constant 336 : index
      %swap3A_302 = tpu.vector_load %arg4[%swap3A_299, %swap3A_300, %swap3A_301] {strides = array<i32>} : memref<2x40x1024xf32, #tpu.memory_space<vmem>>, vector<16xf32>,
      tpu.vector_store %arg4[%swap3A_299, %swap3A_300, %swap3A_301], %broadcast_in_dim3A_11 {strides = array<i32>} : memref<2x40x1024xf32, #tpu.memory_space<vmem>>, vector<16xf32>,
      %swap3A_303 = arith.constant 0 : i32
      %swap3A_304 = arith.index_cast %swap3A_303 : i32 to index
      %swap3A_305 = arith.index_cast %scan3A_192 : i32 to index
      %swap3A_306 = arith.constant 352 : index
      %swap3A_307 = tpu.vector_load %arg4[%swap3A_304, %swap3A_305, %swap3A_306] {strides = array<i32>} : memref<2x40x1024xf32, #tpu.memory_space<vmem>>, vector<16xf32>,
      tpu.vector_store %arg4[%swap3A_304, %swap3A_305, %swap3A_306], %broadcast_in_dim3A_11 {strides = array<i32>} : memref<2x40x1024xf32, #tpu.memory_space<vmem>>, vector<16xf32>,
      %swap3A_308 = arith.constant 0 : i32
      %swap3A_309 = arith.index_cast %swap3A_308 : i32 to index
      %swap3A_310 = arith.index_cast %scan3A_192 : i32 to index
      %swap3A_311 = arith.constant 368 : index
      %swap3A_312 = tpu.vector_load %arg4[%swap3A_309, %swap3A_310, %swap3A_311] {strides = array<i32>} : memref<2x40x1024xf32, #tpu.memory_space<vmem>>, vector<16xf32>,
      tpu.vector_store %arg4[%swap3A_309, %swap3A_310, %swap3A_311], %broadcast_in_dim3A_11 {strides = array<i32>} : memref<2x40x1024xf32, #tpu.memory_space<vmem>>, vector<16xf32>,
      %swap3A_313 = arith.constant 0 : i32
      %swap3A_314 = arith.index_cast %swap3A_313 : i32 to index
      %swap3A_315 = arith.index_cast %scan3A_192 : i32 to index
      %swap3A_316 = arith.constant 384 : index
      %swap3A_317 = tpu.vector_load %arg4[%swap3A_314, %swap3A_315, %swap3A_316] {strides = array<i32>} : memref<2x40x1024xf32, #tpu.memory_space<vmem>>, vector<16xf32>,
      tpu.vector_store %arg4[%swap3A_314, %swap3A_315, %swap3A_316], %broadcast_in_dim3A_11 {strides = array<i32>} : memref<2x40x1024xf32, #tpu.memory_space<vmem>>, vector<16xf32>,
      %swap3A_318 = arith.constant 0 : i32
      %swap3A_319 = arith.index_cast %swap3A_318 : i32 to index
      %swap3A_320 = arith.index_cast %scan3A_192 : i32 to index
      %swap3A_321 = arith.constant 400 : index
      %swap3A_322 = tpu.vector_load %arg4[%swap3A_319, %swap3A_320, %swap3A_321] {strides = array<i32>} : memref<2x40x1024xf32, #tpu.memory_space<vmem>>, vector<16xf32>,
      tpu.vector_store %arg4[%swap3A_319, %swap3A_320, %swap3A_321], %broadcast_in_dim3A_11 {strides = array<i32>} : memref<2x40x1024xf32, #tpu.memory_space<vmem>>, vector<16xf32>,
      %swap3A_323 = arith.constant 0 : i32
      %swap3A_324 = arith.index_cast %swap3A_323 : i32 to index
      %swap3A_325 = arith.index_cast %scan3A_192 : i32 to index
      %swap3A_326 = arith.constant 416 : index
      %swap3A_327 = tpu.vector_load %arg4[%swap3A_324, %swap3A_325, %swap3A_326] {strides = array<i32>} : memref<2x40x1024xf32, #tpu.memory_space<vmem>>, vector<16xf32>,
      tpu.vector_store %arg4[%swap3A_324, %swap3A_325, %swap3A_326], %broadcast_in_dim3A_11 {strides = array<i32>} : memref<2x40x1024xf32, #tpu.memory_space<vmem>>, vector<16xf32>,
      %swap3A_328 = arith.constant 0 : i32
      %swap3A_329 = arith.index_cast %swap3A_328 : i32 to index
      %swap3A_330 = arith.index_cast %scan3A_192 : i32 to index
      %swap3A_331 = arith.constant 432 : index
      %swap3A_332 = tpu.vector_load %arg4[%swap3A_329, %swap3A_330, %swap3A_331] {strides = array<i32>} : memref<2x40x1024xf32, #tpu.memory_space<vmem>>, vector<16xf32>,
      tpu.vector_store %arg4[%swap3A_329, %swap3A_330, %swap3A_331], %broadcast_in_dim3A_11 {strides = array<i32>} : memref<2x40x1024xf32, #tpu.memory_space<vmem>>, vector<16xf32>,
      %swap3A_333 = arith.constant 0 : i32
      %swap3A_334 = arith.index_cast %swap3A_333 : i32 to index
      %swap3A_335 = arith.index_cast %scan3A_192 : i32 to index
      %swap3A_336 = arith.constant 448 : index
      %swap3A_337 = tpu.vector_load %arg4[%swap3A_334, %swap3A_335, %swap3A_336] {strides = array<i32>} : memref<2x40x1024xf32, #tpu.memory_space<vmem>>, vector<16xf32>,
      tpu.vector_store %arg4[%swap3A_334, %swap3A_335, %swap3A_336], %broadcast_in_dim3A_11 {strides = array<i32>} : memref<2x40x1024xf32, #tpu.memory_space<vmem>>, vector<16xf32>,
      %swap3A_338 = arith.constant 0 : i32
      %swap3A_339 = arith.index_cast %swap3A_338 : i32 to index
      %swap3A_340 = arith.index_cast %scan3A_192 : i32 to index
      %swap3A_341 = arith.constant 464 : index
      %swap3A_342 = tpu.vector_load %arg4[%swap3A_339, %swap3A_340, %swap3A_341] {strides = array<i32>} : memref<2x40x1024xf32, #tpu.memory_space<vmem>>, vector<16xf32>,
      tpu.vector_store %arg4[%swap3A_339, %swap3A_340, %swap3A_341], %broadcast_in_dim3A_11 {strides = array<i32>} : memref<2x40x1024xf32, #tpu.memory_space<vmem>>, vector<16xf32>,
      %swap3A_343 = arith.constant 0 : i32
      %swap3A_344 = arith.index_cast %swap3A_343 : i32 to index
      %swap3A_345 = arith.index_cast %scan3A_192 : i32 to index
      %swap3A_346 = arith.constant 480 : index
      %swap3A_347 = tpu.vector_load %arg4[%swap3A_344, %swap3A_345, %swap3A_346] {strides = array<i32>} : memref<2x40x1024xf32, #tpu.memory_space<vmem>>, vector<16xf32>,
      tpu.vector_store %arg4[%swap3A_344, %swap3A_345, %swap3A_346], %broadcast_in_dim3A_11 {strides = array<i32>} : memref<2x40x1024xf32, #tpu.memory_space<vmem>>, vector<16xf32>,
      %swap3A_348 = arith.constant 0 : i32
      %swap3A_349 = arith.index_cast %swap3A_348 : i32 to index
      %swap3A_350 = arith.index_cast %scan3A_192 : i32 to index
      %swap3A_351 = arith.constant 496 : index
      %swap3A_352 = tpu.vector_load %arg4[%swap3A_349, %swap3A_350, %swap3A_351] {strides = array<i32>} : memref<2x40x1024xf32, #tpu.memory_space<vmem>>, vector<16xf32>,
      tpu.vector_store %arg4[%swap3A_349, %swap3A_350, %swap3A_351], %broadcast_in_dim3A_11 {strides = array<i32>} : memref<2x40x1024xf32, #tpu.memory_space<vmem>>, vector<16xf32>,
      %swap3A_353 = arith.constant 0 : i32
      %swap3A_354 = arith.index_cast %swap3A_353 : i32 to index
      %swap3A_355 = arith.index_cast %scan3A_192 : i32 to index
      %swap3A_356 = arith.constant 512 : index
      %swap3A_357 = tpu.vector_load %arg4[%swap3A_354, %swap3A_355, %swap3A_356] {strides = array<i32>} : memref<2x40x1024xf32, #tpu.memory_space<vmem>>, vector<16xf32>,
      tpu.vector_store %arg4[%swap3A_354, %swap3A_355, %swap3A_356], %broadcast_in_dim3A_11 {strides = array<i32>} : memref<2x40x1024xf32, #tpu.memory_space<vmem>>, vector<16xf32>,
      %swap3A_358 = arith.constant 0 : i32
      %swap3A_359 = arith.index_cast %swap3A_358 : i32 to index
      %swap3A_360 = arith.index_cast %scan3A_192 : i32 to index
      %swap3A_361 = arith.constant 528 : index
      %swap3A_362 = tpu.vector_load %arg4[%swap3A_359, %swap3A_360, %swap3A_361] {strides = array<i32>} : memref<2x40x1024xf32, #tpu.memory_space<vmem>>, vector<16xf32>,
      tpu.vector_store %arg4[%swap3A_359, %swap3A_360, %swap3A_361], %broadcast_in_dim3A_11 {strides = array<i32>} : memref<2x40x1024xf32, #tpu.memory_space<vmem>>, vector<16xf32>,
      %swap3A_363 = arith.constant 0 : i32
      %swap3A_364 = arith.index_cast %swap3A_363 : i32 to index
      %swap3A_365 = arith.index_cast %scan3A_192 : i32 to index
      %swap3A_366 = arith.constant 544 : index
      %swap3A_367 = tpu.vector_load %arg4[%swap3A_364, %swap3A_365, %swap3A_366] {strides = array<i32>} : memref<2x40x1024xf32, #tpu.memory_space<vmem>>, vector<16xf32>,
      tpu.vector_store %arg4[%swap3A_364, %swap3A_365, %swap3A_366], %broadcast_in_dim3A_11 {strides = array<i32>} : memref<2x40x1024xf32, #tpu.memory_space<vmem>>, vector<16xf32>,
      %swap3A_368 = arith.constant 0 : i32
      %swap3A_369 = arith.index_cast %swap3A_368 : i32 to index
      %swap3A_370 = arith.index_cast %scan3A_192 : i32 to index
      %swap3A_371 = arith.constant 560 : index
      %swap3A_372 = tpu.vector_load %arg4[%swap3A_369, %swap3A_370, %swap3A_371] {strides = array<i32>} : memref<2x40x1024xf32, #tpu.memory_space<vmem>>, vector<16xf32>,
      tpu.vector_store %arg4[%swap3A_369, %swap3A_370, %swap3A_371], %broadcast_in_dim3A_11 {strides = array<i32>} : memref<2x40x1024xf32, #tpu.memory_space<vmem>>, vector<16xf32>,
      %swap3A_373 = arith.constant 0 : i32
      %swap3A_374 = arith.index_cast %swap3A_373 : i32 to index
      %swap3A_375 = arith.index_cast %scan3A_192 : i32 to index
      %swap3A_376 = arith.constant 576 : index
      %swap3A_377 = tpu.vector_load %arg4[%swap3A_374, %swap3A_375, %swap3A_376] {strides = array<i32>} : memref<2x40x1024xf32, #tpu.memory_space<vmem>>, vector<16xf32>,
      tpu.vector_store %arg4[%swap3A_374, %swap3A_375, %swap3A_376], %broadcast_in_dim3A_11 {strides = array<i32>} : memref<2x40x1024xf32, #tpu.memory_space<vmem>>, vector<16xf32>,
      %swap3A_378 = arith.constant 0 : i32
      %swap3A_379 = arith.index_cast %swap3A_378 : i32 to index
      %swap3A_380 = arith.index_cast %scan3A_192 : i32 to index
      %swap3A_381 = arith.constant 592 : index
      %swap3A_382 = tpu.vector_load %arg4[%swap3A_379, %swap3A_380, %swap3A_381] {strides = array<i32>} : memref<2x40x1024xf32, #tpu.memory_space<vmem>>, vector<16xf32>,
      tpu.vector_store %arg4[%swap3A_379, %swap3A_380, %swap3A_381], %broadcast_in_dim3A_11 {strides = array<i32>} : memref<2x40x1024xf32, #tpu.memory_space<vmem>>, vector<16xf32>,
      %swap3A_383 = arith.constant 0 : i32
      %swap3A_384 = arith.index_cast %swap3A_383 : i32 to index
      %swap3A_385 = arith.index_cast %scan3A_192 : i32 to index
      %swap3A_386 = arith.constant 608 : index
      %swap3A_387 = tpu.vector_load %arg4[%swap3A_384, %swap3A_385, %swap3A_386] {strides = array<i32>} : memref<2x40x1024xf32, #tpu.memory_space<vmem>>, vector<16xf32>,
      tpu.vector_store %arg4[%swap3A_384, %swap3A_385, %swap3A_386], %broadcast_in_dim3A_11 {strides = array<i32>} : memref<2x40x1024xf32, #tpu.memory_space<vmem>>, vector<16xf32>,
      %swap3A_388 = arith.constant 0 : i32
      %swap3A_389 = arith.index_cast %swap3A_388 : i32 to index
      %swap3A_390 = arith.index_cast %scan3A_192 : i32 to index
      %swap3A_391 = arith.constant 624 : index
      %swap3A_392 = tpu.vector_load %arg4[%swap3A_389, %swap3A_390, %swap3A_391] {strides = array<i32>} : memref<2x40x1024xf32, #tpu.memory_space<vmem>>, vector<16xf32>,
      tpu.vector_store %arg4[%swap3A_389, %swap3A_390, %swap3A_391], %broadcast_in_dim3A_11 {strides = array<i32>} : memref<2x40x1024xf32, #tpu.memory_space<vmem>>, vector<16xf32>,
      %swap3A_393 = arith.constant 0 : i32
      %swap3A_394 = arith.index_cast %swap3A_393 : i32 to index
      %swap3A_395 = arith.index_cast %scan3A_192 : i32 to index
      %swap3A_396 = arith.constant 640 : index
      %swap3A_397 = tpu.vector_load %arg4[%swap3A_394, %swap3A_395, %swap3A_396] {strides = array<i32>} : memref<2x40x1024xf32, #tpu.memory_space<vmem>>, vector<16xf32>,
      tpu.vector_store %arg4[%swap3A_394, %swap3A_395, %swap3A_396], %broadcast_in_dim3A_11 {strides = array<i32>} : memref<2x40x1024xf32, #tpu.memory_space<vmem>>, vector<16xf32>,
      %swap3A_398 = arith.constant 0 : i32
      %swap3A_399 = arith.index_cast %swap3A_398 : i32 to index
      %swap3A_400 = arith.index_cast %scan3A_192 : i32 to index
      %swap3A_401 = arith.constant 656 : index
      %swap3A_402 = tpu.vector_load %arg4[%swap3A_399, %swap3A_400, %swap3A_401] {strides = array<i32>} : memref<2x40x1024xf32, #tpu.memory_space<vmem>>, vector<16xf32>,
      tpu.vector_store %arg4[%swap3A_399, %swap3A_400, %swap3A_401], %broadcast_in_dim3A_11 {strides = array<i32>} : memref<2x40x1024xf32, #tpu.memory_space<vmem>>, vector<16xf32>,
      %swap3A_403 = arith.constant 0 : i32
      %swap3A_404 = arith.index_cast %swap3A_403 : i32 to index
      %swap3A_405 = arith.index_cast %scan3A_192 : i32 to index
      %swap3A_406 = arith.constant 672 : index
      %swap3A_407 = tpu.vector_load %arg4[%swap3A_404, %swap3A_405, %swap3A_406] {strides = array<i32>} : memref<2x40x1024xf32, #tpu.memory_space<vmem>>, vector<16xf32>,
      tpu.vector_store %arg4[%swap3A_404, %swap3A_405, %swap3A_406], %broadcast_in_dim3A_11 {strides = array<i32>} : memref<2x40x1024xf32, #tpu.memory_space<vmem>>, vector<16xf32>,
      %swap3A_408 = arith.constant 0 : i32
      %swap3A_409 = arith.index_cast %swap3A_408 : i32 to index
      %swap3A_410 = arith.index_cast %scan3A_192 : i32 to index
      %swap3A_411 = arith.constant 688 : index
      %swap3A_412 = tpu.vector_load %arg4[%swap3A_409, %swap3A_410, %swap3A_411] {strides = array<i32>} : memref<2x40x1024xf32, #tpu.memory_space<vmem>>, vector<16xf32>,
      tpu.vector_store %arg4[%swap3A_409, %swap3A_410, %swap3A_411], %broadcast_in_dim3A_11 {strides = array<i32>} : memref<2x40x1024xf32, #tpu.memory_space<vmem>>, vector<16xf32>,
      %swap3A_413 = arith.constant 0 : i32
      %swap3A_414 = arith.index_cast %swap3A_413 : i32 to index
      %swap3A_415 = arith.index_cast %scan3A_192 : i32 to index
      %swap3A_416 = arith.constant 704 : index
      %swap3A_417 = tpu.vector_load %arg4[%swap3A_414, %swap3A_415, %swap3A_416] {strides = array<i32>} : memref<2x40x1024xf32, #tpu.memory_space<vmem>>, vector<16xf32>,
      tpu.vector_store %arg4[%swap3A_414, %swap3A_415, %swap3A_416], %broadcast_in_dim3A_11 {strides = array<i32>} : memref<2x40x1024xf32, #tpu.memory_space<vmem>>, vector<16xf32>,
      %swap3A_418 = arith.constant 0 : i32
      %swap3A_419 = arith.index_cast %swap3A_418 : i32 to index
      %swap3A_420 = arith.index_cast %scan3A_192 : i32 to index
      %swap3A_421 = arith.constant 720 : index
      %swap3A_422 = tpu.vector_load %arg4[%swap3A_419, %swap3A_420, %swap3A_421] {strides = array<i32>} : memref<2x40x1024xf32, #tpu.memory_space<vmem>>, vector<16xf32>,
      tpu.vector_store %arg4[%swap3A_419, %swap3A_420, %swap3A_421], %broadcast_in_dim3A_11 {strides = array<i32>} : memref<2x40x1024xf32, #tpu.memory_space<vmem>>, vector<16xf32>,
      %swap3A_423 = arith.constant 0 : i32
      %swap3A_424 = arith.index_cast %swap3A_423 : i32 to index
      %swap3A_425 = arith.index_cast %scan3A_192 : i32 to index
      %swap3A_426 = arith.constant 736 : index
      %swap3A_427 = tpu.vector_load %arg4[%swap3A_424, %swap3A_425, %swap3A_426] {strides = array<i32>} : memref<2x40x1024xf32, #tpu.memory_space<vmem>>, vector<16xf32>,
      tpu.vector_store %arg4[%swap3A_424, %swap3A_425, %swap3A_426], %broadcast_in_dim3A_11 {strides = array<i32>} : memref<2x40x1024xf32, #tpu.memory_space<vmem>>, vector<16xf32>,
      %swap3A_428 = arith.constant 0 : i32
      %swap3A_429 = arith.index_cast %swap3A_428 : i32 to index
      %swap3A_430 = arith.index_cast %scan3A_192 : i32 to index
      %swap3A_431 = arith.constant 752 : index
      %swap3A_432 = tpu.vector_load %arg4[%swap3A_429, %swap3A_430, %swap3A_431] {strides = array<i32>} : memref<2x40x1024xf32, #tpu.memory_space<vmem>>, vector<16xf32>,
      tpu.vector_store %arg4[%swap3A_429, %swap3A_430, %swap3A_431], %broadcast_in_dim3A_11 {strides = array<i32>} : memref<2x40x1024xf32, #tpu.memory_space<vmem>>, vector<16xf32>,
      %swap3A_433 = arith.constant 0 : i32
      %swap3A_434 = arith.index_cast %swap3A_433 : i32 to index
      %swap3A_435 = arith.index_cast %scan3A_192 : i32 to index
      %swap3A_436 = arith.constant 768 : index
      %swap3A_437 = tpu.vector_load %arg4[%swap3A_434, %swap3A_435, %swap3A_436] {strides = array<i32>} : memref<2x40x1024xf32, #tpu.memory_space<vmem>>, vector<16xf32>,
      tpu.vector_store %arg4[%swap3A_434, %swap3A_435, %swap3A_436], %broadcast_in_dim3A_11 {strides = array<i32>} : memref<2x40x1024xf32, #tpu.memory_space<vmem>>, vector<16xf32>,
      %swap3A_438 = arith.constant 0 : i32
      %swap3A_439 = arith.index_cast %swap3A_438 : i32 to index
      %swap3A_440 = arith.index_cast %scan3A_192 : i32 to index
      %swap3A_441 = arith.constant 784 : index
      %swap3A_442 = tpu.vector_load %arg4[%swap3A_439, %swap3A_440, %swap3A_441] {strides = array<i32>} : memref<2x40x1024xf32, #tpu.memory_space<vmem>>, vector<16xf32>,
      tpu.vector_store %arg4[%swap3A_439, %swap3A_440, %swap3A_441], %broadcast_in_dim3A_11 {strides = array<i32>} : memref<2x40x1024xf32, #tpu.memory_space<vmem>>, vector<16xf32>,
      %swap3A_443 = arith.constant 0 : i32
      %swap3A_444 = arith.index_cast %swap3A_443 : i32 to index
      %swap3A_445 = arith.index_cast %scan3A_192 : i32 to index
      %swap3A_446 = arith.constant 800 : index
      %swap3A_447 = tpu.vector_load %arg4[%swap3A_444, %swap3A_445, %swap3A_446] {strides = array<i32>} : memref<2x40x1024xf32, #tpu.memory_space<vmem>>, vector<16xf32>,
      tpu.vector_store %arg4[%swap3A_444, %swap3A_445, %swap3A_446], %broadcast_in_dim3A_11 {strides = array<i32>} : memref<2x40x1024xf32, #tpu.memory_space<vmem>>, vector<16xf32>,
      %swap3A_448 = arith.constant 0 : i32
      %swap3A_449 = arith.index_cast %swap3A_448 : i32 to index
      %swap3A_450 = arith.index_cast %scan3A_192 : i32 to index
      %swap3A_451 = arith.constant 816 : index
      %swap3A_452 = tpu.vector_load %arg4[%swap3A_449, %swap3A_450, %swap3A_451] {strides = array<i32>} : memref<2x40x1024xf32, #tpu.memory_space<vmem>>, vector<16xf32>,
      tpu.vector_store %arg4[%swap3A_449, %swap3A_450, %swap3A_451], %broadcast_in_dim3A_11 {strides = array<i32>} : memref<2x40x1024xf32, #tpu.memory_space<vmem>>, vector<16xf32>,
      %swap3A_453 = arith.constant 0 : i32
      %swap3A_454 = arith.index_cast %swap3A_453 : i32 to index
      %swap3A_455 = arith.index_cast %scan3A_192 : i32 to index
      %swap3A_456 = arith.constant 832 : index
      %swap3A_457 = tpu.vector_load %arg4[%swap3A_454, %swap3A_455, %swap3A_456] {strides = array<i32>} : memref<2x40x1024xf32, #tpu.memory_space<vmem>>, vector<16xf32>,
      tpu.vector_store %arg4[%swap3A_454, %swap3A_455, %swap3A_456], %broadcast_in_dim3A_11 {strides = array<i32>} : memref<2x40x1024xf32, #tpu.memory_space<vmem>>, vector<16xf32>,
      %swap3A_458 = arith.constant 0 : i32
      %swap3A_459 = arith.index_cast %swap3A_458 : i32 to index
      %swap3A_460 = arith.index_cast %scan3A_192 : i32 to index
      %swap3A_461 = arith.constant 848 : index
      %swap3A_462 = tpu.vector_load %arg4[%swap3A_459, %swap3A_460, %swap3A_461] {strides = array<i32>} : memref<2x40x1024xf32, #tpu.memory_space<vmem>>, vector<16xf32>,
      tpu.vector_store %arg4[%swap3A_459, %swap3A_460, %swap3A_461], %broadcast_in_dim3A_11 {strides = array<i32>} : memref<2x40x1024xf32, #tpu.memory_space<vmem>>, vector<16xf32>,
      %swap3A_463 = arith.constant 0 : i32
      %swap3A_464 = arith.index_cast %swap3A_463 : i32 to index
      %swap3A_465 = arith.index_cast %scan3A_192 : i32 to index
      %swap3A_466 = arith.constant 864 : index
      %swap3A_467 = tpu.vector_load %arg4[%swap3A_464, %swap3A_465, %swap3A_466] {strides = array<i32>} : memref<2x40x1024xf32, #tpu.memory_space<vmem>>, vector<16xf32>,
      tpu.vector_store %arg4[%swap3A_464, %swap3A_465, %swap3A_466], %broadcast_in_dim3A_11 {strides = array<i32>} : memref<2x40x1024xf32, #tpu.memory_space<vmem>>, vector<16xf32>,
      %swap3A_468 = arith.constant 0 : i32
      %swap3A_469 = arith.index_cast %swap3A_468 : i32 to index
      %swap3A_470 = arith.index_cast %scan3A_192 : i32 to index
      %swap3A_471 = arith.constant 880 : index
      %swap3A_472 = tpu.vector_load %arg4[%swap3A_469, %swap3A_470, %swap3A_471] {strides = array<i32>} : memref<2x40x1024xf32, #tpu.memory_space<vmem>>, vector<16xf32>,
      tpu.vector_store %arg4[%swap3A_469, %swap3A_470, %swap3A_471], %broadcast_in_dim3A_11 {strides = array<i32>} : memref<2x40x1024xf32, #tpu.memory_space<vmem>>, vector<16xf32>,
      %swap3A_473 = arith.constant 0 : i32
      %swap3A_474 = arith.index_cast %swap3A_473 : i32 to index
      %swap3A_475 = arith.index_cast %scan3A_192 : i32 to index
      %swap3A_476 = arith.constant 896 : index
      %swap3A_477 = tpu.vector_load %arg4[%swap3A_474, %swap3A_475, %swap3A_476] {strides = array<i32>} : memref<2x40x1024xf32, #tpu.memory_space<vmem>>, vector<16xf32>,
      tpu.vector_store %arg4[%swap3A_474, %swap3A_475, %swap3A_476], %broadcast_in_dim3A_11 {strides = array<i32>} : memref<2x40x1024xf32, #tpu.memory_space<vmem>>, vector<16xf32>,
      %swap3A_478 = arith.constant 0 : i32
      %swap3A_479 = arith.index_cast %swap3A_478 : i32 to index
      %swap3A_480 = arith.index_cast %scan3A_192 : i32 to index
      %swap3A_481 = arith.constant 912 : index
      %swap3A_482 = tpu.vector_load %arg4[%swap3A_479, %swap3A_480, %swap3A_481] {strides = array<i32>} : memref<2x40x1024xf32, #tpu.memory_space<vmem>>, vector<16xf32>,
      tpu.vector_store %arg4[%swap3A_479, %swap3A_480, %swap3A_481], %broadcast_in_dim3A_11 {strides = array<i32>} : memref<2x40x1024xf32, #tpu.memory_space<vmem>>, vector<16xf32>,
      %swap3A_483 = arith.constant 0 : i32
      %swap3A_484 = arith.index_cast %swap3A_483 : i32 to index
      %swap3A_485 = arith.index_cast %scan3A_192 : i32 to index
      %swap3A_486 = arith.constant 928 : index
      %swap3A_487 = tpu.vector_load %arg4[%swap3A_484, %swap3A_485, %swap3A_486] {strides = array<i32>} : memref<2x40x1024xf32, #tpu.memory_space<vmem>>, vector<16xf32>,
      tpu.vector_store %arg4[%swap3A_484, %swap3A_485, %swap3A_486], %broadcast_in_dim3A_11 {strides = array<i32>} : memref<2x40x1024xf32, #tpu.memory_space<vmem>>, vector<16xf32>,
      %swap3A_488 = arith.constant 0 : i32
      %swap3A_489 = arith.index_cast %swap3A_488 : i32 to index
      %swap3A_490 = arith.index_cast %scan3A_192 : i32 to index
      %swap3A_491 = arith.constant 944 : index
      %swap3A_492 = tpu.vector_load %arg4[%swap3A_489, %swap3A_490, %swap3A_491] {strides = array<i32>} : memref<2x40x1024xf32, #tpu.memory_space<vmem>>, vector<16xf32>,
      tpu.vector_store %arg4[%swap3A_489, %swap3A_490, %swap3A_491], %broadcast_in_dim3A_11 {strides = array<i32>} : memref<2x40x1024xf32, #tpu.memory_space<vmem>>, vector<16xf32>,
      %swap3A_493 = arith.constant 0 : i32
      %swap3A_494 = arith.index_cast %swap3A_493 : i32 to index
      %swap3A_495 = arith.index_cast %scan3A_192 : i32 to index
      %swap3A_496 = arith.constant 960 : index
      %swap3A_497 = tpu.vector_load %arg4[%swap3A_494, %swap3A_495, %swap3A_496] {strides = array<i32>} : memref<2x40x1024xf32, #tpu.memory_space<vmem>>, vector<16xf32>,
      tpu.vector_store %arg4[%swap3A_494, %swap3A_495, %swap3A_496], %broadcast_in_dim3A_11 {strides = array<i32>} : memref<2x40x1024xf32, #tpu.memory_space<vmem>>, vector<16xf32>,
      %swap3A_498 = arith.constant 0 : i32
      %swap3A_499 = arith.index_cast %swap3A_498 : i32 to index
      %swap3A_500 = arith.index_cast %scan3A_192 : i32 to index
      %swap3A_501 = arith.constant 976 : index
      %swap3A_502 = tpu.vector_load %arg4[%swap3A_499, %swap3A_500, %swap3A_501] {strides = array<i32>} : memref<2x40x1024xf32, #tpu.memory_space<vmem>>, vector<16xf32>,
      tpu.vector_store %arg4[%swap3A_499, %swap3A_500, %swap3A_501], %broadcast_in_dim3A_11 {strides = array<i32>} : memref<2x40x1024xf32, #tpu.memory_space<vmem>>, vector<16xf32>,
      %swap3A_503 = arith.constant 0 : i32
      %swap3A_504 = arith.index_cast %swap3A_503 : i32 to index
      %swap3A_505 = arith.index_cast %scan3A_192 : i32 to index
      %swap3A_506 = arith.constant 992 : index
      %swap3A_507 = tpu.vector_load %arg4[%swap3A_504, %swap3A_505, %swap3A_506] {strides = array<i32>} : memref<2x40x1024xf32, #tpu.memory_space<vmem>>, vector<16xf32>,
      tpu.vector_store %arg4[%swap3A_504, %swap3A_505, %swap3A_506], %broadcast_in_dim3A_11 {strides = array<i32>} : memref<2x40x1024xf32, #tpu.memory_space<vmem>>, vector<16xf32>,
      %swap3A_508 = arith.constant 0 : i32
      %swap3A_509 = arith.index_cast %swap3A_508 : i32 to index
      %swap3A_510 = arith.index_cast %scan3A_192 : i32 to index
      %swap3A_511 = arith.constant 1008 : index
      %swap3A_512 = tpu.vector_load %arg4[%swap3A_509, %swap3A_510, %swap3A_511] {strides = array<i32>} : memref<2x40x1024xf32, #tpu.memory_space<vmem>>, vector<16xf32>,
      tpu.vector_store %arg4[%swap3A_509, %swap3A_510, %swap3A_511], %broadcast_in_dim3A_11 {strides = array<i32>} : memref<2x40x1024xf32, #tpu.memory_space<vmem>>, vector<16xf32>,
      %scan3A_513 = arith.constant 0 : i32
      scf.yield %scan3A_513 : i32
    }
    %scan3A_17 = arith.constant 40 : i32
    %scan3A_18 = arith.constant 0 : i32
    %scan3A_19 = arith.constant 0 : i32
    %scan3A_20 = arith.constant 40 : i32
    %scan3A_21 = arith.addi %scan3A_19, %scan3A_20 : i32
    %scan3A_22 = arith.constant 1 : i32
    %scan3A_23 = scf.for %scan3A_192 = %scan3A_19 to %scan3A_21 step %scan3A_22 iter_args(%scan3A_193 = %scan3A_18) -> (i32)  : i32 {
      %swap3A = arith.constant 1 : i32
      %swap3A_194 = arith.index_cast %swap3A : i32 to index
      %swap3A_195 = arith.index_cast %scan3A_192 : i32 to index
      %swap3A_196 = arith.constant 0 : index
      %swap3A_197 = tpu.vector_load %arg4[%swap3A_194, %swap3A_195, %swap3A_196] {strides = array<i32>} : memref<2x40x1024xf32, #tpu.memory_space<vmem>>, vector<16xf32>,
      tpu.vector_store %arg4[%swap3A_194, %swap3A_195, %swap3A_196], %broadcast_in_dim3A_11 {strides = array<i32>} : memref<2x40x1024xf32, #tpu.memory_space<vmem>>, vector<16xf32>,
      %swap3A_198 = arith.constant 1 : i32
      %swap3A_199 = arith.index_cast %swap3A_198 : i32 to index
      %swap3A_200 = arith.index_cast %scan3A_192 : i32 to index
      %swap3A_201 = arith.constant 16 : index
      %swap3A_202 = tpu.vector_load %arg4[%swap3A_199, %swap3A_200, %swap3A_201] {strides = array<i32>} : memref<2x40x1024xf32, #tpu.memory_space<vmem>>, vector<16xf32>,
      tpu.vector_store %arg4[%swap3A_199, %swap3A_200, %swap3A_201], %broadcast_in_dim3A_11 {strides = array<i32>} : memref<2x40x1024xf32, #tpu.memory_space<vmem>>, vector<16xf32>,
      %swap3A_203 = arith.constant 1 : i32
      %swap3A_204 = arith.index_cast %swap3A_203 : i32 to index
      %swap3A_205 = arith.index_cast %scan3A_192 : i32 to index
      %swap3A_206 = arith.constant 32 : index
      %swap3A_207 = tpu.vector_load %arg4[%swap3A_204, %swap3A_205, %swap3A_206] {strides = array<i32>} : memref<2x40x1024xf32, #tpu.memory_space<vmem>>, vector<16xf32>,
      tpu.vector_store %arg4[%swap3A_204, %swap3A_205, %swap3A_206], %broadcast_in_dim3A_11 {strides = array<i32>} : memref<2x40x1024xf32, #tpu.memory_space<vmem>>, vector<16xf32>,
      %swap3A_208 = arith.constant 1 : i32
      %swap3A_209 = arith.index_cast %swap3A_208 : i32 to index
      %swap3A_210 = arith.index_cast %scan3A_192 : i32 to index
      %swap3A_211 = arith.constant 48 : index
      %swap3A_212 = tpu.vector_load %arg4[%swap3A_209, %swap3A_210, %swap3A_211] {strides = array<i32>} : memref<2x40x1024xf32, #tpu.memory_space<vmem>>, vector<16xf32>,
      tpu.vector_store %arg4[%swap3A_209, %swap3A_210, %swap3A_211], %broadcast_in_dim3A_11 {strides = array<i32>} : memref<2x40x1024xf32, #tpu.memory_space<vmem>>, vector<16xf32>,
      %swap3A_213 = arith.constant 1 : i32
      %swap3A_214 = arith.index_cast %swap3A_213 : i32 to index
      %swap3A_215 = arith.index_cast %scan3A_192 : i32 to index
      %swap3A_216 = arith.constant 64 : index
      %swap3A_217 = tpu.vector_load %arg4[%swap3A_214, %swap3A_215, %swap3A_216] {strides = array<i32>} : memref<2x40x1024xf32, #tpu.memory_space<vmem>>, vector<16xf32>,
      tpu.vector_store %arg4[%swap3A_214, %swap3A_215, %swap3A_216], %broadcast_in_dim3A_11 {strides = array<i32>} : memref<2x40x1024xf32, #tpu.memory_space<vmem>>, vector<16xf32>,
      %swap3A_218 = arith.constant 1 : i32
      %swap3A_219 = arith.index_cast %swap3A_218 : i32 to index
      %swap3A_220 = arith.index_cast %scan3A_192 : i32 to index
      %swap3A_221 = arith.constant 80 : index
      %swap3A_222 = tpu.vector_load %arg4[%swap3A_219, %swap3A_220, %swap3A_221] {strides = array<i32>} : memref<2x40x1024xf32, #tpu.memory_space<vmem>>, vector<16xf32>,
      tpu.vector_store %arg4[%swap3A_219, %swap3A_220, %swap3A_221], %broadcast_in_dim3A_11 {strides = array<i32>} : memref<2x40x1024xf32, #tpu.memory_space<vmem>>, vector<16xf32>,
      %swap3A_223 = arith.constant 1 : i32
      %swap3A_224 = arith.index_cast %swap3A_223 : i32 to index
      %swap3A_225 = arith.index_cast %scan3A_192 : i32 to index
      %swap3A_226 = arith.constant 96 : index
      %swap3A_227 = tpu.vector_load %arg4[%swap3A_224, %swap3A_225, %swap3A_226] {strides = array<i32>} : memref<2x40x1024xf32, #tpu.memory_space<vmem>>, vector<16xf32>,
      tpu.vector_store %arg4[%swap3A_224, %swap3A_225, %swap3A_226], %broadcast_in_dim3A_11 {strides = array<i32>} : memref<2x40x1024xf32, #tpu.memory_space<vmem>>, vector<16xf32>,
      %swap3A_228 = arith.constant 1 : i32
      %swap3A_229 = arith.index_cast %swap3A_228 : i32 to index
      %swap3A_230 = arith.index_cast %scan3A_192 : i32 to index
      %swap3A_231 = arith.constant 112 : index
      %swap3A_232 = tpu.vector_load %arg4[%swap3A_229, %swap3A_230, %swap3A_231] {strides = array<i32>} : memref<2x40x1024xf32, #tpu.memory_space<vmem>>, vector<16xf32>,
      tpu.vector_store %arg4[%swap3A_229, %swap3A_230, %swap3A_231], %broadcast_in_dim3A_11 {strides = array<i32>} : memref<2x40x1024xf32, #tpu.memory_space<vmem>>, vector<16xf32>,
      %swap3A_233 = arith.constant 1 : i32
      %swap3A_234 = arith.index_cast %swap3A_233 : i32 to index
      %swap3A_235 = arith.index_cast %scan3A_192 : i32 to index
      %swap3A_236 = arith.constant 128 : index
      %swap3A_237 = tpu.vector_load %arg4[%swap3A_234, %swap3A_235, %swap3A_236] {strides = array<i32>} : memref<2x40x1024xf32, #tpu.memory_space<vmem>>, vector<16xf32>,
      tpu.vector_store %arg4[%swap3A_234, %swap3A_235, %swap3A_236], %broadcast_in_dim3A_11 {strides = array<i32>} : memref<2x40x1024xf32, #tpu.memory_space<vmem>>, vector<16xf32>,
      %swap3A_238 = arith.constant 1 : i32
      %swap3A_239 = arith.index_cast %swap3A_238 : i32 to index
      %swap3A_240 = arith.index_cast %scan3A_192 : i32 to index
      %swap3A_241 = arith.constant 144 : index
      %swap3A_242 = tpu.vector_load %arg4[%swap3A_239, %swap3A_240, %swap3A_241] {strides = array<i32>} : memref<2x40x1024xf32, #tpu.memory_space<vmem>>, vector<16xf32>,
      tpu.vector_store %arg4[%swap3A_239, %swap3A_240, %swap3A_241], %broadcast_in_dim3A_11 {strides = array<i32>} : memref<2x40x1024xf32, #tpu.memory_space<vmem>>, vector<16xf32>,
      %swap3A_243 = arith.constant 1 : i32
      %swap3A_244 = arith.index_cast %swap3A_243 : i32 to index
      %swap3A_245 = arith.index_cast %scan3A_192 : i32 to index
      %swap3A_246 = arith.constant 160 : index
      %swap3A_247 = tpu.vector_load %arg4[%swap3A_244, %swap3A_245, %swap3A_246] {strides = array<i32>} : memref<2x40x1024xf32, #tpu.memory_space<vmem>>, vector<16xf32>,
      tpu.vector_store %arg4[%swap3A_244, %swap3A_245, %swap3A_246], %broadcast_in_dim3A_11 {strides = array<i32>} : memref<2x40x1024xf32, #tpu.memory_space<vmem>>, vector<16xf32>,
      %swap3A_248 = arith.constant 1 : i32
      %swap3A_249 = arith.index_cast %swap3A_248 : i32 to index
      %swap3A_250 = arith.index_cast %scan3A_192 : i32 to index
      %swap3A_251 = arith.constant 176 : index
      %swap3A_252 = tpu.vector_load %arg4[%swap3A_249, %swap3A_250, %swap3A_251] {strides = array<i32>} : memref<2x40x1024xf32, #tpu.memory_space<vmem>>, vector<16xf32>,
      tpu.vector_store %arg4[%swap3A_249, %swap3A_250, %swap3A_251], %broadcast_in_dim3A_11 {strides = array<i32>} : memref<2x40x1024xf32, #tpu.memory_space<vmem>>, vector<16xf32>,
      %swap3A_253 = arith.constant 1 : i32
      %swap3A_254 = arith.index_cast %swap3A_253 : i32 to index
      %swap3A_255 = arith.index_cast %scan3A_192 : i32 to index
      %swap3A_256 = arith.constant 192 : index
      %swap3A_257 = tpu.vector_load %arg4[%swap3A_254, %swap3A_255, %swap3A_256] {strides = array<i32>} : memref<2x40x1024xf32, #tpu.memory_space<vmem>>, vector<16xf32>,
      tpu.vector_store %arg4[%swap3A_254, %swap3A_255, %swap3A_256], %broadcast_in_dim3A_11 {strides = array<i32>} : memref<2x40x1024xf32, #tpu.memory_space<vmem>>, vector<16xf32>,
      %swap3A_258 = arith.constant 1 : i32
      %swap3A_259 = arith.index_cast %swap3A_258 : i32 to index
      %swap3A_260 = arith.index_cast %scan3A_192 : i32 to index
      %swap3A_261 = arith.constant 208 : index
      %swap3A_262 = tpu.vector_load %arg4[%swap3A_259, %swap3A_260, %swap3A_261] {strides = array<i32>} : memref<2x40x1024xf32, #tpu.memory_space<vmem>>, vector<16xf32>,
      tpu.vector_store %arg4[%swap3A_259, %swap3A_260, %swap3A_261], %broadcast_in_dim3A_11 {strides = array<i32>} : memref<2x40x1024xf32, #tpu.memory_space<vmem>>, vector<16xf32>,
      %swap3A_263 = arith.constant 1 : i32
      %swap3A_264 = arith.index_cast %swap3A_263 : i32 to index
      %swap3A_265 = arith.index_cast %scan3A_192 : i32 to index
      %swap3A_266 = arith.constant 224 : index
      %swap3A_267 = tpu.vector_load %arg4[%swap3A_264, %swap3A_265, %swap3A_266] {strides = array<i32>} : memref<2x40x1024xf32, #tpu.memory_space<vmem>>, vector<16xf32>,
      tpu.vector_store %arg4[%swap3A_264, %swap3A_265, %swap3A_266], %broadcast_in_dim3A_11 {strides = array<i32>} : memref<2x40x1024xf32, #tpu.memory_space<vmem>>, vector<16xf32>,
      %swap3A_268 = arith.constant 1 : i32
      %swap3A_269 = arith.index_cast %swap3A_268 : i32 to index
      %swap3A_270 = arith.index_cast %scan3A_192 : i32 to index
      %swap3A_271 = arith.constant 240 : index
      %swap3A_272 = tpu.vector_load %arg4[%swap3A_269, %swap3A_270, %swap3A_271] {strides = array<i32>} : memref<2x40x1024xf32, #tpu.memory_space<vmem>>, vector<16xf32>,
      tpu.vector_store %arg4[%swap3A_269, %swap3A_270, %swap3A_271], %broadcast_in_dim3A_11 {strides = array<i32>} : memref<2x40x1024xf32, #tpu.memory_space<vmem>>, vector<16xf32>,
      %swap3A_273 = arith.constant 1 : i32
      %swap3A_274 = arith.index_cast %swap3A_273 : i32 to index
      %swap3A_275 = arith.index_cast %scan3A_192 : i32 to index
      %swap3A_276 = arith.constant 256 : index
      %swap3A_277 = tpu.vector_load %arg4[%swap3A_274, %swap3A_275, %swap3A_276] {strides = array<i32>} : memref<2x40x1024xf32, #tpu.memory_space<vmem>>, vector<16xf32>,
      tpu.vector_store %arg4[%swap3A_274, %swap3A_275, %swap3A_276], %broadcast_in_dim3A_11 {strides = array<i32>} : memref<2x40x1024xf32, #tpu.memory_space<vmem>>, vector<16xf32>,
      %swap3A_278 = arith.constant 1 : i32
      %swap3A_279 = arith.index_cast %swap3A_278 : i32 to index
      %swap3A_280 = arith.index_cast %scan3A_192 : i32 to index
      %swap3A_281 = arith.constant 272 : index
      %swap3A_282 = tpu.vector_load %arg4[%swap3A_279, %swap3A_280, %swap3A_281] {strides = array<i32>} : memref<2x40x1024xf32, #tpu.memory_space<vmem>>, vector<16xf32>,
      tpu.vector_store %arg4[%swap3A_279, %swap3A_280, %swap3A_281], %broadcast_in_dim3A_11 {strides = array<i32>} : memref<2x40x1024xf32, #tpu.memory_space<vmem>>, vector<16xf32>,
      %swap3A_283 = arith.constant 1 : i32
      %swap3A_284 = arith.index_cast %swap3A_283 : i32 to index
      %swap3A_285 = arith.index_cast %scan3A_192 : i32 to index
      %swap3A_286 = arith.constant 288 : index
      %swap3A_287 = tpu.vector_load %arg4[%swap3A_284, %swap3A_285, %swap3A_286] {strides = array<i32>} : memref<2x40x1024xf32, #tpu.memory_space<vmem>>, vector<16xf32>,
      tpu.vector_store %arg4[%swap3A_284, %swap3A_285, %swap3A_286], %broadcast_in_dim3A_11 {strides = array<i32>} : memref<2x40x1024xf32, #tpu.memory_space<vmem>>, vector<16xf32>,
      %swap3A_288 = arith.constant 1 : i32
      %swap3A_289 = arith.index_cast %swap3A_288 : i32 to index
      %swap3A_290 = arith.index_cast %scan3A_192 : i32 to index
      %swap3A_291 = arith.constant 304 : index
      %swap3A_292 = tpu.vector_load %arg4[%swap3A_289, %swap3A_290, %swap3A_291] {strides = array<i32>} : memref<2x40x1024xf32, #tpu.memory_space<vmem>>, vector<16xf32>,
      tpu.vector_store %arg4[%swap3A_289, %swap3A_290, %swap3A_291], %broadcast_in_dim3A_11 {strides = array<i32>} : memref<2x40x1024xf32, #tpu.memory_space<vmem>>, vector<16xf32>,
      %swap3A_293 = arith.constant 1 : i32
      %swap3A_294 = arith.index_cast %swap3A_293 : i32 to index
      %swap3A_295 = arith.index_cast %scan3A_192 : i32 to index
      %swap3A_296 = arith.constant 320 : index
      %swap3A_297 = tpu.vector_load %arg4[%swap3A_294, %swap3A_295, %swap3A_296] {strides = array<i32>} : memref<2x40x1024xf32, #tpu.memory_space<vmem>>, vector<16xf32>,
      tpu.vector_store %arg4[%swap3A_294, %swap3A_295, %swap3A_296], %broadcast_in_dim3A_11 {strides = array<i32>} : memref<2x40x1024xf32, #tpu.memory_space<vmem>>, vector<16xf32>,
      %swap3A_298 = arith.constant 1 : i32
      %swap3A_299 = arith.index_cast %swap3A_298 : i32 to index
      %swap3A_300 = arith.index_cast %scan3A_192 : i32 to index
      %swap3A_301 = arith.constant 336 : index
      %swap3A_302 = tpu.vector_load %arg4[%swap3A_299, %swap3A_300, %swap3A_301] {strides = array<i32>} : memref<2x40x1024xf32, #tpu.memory_space<vmem>>, vector<16xf32>,
      tpu.vector_store %arg4[%swap3A_299, %swap3A_300, %swap3A_301], %broadcast_in_dim3A_11 {strides = array<i32>} : memref<2x40x1024xf32, #tpu.memory_space<vmem>>, vector<16xf32>,
      %swap3A_303 = arith.constant 1 : i32
      %swap3A_304 = arith.index_cast %swap3A_303 : i32 to index
      %swap3A_305 = arith.index_cast %scan3A_192 : i32 to index
      %swap3A_306 = arith.constant 352 : index
      %swap3A_307 = tpu.vector_load %arg4[%swap3A_304, %swap3A_305, %swap3A_306] {strides = array<i32>} : memref<2x40x1024xf32, #tpu.memory_space<vmem>>, vector<16xf32>,
      tpu.vector_store %arg4[%swap3A_304, %swap3A_305, %swap3A_306], %broadcast_in_dim3A_11 {strides = array<i32>} : memref<2x40x1024xf32, #tpu.memory_space<vmem>>, vector<16xf32>,
      %swap3A_308 = arith.constant 1 : i32
      %swap3A_309 = arith.index_cast %swap3A_308 : i32 to index
      %swap3A_310 = arith.index_cast %scan3A_192 : i32 to index
      %swap3A_311 = arith.constant 368 : index
      %swap3A_312 = tpu.vector_load %arg4[%swap3A_309, %swap3A_310, %swap3A_311] {strides = array<i32>} : memref<2x40x1024xf32, #tpu.memory_space<vmem>>, vector<16xf32>,
      tpu.vector_store %arg4[%swap3A_309, %swap3A_310, %swap3A_311], %broadcast_in_dim3A_11 {strides = array<i32>} : memref<2x40x1024xf32, #tpu.memory_space<vmem>>, vector<16xf32>,
      %swap3A_313 = arith.constant 1 : i32
      %swap3A_314 = arith.index_cast %swap3A_313 : i32 to index
      %swap3A_315 = arith.index_cast %scan3A_192 : i32 to index
      %swap3A_316 = arith.constant 384 : index
      %swap3A_317 = tpu.vector_load %arg4[%swap3A_314, %swap3A_315, %swap3A_316] {strides = array<i32>} : memref<2x40x1024xf32, #tpu.memory_space<vmem>>, vector<16xf32>,
      tpu.vector_store %arg4[%swap3A_314, %swap3A_315, %swap3A_316], %broadcast_in_dim3A_11 {strides = array<i32>} : memref<2x40x1024xf32, #tpu.memory_space<vmem>>, vector<16xf32>,
      %swap3A_318 = arith.constant 1 : i32
      %swap3A_319 = arith.index_cast %swap3A_318 : i32 to index
      %swap3A_320 = arith.index_cast %scan3A_192 : i32 to index
      %swap3A_321 = arith.constant 400 : index
      %swap3A_322 = tpu.vector_load %arg4[%swap3A_319, %swap3A_320, %swap3A_321] {strides = array<i32>} : memref<2x40x1024xf32, #tpu.memory_space<vmem>>, vector<16xf32>,
      tpu.vector_store %arg4[%swap3A_319, %swap3A_320, %swap3A_321], %broadcast_in_dim3A_11 {strides = array<i32>} : memref<2x40x1024xf32, #tpu.memory_space<vmem>>, vector<16xf32>,
      %swap3A_323 = arith.constant 1 : i32
      %swap3A_324 = arith.index_cast %swap3A_323 : i32 to index
      %swap3A_325 = arith.index_cast %scan3A_192 : i32 to index
      %swap3A_326 = arith.constant 416 : index
      %swap3A_327 = tpu.vector_load %arg4[%swap3A_324, %swap3A_325, %swap3A_326] {strides = array<i32>} : memref<2x40x1024xf32, #tpu.memory_space<vmem>>, vector<16xf32>,
      tpu.vector_store %arg4[%swap3A_324, %swap3A_325, %swap3A_326], %broadcast_in_dim3A_11 {strides = array<i32>} : memref<2x40x1024xf32, #tpu.memory_space<vmem>>, vector<16xf32>,
      %swap3A_328 = arith.constant 1 : i32
      %swap3A_329 = arith.index_cast %swap3A_328 : i32 to index
      %swap3A_330 = arith.index_cast %scan3A_192 : i32 to index
      %swap3A_331 = arith.constant 432 : index
      %swap3A_332 = tpu.vector_load %arg4[%swap3A_329, %swap3A_330, %swap3A_331] {strides = array<i32>} : memref<2x40x1024xf32, #tpu.memory_space<vmem>>, vector<16xf32>,
      tpu.vector_store %arg4[%swap3A_329, %swap3A_330, %swap3A_331], %broadcast_in_dim3A_11 {strides = array<i32>} : memref<2x40x1024xf32, #tpu.memory_space<vmem>>, vector<16xf32>,
      %swap3A_333 = arith.constant 1 : i32
      %swap3A_334 = arith.index_cast %swap3A_333 : i32 to index
      %swap3A_335 = arith.index_cast %scan3A_192 : i32 to index
      %swap3A_336 = arith.constant 448 : index
      %swap3A_337 = tpu.vector_load %arg4[%swap3A_334, %swap3A_335, %swap3A_336] {strides = array<i32>} : memref<2x40x1024xf32, #tpu.memory_space<vmem>>, vector<16xf32>,
      tpu.vector_store %arg4[%swap3A_334, %swap3A_335, %swap3A_336], %broadcast_in_dim3A_11 {strides = array<i32>} : memref<2x40x1024xf32, #tpu.memory_space<vmem>>, vector<16xf32>,
      %swap3A_338 = arith.constant 1 : i32
      %swap3A_339 = arith.index_cast %swap3A_338 : i32 to index
      %swap3A_340 = arith.index_cast %scan3A_192 : i32 to index
      %swap3A_341 = arith.constant 464 : index
      %swap3A_342 = tpu.vector_load %arg4[%swap3A_339, %swap3A_340, %swap3A_341] {strides = array<i32>} : memref<2x40x1024xf32, #tpu.memory_space<vmem>>, vector<16xf32>,
      tpu.vector_store %arg4[%swap3A_339, %swap3A_340, %swap3A_341], %broadcast_in_dim3A_11 {strides = array<i32>} : memref<2x40x1024xf32, #tpu.memory_space<vmem>>, vector<16xf32>,
      %swap3A_343 = arith.constant 1 : i32
      %swap3A_344 = arith.index_cast %swap3A_343 : i32 to index
      %swap3A_345 = arith.index_cast %scan3A_192 : i32 to index
      %swap3A_346 = arith.constant 480 : index
      %swap3A_347 = tpu.vector_load %arg4[%swap3A_344, %swap3A_345, %swap3A_346] {strides = array<i32>} : memref<2x40x1024xf32, #tpu.memory_space<vmem>>, vector<16xf32>,
      tpu.vector_store %arg4[%swap3A_344, %swap3A_345, %swap3A_346], %broadcast_in_dim3A_11 {strides = array<i32>} : memref<2x40x1024xf32, #tpu.memory_space<vmem>>, vector<16xf32>,
      %swap3A_348 = arith.constant 1 : i32
      %swap3A_349 = arith.index_cast %swap3A_348 : i32 to index
      %swap3A_350 = arith.index_cast %scan3A_192 : i32 to index
      %swap3A_351 = arith.constant 496 : index
      %swap3A_352 = tpu.vector_load %arg4[%swap3A_349, %swap3A_350, %swap3A_351] {strides = array<i32>} : memref<2x40x1024xf32, #tpu.memory_space<vmem>>, vector<16xf32>,
      tpu.vector_store %arg4[%swap3A_349, %swap3A_350, %swap3A_351], %broadcast_in_dim3A_11 {strides = array<i32>} : memref<2x40x1024xf32, #tpu.memory_space<vmem>>, vector<16xf32>,
      %swap3A_353 = arith.constant 1 : i32
      %swap3A_354 = arith.index_cast %swap3A_353 : i32 to index
      %swap3A_355 = arith.index_cast %scan3A_192 : i32 to index
      %swap3A_356 = arith.constant 512 : index
      %swap3A_357 = tpu.vector_load %arg4[%swap3A_354, %swap3A_355, %swap3A_356] {strides = array<i32>} : memref<2x40x1024xf32, #tpu.memory_space<vmem>>, vector<16xf32>,
      tpu.vector_store %arg4[%swap3A_354, %swap3A_355, %swap3A_356], %broadcast_in_dim3A_11 {strides = array<i32>} : memref<2x40x1024xf32, #tpu.memory_space<vmem>>, vector<16xf32>,
      %swap3A_358 = arith.constant 1 : i32
      %swap3A_359 = arith.index_cast %swap3A_358 : i32 to index
      %swap3A_360 = arith.index_cast %scan3A_192 : i32 to index
      %swap3A_361 = arith.constant 528 : index
      %swap3A_362 = tpu.vector_load %arg4[%swap3A_359, %swap3A_360, %swap3A_361] {strides = array<i32>} : memref<2x40x1024xf32, #tpu.memory_space<vmem>>, vector<16xf32>,
      tpu.vector_store %arg4[%swap3A_359, %swap3A_360, %swap3A_361], %broadcast_in_dim3A_11 {strides = array<i32>} : memref<2x40x1024xf32, #tpu.memory_space<vmem>>, vector<16xf32>,
      %swap3A_363 = arith.constant 1 : i32
      %swap3A_364 = arith.index_cast %swap3A_363 : i32 to index
      %swap3A_365 = arith.index_cast %scan3A_192 : i32 to index
      %swap3A_366 = arith.constant 544 : index
      %swap3A_367 = tpu.vector_load %arg4[%swap3A_364, %swap3A_365, %swap3A_366] {strides = array<i32>} : memref<2x40x1024xf32, #tpu.memory_space<vmem>>, vector<16xf32>,
      tpu.vector_store %arg4[%swap3A_364, %swap3A_365, %swap3A_366], %broadcast_in_dim3A_11 {strides = array<i32>} : memref<2x40x1024xf32, #tpu.memory_space<vmem>>, vector<16xf32>,
      %swap3A_368 = arith.constant 1 : i32
      %swap3A_369 = arith.index_cast %swap3A_368 : i32 to index
      %swap3A_370 = arith.index_cast %scan3A_192 : i32 to index
      %swap3A_371 = arith.constant 560 : index
      %swap3A_372 = tpu.vector_load %arg4[%swap3A_369, %swap3A_370, %swap3A_371] {strides = array<i32>} : memref<2x40x1024xf32, #tpu.memory_space<vmem>>, vector<16xf32>,
      tpu.vector_store %arg4[%swap3A_369, %swap3A_370, %swap3A_371], %broadcast_in_dim3A_11 {strides = array<i32>} : memref<2x40x1024xf32, #tpu.memory_space<vmem>>, vector<16xf32>,
      %swap3A_373 = arith.constant 1 : i32
      %swap3A_374 = arith.index_cast %swap3A_373 : i32 to index
      %swap3A_375 = arith.index_cast %scan3A_192 : i32 to index
      %swap3A_376 = arith.constant 576 : index
      %swap3A_377 = tpu.vector_load %arg4[%swap3A_374, %swap3A_375, %swap3A_376] {strides = array<i32>} : memref<2x40x1024xf32, #tpu.memory_space<vmem>>, vector<16xf32>,
      tpu.vector_store %arg4[%swap3A_374, %swap3A_375, %swap3A_376], %broadcast_in_dim3A_11 {strides = array<i32>} : memref<2x40x1024xf32, #tpu.memory_space<vmem>>, vector<16xf32>,
      %swap3A_378 = arith.constant 1 : i32
      %swap3A_379 = arith.index_cast %swap3A_378 : i32 to index
      %swap3A_380 = arith.index_cast %scan3A_192 : i32 to index
      %swap3A_381 = arith.constant 592 : index
      %swap3A_382 = tpu.vector_load %arg4[%swap3A_379, %swap3A_380, %swap3A_381] {strides = array<i32>} : memref<2x40x1024xf32, #tpu.memory_space<vmem>>, vector<16xf32>,
      tpu.vector_store %arg4[%swap3A_379, %swap3A_380, %swap3A_381], %broadcast_in_dim3A_11 {strides = array<i32>} : memref<2x40x1024xf32, #tpu.memory_space<vmem>>, vector<16xf32>,
      %swap3A_383 = arith.constant 1 : i32
      %swap3A_384 = arith.index_cast %swap3A_383 : i32 to index
      %swap3A_385 = arith.index_cast %scan3A_192 : i32 to index
      %swap3A_386 = arith.constant 608 : index
      %swap3A_387 = tpu.vector_load %arg4[%swap3A_384, %swap3A_385, %swap3A_386] {strides = array<i32>} : memref<2x40x1024xf32, #tpu.memory_space<vmem>>, vector<16xf32>,
      tpu.vector_store %arg4[%swap3A_384, %swap3A_385, %swap3A_386], %broadcast_in_dim3A_11 {strides = array<i32>} : memref<2x40x1024xf32, #tpu.memory_space<vmem>>, vector<16xf32>,
      %swap3A_388 = arith.constant 1 : i32
      %swap3A_389 = arith.index_cast %swap3A_388 : i32 to index
      %swap3A_390 = arith.index_cast %scan3A_192 : i32 to index
      %swap3A_391 = arith.constant 624 : index
      %swap3A_392 = tpu.vector_load %arg4[%swap3A_389, %swap3A_390, %swap3A_391] {strides = array<i32>} : memref<2x40x1024xf32, #tpu.memory_space<vmem>>, vector<16xf32>,
      tpu.vector_store %arg4[%swap3A_389, %swap3A_390, %swap3A_391], %broadcast_in_dim3A_11 {strides = array<i32>} : memref<2x40x1024xf32, #tpu.memory_space<vmem>>, vector<16xf32>,
      %swap3A_393 = arith.constant 1 : i32
      %swap3A_394 = arith.index_cast %swap3A_393 : i32 to index
      %swap3A_395 = arith.index_cast %scan3A_192 : i32 to index
      %swap3A_396 = arith.constant 640 : index
      %swap3A_397 = tpu.vector_load %arg4[%swap3A_394, %swap3A_395, %swap3A_396] {strides = array<i32>} : memref<2x40x1024xf32, #tpu.memory_space<vmem>>, vector<16xf32>,
      tpu.vector_store %arg4[%swap3A_394, %swap3A_395, %swap3A_396], %broadcast_in_dim3A_11 {strides = array<i32>} : memref<2x40x1024xf32, #tpu.memory_space<vmem>>, vector<16xf32>,
      %swap3A_398 = arith.constant 1 : i32
      %swap3A_399 = arith.index_cast %swap3A_398 : i32 to index
      %swap3A_400 = arith.index_cast %scan3A_192 : i32 to index
      %swap3A_401 = arith.constant 656 : index
      %swap3A_402 = tpu.vector_load %arg4[%swap3A_399, %swap3A_400, %swap3A_401] {strides = array<i32>} : memref<2x40x1024xf32, #tpu.memory_space<vmem>>, vector<16xf32>,
      tpu.vector_store %arg4[%swap3A_399, %swap3A_400, %swap3A_401], %broadcast_in_dim3A_11 {strides = array<i32>} : memref<2x40x1024xf32, #tpu.memory_space<vmem>>, vector<16xf32>,
      %swap3A_403 = arith.constant 1 : i32
      %swap3A_404 = arith.index_cast %swap3A_403 : i32 to index
      %swap3A_405 = arith.index_cast %scan3A_192 : i32 to index
      %swap3A_406 = arith.constant 672 : index
      %swap3A_407 = tpu.vector_load %arg4[%swap3A_404, %swap3A_405, %swap3A_406] {strides = array<i32>} : memref<2x40x1024xf32, #tpu.memory_space<vmem>>, vector<16xf32>,
      tpu.vector_store %arg4[%swap3A_404, %swap3A_405, %swap3A_406], %broadcast_in_dim3A_11 {strides = array<i32>} : memref<2x40x1024xf32, #tpu.memory_space<vmem>>, vector<16xf32>,
      %swap3A_408 = arith.constant 1 : i32
      %swap3A_409 = arith.index_cast %swap3A_408 : i32 to index
      %swap3A_410 = arith.index_cast %scan3A_192 : i32 to index
      %swap3A_411 = arith.constant 688 : index
      %swap3A_412 = tpu.vector_load %arg4[%swap3A_409, %swap3A_410, %swap3A_411] {strides = array<i32>} : memref<2x40x1024xf32, #tpu.memory_space<vmem>>, vector<16xf32>,
      tpu.vector_store %arg4[%swap3A_409, %swap3A_410, %swap3A_411], %broadcast_in_dim3A_11 {strides = array<i32>} : memref<2x40x1024xf32, #tpu.memory_space<vmem>>, vector<16xf32>,
      %swap3A_413 = arith.constant 1 : i32
      %swap3A_414 = arith.index_cast %swap3A_413 : i32 to index
      %swap3A_415 = arith.index_cast %scan3A_192 : i32 to index
      %swap3A_416 = arith.constant 704 : index
      %swap3A_417 = tpu.vector_load %arg4[%swap3A_414, %swap3A_415, %swap3A_416] {strides = array<i32>} : memref<2x40x1024xf32, #tpu.memory_space<vmem>>, vector<16xf32>,
      tpu.vector_store %arg4[%swap3A_414, %swap3A_415, %swap3A_416], %broadcast_in_dim3A_11 {strides = array<i32>} : memref<2x40x1024xf32, #tpu.memory_space<vmem>>, vector<16xf32>,
      %swap3A_418 = arith.constant 1 : i32
      %swap3A_419 = arith.index_cast %swap3A_418 : i32 to index
      %swap3A_420 = arith.index_cast %scan3A_192 : i32 to index
      %swap3A_421 = arith.constant 720 : index
      %swap3A_422 = tpu.vector_load %arg4[%swap3A_419, %swap3A_420, %swap3A_421] {strides = array<i32>} : memref<2x40x1024xf32, #tpu.memory_space<vmem>>, vector<16xf32>,
      tpu.vector_store %arg4[%swap3A_419, %swap3A_420, %swap3A_421], %broadcast_in_dim3A_11 {strides = array<i32>} : memref<2x40x1024xf32, #tpu.memory_space<vmem>>, vector<16xf32>,
      %swap3A_423 = arith.constant 1 : i32
      %swap3A_424 = arith.index_cast %swap3A_423 : i32 to index
      %swap3A_425 = arith.index_cast %scan3A_192 : i32 to index
      %swap3A_426 = arith.constant 736 : index
      %swap3A_427 = tpu.vector_load %arg4[%swap3A_424, %swap3A_425, %swap3A_426] {strides = array<i32>} : memref<2x40x1024xf32, #tpu.memory_space<vmem>>, vector<16xf32>,
      tpu.vector_store %arg4[%swap3A_424, %swap3A_425, %swap3A_426], %broadcast_in_dim3A_11 {strides = array<i32>} : memref<2x40x1024xf32, #tpu.memory_space<vmem>>, vector<16xf32>,
      %swap3A_428 = arith.constant 1 : i32
      %swap3A_429 = arith.index_cast %swap3A_428 : i32 to index
      %swap3A_430 = arith.index_cast %scan3A_192 : i32 to index
      %swap3A_431 = arith.constant 752 : index
      %swap3A_432 = tpu.vector_load %arg4[%swap3A_429, %swap3A_430, %swap3A_431] {strides = array<i32>} : memref<2x40x1024xf32, #tpu.memory_space<vmem>>, vector<16xf32>,
      tpu.vector_store %arg4[%swap3A_429, %swap3A_430, %swap3A_431], %broadcast_in_dim3A_11 {strides = array<i32>} : memref<2x40x1024xf32, #tpu.memory_space<vmem>>, vector<16xf32>,
      %swap3A_433 = arith.constant 1 : i32
      %swap3A_434 = arith.index_cast %swap3A_433 : i32 to index
      %swap3A_435 = arith.index_cast %scan3A_192 : i32 to index
      %swap3A_436 = arith.constant 768 : index
      %swap3A_437 = tpu.vector_load %arg4[%swap3A_434, %swap3A_435, %swap3A_436] {strides = array<i32>} : memref<2x40x1024xf32, #tpu.memory_space<vmem>>, vector<16xf32>,
      tpu.vector_store %arg4[%swap3A_434, %swap3A_435, %swap3A_436], %broadcast_in_dim3A_11 {strides = array<i32>} : memref<2x40x1024xf32, #tpu.memory_space<vmem>>, vector<16xf32>,
      %swap3A_438 = arith.constant 1 : i32
      %swap3A_439 = arith.index_cast %swap3A_438 : i32 to index
      %swap3A_440 = arith.index_cast %scan3A_192 : i32 to index
      %swap3A_441 = arith.constant 784 : index
      %swap3A_442 = tpu.vector_load %arg4[%swap3A_439, %swap3A_440, %swap3A_441] {strides = array<i32>} : memref<2x40x1024xf32, #tpu.memory_space<vmem>>, vector<16xf32>,
      tpu.vector_store %arg4[%swap3A_439, %swap3A_440, %swap3A_441], %broadcast_in_dim3A_11 {strides = array<i32>} : memref<2x40x1024xf32, #tpu.memory_space<vmem>>, vector<16xf32>,
      %swap3A_443 = arith.constant 1 : i32
      %swap3A_444 = arith.index_cast %swap3A_443 : i32 to index
      %swap3A_445 = arith.index_cast %scan3A_192 : i32 to index
      %swap3A_446 = arith.constant 800 : index
      %swap3A_447 = tpu.vector_load %arg4[%swap3A_444, %swap3A_445, %swap3A_446] {strides = array<i32>} : memref<2x40x1024xf32, #tpu.memory_space<vmem>>, vector<16xf32>,
      tpu.vector_store %arg4[%swap3A_444, %swap3A_445, %swap3A_446], %broadcast_in_dim3A_11 {strides = array<i32>} : memref<2x40x1024xf32, #tpu.memory_space<vmem>>, vector<16xf32>,
      %swap3A_448 = arith.constant 1 : i32
      %swap3A_449 = arith.index_cast %swap3A_448 : i32 to index
      %swap3A_450 = arith.index_cast %scan3A_192 : i32 to index
      %swap3A_451 = arith.constant 816 : index
      %swap3A_452 = tpu.vector_load %arg4[%swap3A_449, %swap3A_450, %swap3A_451] {strides = array<i32>} : memref<2x40x1024xf32, #tpu.memory_space<vmem>>, vector<16xf32>,
      tpu.vector_store %arg4[%swap3A_449, %swap3A_450, %swap3A_451], %broadcast_in_dim3A_11 {strides = array<i32>} : memref<2x40x1024xf32, #tpu.memory_space<vmem>>, vector<16xf32>,
      %swap3A_453 = arith.constant 1 : i32
      %swap3A_454 = arith.index_cast %swap3A_453 : i32 to index
      %swap3A_455 = arith.index_cast %scan3A_192 : i32 to index
      %swap3A_456 = arith.constant 832 : index
      %swap3A_457 = tpu.vector_load %arg4[%swap3A_454, %swap3A_455, %swap3A_456] {strides = array<i32>} : memref<2x40x1024xf32, #tpu.memory_space<vmem>>, vector<16xf32>,
      tpu.vector_store %arg4[%swap3A_454, %swap3A_455, %swap3A_456], %broadcast_in_dim3A_11 {strides = array<i32>} : memref<2x40x1024xf32, #tpu.memory_space<vmem>>, vector<16xf32>,
      %swap3A_458 = arith.constant 1 : i32
      %swap3A_459 = arith.index_cast %swap3A_458 : i32 to index
      %swap3A_460 = arith.index_cast %scan3A_192 : i32 to index
      %swap3A_461 = arith.constant 848 : index
      %swap3A_462 = tpu.vector_load %arg4[%swap3A_459, %swap3A_460, %swap3A_461] {strides = array<i32>} : memref<2x40x1024xf32, #tpu.memory_space<vmem>>, vector<16xf32>,
      tpu.vector_store %arg4[%swap3A_459, %swap3A_460, %swap3A_461], %broadcast_in_dim3A_11 {strides = array<i32>} : memref<2x40x1024xf32, #tpu.memory_space<vmem>>, vector<16xf32>,
      %swap3A_463 = arith.constant 1 : i32
      %swap3A_464 = arith.index_cast %swap3A_463 : i32 to index
      %swap3A_465 = arith.index_cast %scan3A_192 : i32 to index
      %swap3A_466 = arith.constant 864 : index
      %swap3A_467 = tpu.vector_load %arg4[%swap3A_464, %swap3A_465, %swap3A_466] {strides = array<i32>} : memref<2x40x1024xf32, #tpu.memory_space<vmem>>, vector<16xf32>,
      tpu.vector_store %arg4[%swap3A_464, %swap3A_465, %swap3A_466], %broadcast_in_dim3A_11 {strides = array<i32>} : memref<2x40x1024xf32, #tpu.memory_space<vmem>>, vector<16xf32>,
      %swap3A_468 = arith.constant 1 : i32
      %swap3A_469 = arith.index_cast %swap3A_468 : i32 to index
      %swap3A_470 = arith.index_cast %scan3A_192 : i32 to index
      %swap3A_471 = arith.constant 880 : index
      %swap3A_472 = tpu.vector_load %arg4[%swap3A_469, %swap3A_470, %swap3A_471] {strides = array<i32>} : memref<2x40x1024xf32, #tpu.memory_space<vmem>>, vector<16xf32>,
      tpu.vector_store %arg4[%swap3A_469, %swap3A_470, %swap3A_471], %broadcast_in_dim3A_11 {strides = array<i32>} : memref<2x40x1024xf32, #tpu.memory_space<vmem>>, vector<16xf32>,
      %swap3A_473 = arith.constant 1 : i32
      %swap3A_474 = arith.index_cast %swap3A_473 : i32 to index
      %swap3A_475 = arith.index_cast %scan3A_192 : i32 to index
      %swap3A_476 = arith.constant 896 : index
      %swap3A_477 = tpu.vector_load %arg4[%swap3A_474, %swap3A_475, %swap3A_476] {strides = array<i32>} : memref<2x40x1024xf32, #tpu.memory_space<vmem>>, vector<16xf32>,
      tpu.vector_store %arg4[%swap3A_474, %swap3A_475, %swap3A_476], %broadcast_in_dim3A_11 {strides = array<i32>} : memref<2x40x1024xf32, #tpu.memory_space<vmem>>, vector<16xf32>,
      %swap3A_478 = arith.constant 1 : i32
      %swap3A_479 = arith.index_cast %swap3A_478 : i32 to index
      %swap3A_480 = arith.index_cast %scan3A_192 : i32 to index
      %swap3A_481 = arith.constant 912 : index
      %swap3A_482 = tpu.vector_load %arg4[%swap3A_479, %swap3A_480, %swap3A_481] {strides = array<i32>} : memref<2x40x1024xf32, #tpu.memory_space<vmem>>, vector<16xf32>,
      tpu.vector_store %arg4[%swap3A_479, %swap3A_480, %swap3A_481], %broadcast_in_dim3A_11 {strides = array<i32>} : memref<2x40x1024xf32, #tpu.memory_space<vmem>>, vector<16xf32>,
      %swap3A_483 = arith.constant 1 : i32
      %swap3A_484 = arith.index_cast %swap3A_483 : i32 to index
      %swap3A_485 = arith.index_cast %scan3A_192 : i32 to index
      %swap3A_486 = arith.constant 928 : index
      %swap3A_487 = tpu.vector_load %arg4[%swap3A_484, %swap3A_485, %swap3A_486] {strides = array<i32>} : memref<2x40x1024xf32, #tpu.memory_space<vmem>>, vector<16xf32>,
      tpu.vector_store %arg4[%swap3A_484, %swap3A_485, %swap3A_486], %broadcast_in_dim3A_11 {strides = array<i32>} : memref<2x40x1024xf32, #tpu.memory_space<vmem>>, vector<16xf32>,
      %swap3A_488 = arith.constant 1 : i32
      %swap3A_489 = arith.index_cast %swap3A_488 : i32 to index
      %swap3A_490 = arith.index_cast %scan3A_192 : i32 to index
      %swap3A_491 = arith.constant 944 : index
      %swap3A_492 = tpu.vector_load %arg4[%swap3A_489, %swap3A_490, %swap3A_491] {strides = array<i32>} : memref<2x40x1024xf32, #tpu.memory_space<vmem>>, vector<16xf32>,
      tpu.vector_store %arg4[%swap3A_489, %swap3A_490, %swap3A_491], %broadcast_in_dim3A_11 {strides = array<i32>} : memref<2x40x1024xf32, #tpu.memory_space<vmem>>, vector<16xf32>,
      %swap3A_493 = arith.constant 1 : i32
      %swap3A_494 = arith.index_cast %swap3A_493 : i32 to index
      %swap3A_495 = arith.index_cast %scan3A_192 : i32 to index
      %swap3A_496 = arith.constant 960 : index
      %swap3A_497 = tpu.vector_load %arg4[%swap3A_494, %swap3A_495, %swap3A_496] {strides = array<i32>} : memref<2x40x1024xf32, #tpu.memory_space<vmem>>, vector<16xf32>,
      tpu.vector_store %arg4[%swap3A_494, %swap3A_495, %swap3A_496], %broadcast_in_dim3A_11 {strides = array<i32>} : memref<2x40x1024xf32, #tpu.memory_space<vmem>>, vector<16xf32>,
      %swap3A_498 = arith.constant 1 : i32
      %swap3A_499 = arith.index_cast %swap3A_498 : i32 to index
      %swap3A_500 = arith.index_cast %scan3A_192 : i32 to index
      %swap3A_501 = arith.constant 976 : index
      %swap3A_502 = tpu.vector_load %arg4[%swap3A_499, %swap3A_500, %swap3A_501] {strides = array<i32>} : memref<2x40x1024xf32, #tpu.memory_space<vmem>>, vector<16xf32>,
      tpu.vector_store %arg4[%swap3A_499, %swap3A_500, %swap3A_501], %broadcast_in_dim3A_11 {strides = array<i32>} : memref<2x40x1024xf32, #tpu.memory_space<vmem>>, vector<16xf32>,
      %swap3A_503 = arith.constant 1 : i32
      %swap3A_504 = arith.index_cast %swap3A_503 : i32 to index
      %swap3A_505 = arith.index_cast %scan3A_192 : i32 to index
      %swap3A_506 = arith.constant 992 : index
      %swap3A_507 = tpu.vector_load %arg4[%swap3A_504, %swap3A_505, %swap3A_506] {strides = array<i32>} : memref<2x40x1024xf32, #tpu.memory_space<vmem>>, vector<16xf32>,
      tpu.vector_store %arg4[%swap3A_504, %swap3A_505, %swap3A_506], %broadcast_in_dim3A_11 {strides = array<i32>} : memref<2x40x1024xf32, #tpu.memory_space<vmem>>, vector<16xf32>,
      %swap3A_508 = arith.constant 1 : i32
      %swap3A_509 = arith.index_cast %swap3A_508 : i32 to index
      %swap3A_510 = arith.index_cast %scan3A_192 : i32 to index
      %swap3A_511 = arith.constant 1008 : index
      %swap3A_512 = tpu.vector_load %arg4[%swap3A_509, %swap3A_510, %swap3A_511] {strides = array<i32>} : memref<2x40x1024xf32, #tpu.memory_space<vmem>>, vector<16xf32>,
      tpu.vector_store %arg4[%swap3A_509, %swap3A_510, %swap3A_511], %broadcast_in_dim3A_11 {strides = array<i32>} : memref<2x40x1024xf32, #tpu.memory_space<vmem>>, vector<16xf32>,
      %scan3A_513 = arith.constant 0 : i32
      scf.yield %scan3A_513 : i32
    }
    %scan3A_24 = arith.constant 40 : i32
    %scan3A_25 = arith.constant 0 : i32
    %scan3A_26 = arith.constant 0 : i32
    %scan3A_27 = arith.constant 9 : i32
    %scan3A_28 = arith.addi %scan3A_26, %scan3A_27 : i32
    %scan3A_29 = arith.constant 1 : i32
    %scan3A_30 = scf.for %scan3A_192 = %scan3A_26 to %scan3A_28 step %scan3A_29 iter_args(%scan3A_193 = %scan3A_25) -> (i32)  : i32 {
      %mul3A_194 = arith.constant 2 : i32
      %mul3A_195 = arith.muli %mul3A_194, %scan3A_192 : i32
      %add3A_196 = arith.constant 0 : i32
      %add3A_197 = arith.addi %mul3A_195, %add3A_196 : i32
      %add3A_198 = arith.addi %add3A_4, %add3A_197 : i32
      %lt3A_199 = arith.cmpi slt, %add3A_197, %add3A_8 : i32
      %convert_element_type3A = arith.extui %lt3A_199 : i1 to i32
      %cond3A = arith.constant 0 : i32
      %cond3A_200 = arith.cmpi ne, %convert_element_type3A, %cond3A : i32
      scf.if %cond3A_200 {
        %jit3A_211 = arith.constant 25 : i32
        %div3A_212 = arith.divsi %add3A_198, %jit3A_211 : i32
        %sign3A_213 = arith.constant 0 : i32
        %sign3A_214 = arith.cmpi sgt, %add3A_198, %sign3A_213 : i32
        %sign3A_215 = arith.extui %sign3A_214 : i1 to i32
        %sign3A_216 = arith.constant 0 : i32
        %sign3A_217 = arith.cmpi slt, %add3A_198, %sign3A_216 : i32
        %sign3A_218 = arith.extui %sign3A_217 : i1 to i32
        %sign3A_219 = arith.subi %sign3A_215, %sign3A_218 : i32
        %sign3A_220 = arith.constant 0 : i32
        %sign3A_221 = arith.cmpi sgt, %jit3A_211, %sign3A_220 : i32
        %sign3A_222 = arith.extui %sign3A_221 : i1 to i32
        %sign3A_223 = arith.constant 0 : i32
        %sign3A_224 = arith.cmpi slt, %jit3A_211, %sign3A_223 : i32
        %sign3A_225 = arith.extui %sign3A_224 : i1 to i32
        %sign3A_226 = arith.subi %sign3A_222, %sign3A_225 : i32
        %ne3A_227 = arith.cmpi ne, %sign3A_219, %sign3A_226 : i32
        %rem3A_228 = arith.remsi %add3A_198, %jit3A_211 : i32
        %ne3A_229 = arith.constant 0 : i32
        %ne3A_230 = arith.cmpi ne, %rem3A_228, %ne3A_229 : i32
        %and3A_231 = arith.andi %ne3A_227, %ne3A_230 : i1
        %sub3A_232 = arith.constant 1 : i32
        %sub3A_233 = arith.subi %div3A_212, %sub3A_232 : i32
        %select_n3A_234 = arith.select %and3A_231, %sub3A_233, %div3A_212 : i32
        %jit3A_235 = arith.constant 25 : i32
        %eq3A_236 = arith.constant 0 : i32
        %eq3A_237 = arith.cmpi eq, %jit3A_235, %eq3A_236 : i32
        %jit3A_238 = arith.constant 1 : i32
        %select_n3A_239 = arith.select %eq3A_237, %jit3A_238, %jit3A_235 : i32
        %rem3A_240 = arith.remsi %add3A_198, %select_n3A_239 : i32
        %ne3A_241 = arith.constant 0 : i32
        %ne3A_242 = arith.cmpi ne, %rem3A_240, %ne3A_241 : i32
        %lt3A_243 = arith.constant 0 : i32
        %lt3A_244 = arith.cmpi slt, %rem3A_240, %lt3A_243 : i32
        %lt3A_245 = arith.constant 0 : i32
        %lt3A_246 = arith.cmpi slt, %select_n3A_239, %lt3A_245 : i32
        %ne3A_247 = arith.xori %lt3A_244, %lt3A_246 : i1
        %and3A_248 = arith.andi %ne3A_247, %ne3A_242 : i1
        %add3A_249 = arith.addi %rem3A_240, %select_n3A_239 : i32
        %select_n3A_250 = arith.select %and3A_248, %add3A_249, %rem3A_240 : i32
        %mul3A_251 = arith.constant 40 : i32
        %mul3A_252 = arith.muli %select_n3A_250, %mul3A_251 : i32
        %gt3A = arith.constant 0 : i32
        %gt3A_253 = arith.cmpi sgt, %scan3A_192, %gt3A : i32
        %convert_element_type3A_254 = arith.extui %gt3A_253 : i1 to i32
        %cond3A_255 = arith.constant 0 : i32
        %cond3A_256 = arith.cmpi ne, %convert_element_type3A_254, %cond3A_255 : i32
        scf.if %cond3A_256 {
          %sub3A_281 = arith.constant 2 : i32
          %sub3A_282 = arith.subi %add3A_198, %sub3A_281 : i32
          %jit3A_283 = arith.constant 25 : i32
          %div3A_284 = arith.divsi %sub3A_282, %jit3A_283 : i32
          %sign3A_285 = arith.constant 0 : i32
          %sign3A_286 = arith.cmpi sgt, %sub3A_282, %sign3A_285 : i32
          %sign3A_287 = arith.extui %sign3A_286 : i1 to i32
          %sign3A_288 = arith.constant 0 : i32
          %sign3A_289 = arith.cmpi slt, %sub3A_282, %sign3A_288 : i32
          %sign3A_290 = arith.extui %sign3A_289 : i1 to i32
          %sign3A_291 = arith.subi %sign3A_287, %sign3A_290 : i32
          %sign3A_292 = arith.constant 0 : i32
          %sign3A_293 = arith.cmpi sgt, %jit3A_283, %sign3A_292 : i32
          %sign3A_294 = arith.extui %sign3A_293 : i1 to i32
          %sign3A_295 = arith.constant 0 : i32
          %sign3A_296 = arith.cmpi slt, %jit3A_283, %sign3A_295 : i32
          %sign3A_297 = arith.extui %sign3A_296 : i1 to i32
          %sign3A_298 = arith.subi %sign3A_294, %sign3A_297 : i32
          %ne3A_299 = arith.cmpi ne, %sign3A_291, %sign3A_298 : i32
          %rem3A_300 = arith.remsi %sub3A_282, %jit3A_283 : i32
          %ne3A_301 = arith.constant 0 : i32
          %ne3A_302 = arith.cmpi ne, %rem3A_300, %ne3A_301 : i32
          %and3A_303 = arith.andi %ne3A_299, %ne3A_302 : i1
          %sub3A_304 = arith.constant 1 : i32
          %sub3A_305 = arith.subi %div3A_284, %sub3A_304 : i32
          %select_n3A_306 = arith.select %and3A_303, %sub3A_305, %div3A_284 : i32
          %jit3A_307 = arith.constant 25 : i32
          %eq3A_308 = arith.constant 0 : i32
          %eq3A_309 = arith.cmpi eq, %jit3A_307, %eq3A_308 : i32
          %jit3A_310 = arith.constant 1 : i32
          %select_n3A_311 = arith.select %eq3A_309, %jit3A_310, %jit3A_307 : i32
          %rem3A_312 = arith.remsi %sub3A_282, %select_n3A_311 : i32
          %ne3A_313 = arith.constant 0 : i32
          %ne3A_314 = arith.cmpi ne, %rem3A_312, %ne3A_313 : i32
          %lt3A_315 = arith.constant 0 : i32
          %lt3A_316 = arith.cmpi slt, %rem3A_312, %lt3A_315 : i32
          %lt3A_317 = arith.constant 0 : i32
          %lt3A_318 = arith.cmpi slt, %select_n3A_311, %lt3A_317 : i32
          %ne3A_319 = arith.xori %lt3A_316, %lt3A_318 : i1
          %and3A_320 = arith.andi %ne3A_319, %ne3A_314 : i1
          %add3A_321 = arith.addi %rem3A_312, %select_n3A_311 : i32
          %select_n3A_322 = arith.select %and3A_320, %add3A_321, %rem3A_312 : i32
          %mul3A_323 = arith.constant 40 : i32
          %mul3A_324 = arith.muli %select_n3A_322, %mul3A_323 : i32
          %dma_wait3A_325 = arith.constant 0 : i32
          %dma_wait3A_326 = arith.constant 0 : i32
          %dma_wait3A_327 = arith.constant 0 : i32
          %dma_wait3A_328 = arith.constant 0 : i32
          %dma_wait3A_329 = tpu.memref_slice %arg4[%dma_wait3A_325, %dma_wait3A_327, %dma_wait3A_328] : memref<2x40x1024xf32, #tpu.memory_space<vmem>> -> memref<1x40x1024xf32, #tpu.memory_space<vmem>>
          %dma_wait3A_330 = tpu.memref_squeeze %dma_wait3A_329 : memref<1x40x1024xf32, #tpu.memory_space<vmem>> -> memref<40x1024xf32, #tpu.memory_space<vmem>>
          %dma_wait3A_331 = arith.constant 0 : i32
          %dma_wait3A_332 = tpu.memref_slice %arg3[%select_n3A_306, %mul3A_324, %dma_wait3A_331] : memref<20x1000x1024xf32, #tpu.memory_space<hbm>> -> memref<1x40x1024xf32, #tpu.memory_space<hbm>>
          %dma_wait3A_333 = tpu.memref_squeeze %dma_wait3A_332 : memref<1x40x1024xf32, #tpu.memory_space<hbm>> -> memref<40x1024xf32, #tpu.memory_space<hbm>>
          %dma_wait3A_334 = tpu.memref_slice %arg6[%dma_wait3A_326] : memref<2x!tpu.dma_semaphore, #tpu.memory_space<semaphore_mem>> -> memref<1x!tpu.dma_semaphore, #tpu.memory_space<semaphore_mem>>
          %dma_wait3A_335 = tpu.memref_squeeze %dma_wait3A_334 : memref<1x!tpu.dma_semaphore, #tpu.memory_space<semaphore_mem>> -> memref<!tpu.dma_semaphore, #tpu.memory_space<semaphore_mem>>
          %dma_wait3A_336 = arith.constant 0 : i32
          %dma_wait3A_337 = tpu.memref_slice %arg3[%select_n3A_306, %mul3A_324, %dma_wait3A_336] : memref<20x1000x1024xf32, #tpu.memory_space<hbm>> -> memref<1x40x1024xf32, #tpu.memory_space<hbm>>
          %dma_wait3A_338 = tpu.memref_squeeze %dma_wait3A_337 : memref<1x40x1024xf32, #tpu.memory_space<hbm>> -> memref<40x1024xf32, #tpu.memory_space<hbm>>
          %dma_wait3A_339 = arith.constant 0 : i32
          %dma_wait3A_340 = arith.constant 0 : i32
          %dma_wait3A_341 = tpu.memref_slice %arg4[%dma_wait3A_325, %dma_wait3A_339, %dma_wait3A_340] : memref<2x40x1024xf32, #tpu.memory_space<vmem>> -> memref<1x40x1024xf32, #tpu.memory_space<vmem>>
          %dma_wait3A_342 = tpu.memref_squeeze %dma_wait3A_341 : memref<1x40x1024xf32, #tpu.memory_space<vmem>> -> memref<40x1024xf32, #tpu.memory_space<vmem>>
          tpu.wait_dma2 semaphore(%dma_wait3A_335 : memref<!tpu.dma_semaphore, #tpu.memory_space<semaphore_mem>>) src(%dma_wait3A_342 : memref<40x1024xf32, #tpu.memory_space<vmem>>) dst(%dma_wait3A_338 : memref<40x1024xf32, #tpu.memory_space<hbm>>)
          %scan3A_343 = arith.constant 0 : i32
          %scan3A_344 = arith.constant 0 : i32
          %scan3A_345 = arith.constant 64 : i32
          %scan3A_346 = arith.addi %scan3A_344, %scan3A_345 : i32
          %scan3A_347 = arith.constant 1 : i32
          %scan3A_348 = scf.for %scan3A_350 = %scan3A_344 to %scan3A_346 step %scan3A_347 iter_args(%scan3A_351 = %scan3A_343) -> (i32)  : i32 {
            %mul3A_352 = arith.constant 16 : i32
            %mul3A_353 = arith.muli %scan3A_350, %mul3A_352 : i32
            %get3A = arith.constant 0 : i32
            %get3A_354 = arith.index_cast %get3A : i32 to index
            %get3A_355 = arith.index_cast %mul3A_353 : i32 to index
            %get3A_356 = tpu.vector_load %arg5[%get3A_354, %get3A_355] {strides = array<i32>} : memref<2x1024xi32, #tpu.memory_space<vmem>>, vector<16xi32>,
            %gt3A_357 = arith.constant 0 : i32
            %gt3A_358 = vector.broadcast %gt3A_357 : i32 to vector<16xi32>
            %gt3A_359 = arith.cmpi sgt, %get3A_356, %gt3A_358 : vector<16xi32>
            %ge3A = vector.broadcast %mul3A_324 : i32 to vector<16xi32>
            %ge3A_360 = arith.cmpi sge, %get3A_356, %ge3A : vector<16xi32>
            %and3A_361 = arith.andi %gt3A_359, %ge3A_360 : vector<16xi1>
            %add3A_362 = arith.constant 40 : i32
            %add3A_363 = arith.addi %mul3A_324, %add3A_362 : i32
            %lt3A_364 = vector.broadcast %add3A_363 : i32 to vector<16xi32>
            %lt3A_365 = arith.cmpi slt, %get3A_356, %lt3A_364 : vector<16xi32>
            %and3A_366 = arith.andi %and3A_361, %lt3A_365 : vector<16xi1>
            %sub3A_367 = vector.broadcast %mul3A_324 : i32 to vector<16xi32>
            %sub3A_368 = arith.subi %get3A_356, %sub3A_367 : vector<16xi32>
            %mul3A_369 = arith.constant 16 : i32
            %mul3A_370 = arith.muli %scan3A_350, %mul3A_369 : i32
            %add3A_371 = vector.broadcast %mul3A_370 : i32 to vector<16xi32>
            %add3A_372 = arith.addi %add3A_371, %iota3A : vector<16xi32>
            %scatter3A = arith.constant 0 : i32
            %scatter3A_373 = arith.constant 0 : i32
            %scatter3A_374 = arith.constant 0 : i32
            %scatter3A_375 = tpu.memref_slice %arg4[%scatter3A, %scatter3A_373, %scatter3A_374] : memref<2x40x1024xf32, #tpu.memory_space<vmem>> -> memref<1x40x1024xf32, #tpu.memory_space<vmem>>
            %scatter3A_376 = tpu.memref_squeeze %scatter3A_375 : memref<1x40x1024xf32, #tpu.memory_space<vmem>> -> memref<40x1024xf32, #tpu.memory_space<vmem>>
            tpu.vector_store_idx %scatter3A_376[%sub3A_368, %add3A_372], %broadcast_in_dim3A_11 masked %and3A_366 : memref<40x1024xf32, #tpu.memory_space<vmem>>[vector<16xi32>, vector<16xi32>], vector<16xf32>, vector<16xi1>
            %scan3A_377 = arith.constant 0 : i32
            scf.yield %scan3A_377 : i32
          }
          %scan3A_349 = arith.constant 64 : i32
        } else {
        }
        %run_scoped3A = arith.constant 0 : i32
        "tpu.region"() ({
          %run_scoped3A_281 = tpu.sem_alloc : memref<!tpu.dma_semaphore, #tpu.memory_space<semaphore_mem>>
          %dma_start3A_282 = arith.constant 0 : i32
          %dma_start3A_283 = tpu.memref_slice %arg5[%run_scoped3A, %dma_start3A_282] : memref<2x1024xi32, #tpu.memory_space<vmem>> -> memref<1x1024xi32, #tpu.memory_space<vmem>>
          %dma_start3A_284 = tpu.memref_squeeze %dma_start3A_283 : memref<1x1024xi32, #tpu.memory_space<vmem>> -> memref<1024xi32, #tpu.memory_space<vmem>>
          %dma_start3A_285 = arith.constant 0 : i32
          %dma_start3A_286 = tpu.memref_slice %arg2[%select_n3A_234, %dma_start3A_285] : memref<20x1024xi32, #tpu.memory_space<hbm>> -> memref<1x1024xi32, #tpu.memory_space<hbm>>
          %dma_start3A_287 = tpu.memref_squeeze %dma_start3A_286 : memref<1x1024xi32, #tpu.memory_space<hbm>> -> memref<1024xi32, #tpu.memory_space<hbm>>
          %dma_start3A_288 = arith.constant 0 : i32
          %dma_start3A_289 = tpu.memref_slice %arg5[%run_scoped3A, %dma_start3A_288] : memref<2x1024xi32, #tpu.memory_space<vmem>> -> memref<1x1024xi32, #tpu.memory_space<vmem>>
          %dma_start3A_290 = tpu.memref_squeeze %dma_start3A_289 : memref<1x1024xi32, #tpu.memory_space<vmem>> -> memref<1024xi32, #tpu.memory_space<vmem>>
          %dma_start3A_291 = arith.constant 0 : i32
          %dma_start3A_292 = tpu.memref_slice %arg2[%select_n3A_234, %dma_start3A_291] : memref<20x1024xi32, #tpu.memory_space<hbm>> -> memref<1x1024xi32, #tpu.memory_space<hbm>>
          %dma_start3A_293 = tpu.memref_squeeze %dma_start3A_292 : memref<1x1024xi32, #tpu.memory_space<hbm>> -> memref<1024xi32, #tpu.memory_space<hbm>>
          tpu.enqueue_dma source(%dma_start3A_293 : memref<1024xi32, #tpu.memory_space<hbm>>) target(%dma_start3A_290 : memref<1024xi32, #tpu.memory_space<vmem>>) target_semaphore(%run_scoped3A_281 : memref<!tpu.dma_semaphore, #tpu.memory_space<semaphore_mem>>)
          %dma_wait3A_294 = arith.constant 0 : i32
          %dma_wait3A_295 = tpu.memref_slice %arg5[%run_scoped3A, %dma_wait3A_294] : memref<2x1024xi32, #tpu.memory_space<vmem>> -> memref<1x1024xi32, #tpu.memory_space<vmem>>
          %dma_wait3A_296 = tpu.memref_squeeze %dma_wait3A_295 : memref<1x1024xi32, #tpu.memory_space<vmem>> -> memref<1024xi32, #tpu.memory_space<vmem>>
          %dma_wait3A_297 = arith.constant 0 : i32
          %dma_wait3A_298 = tpu.memref_slice %arg2[%select_n3A_234, %dma_wait3A_297] : memref<20x1024xi32, #tpu.memory_space<hbm>> -> memref<1x1024xi32, #tpu.memory_space<hbm>>
          %dma_wait3A_299 = tpu.memref_squeeze %dma_wait3A_298 : memref<1x1024xi32, #tpu.memory_space<hbm>> -> memref<1024xi32, #tpu.memory_space<hbm>>
          %dma_wait3A_300 = arith.constant 0 : i32
          %dma_wait3A_301 = tpu.memref_slice %arg5[%run_scoped3A, %dma_wait3A_300] : memref<2x1024xi32, #tpu.memory_space<vmem>> -> memref<1x1024xi32, #tpu.memory_space<vmem>>
          %dma_wait3A_302 = tpu.memref_squeeze %dma_wait3A_301 : memref<1x1024xi32, #tpu.memory_space<vmem>> -> memref<1024xi32, #tpu.memory_space<vmem>>
          %dma_wait3A_303 = arith.constant 0 : i32
          %dma_wait3A_304 = tpu.memref_slice %arg2[%select_n3A_234, %dma_wait3A_303] : memref<20x1024xi32, #tpu.memory_space<hbm>> -> memref<1x1024xi32, #tpu.memory_space<hbm>>
          %dma_wait3A_305 = tpu.memref_squeeze %dma_wait3A_304 : memref<1x1024xi32, #tpu.memory_space<hbm>> -> memref<1024xi32, #tpu.memory_space<hbm>>
          tpu.wait_dma2 semaphore(%run_scoped3A_281 : memref<!tpu.dma_semaphore, #tpu.memory_space<semaphore_mem>>) src(%dma_wait3A_305 : memref<1024xi32, #tpu.memory_space<hbm>>) dst(%dma_wait3A_302 : memref<1024xi32, #tpu.memory_space<vmem>>)
          tpu.yield
        }) : () -> ()
        %scan3A_257 = arith.constant 0 : i32
        %scan3A_258 = arith.constant 0 : i32
        %scan3A_259 = arith.constant 64 : i32
        %scan3A_260 = arith.addi %scan3A_258, %scan3A_259 : i32
        %scan3A_261 = arith.constant 1 : i32
        %scan3A_262 = scf.for %scan3A_281 = %scan3A_258 to %scan3A_260 step %scan3A_261 iter_args(%scan3A_282 = %scan3A_257) -> (i32)  : i32 {
          %mul3A_283 = arith.constant 16 : i32
          %mul3A_284 = arith.muli %scan3A_281, %mul3A_283 : i32
          %get3A = arith.constant 0 : i32
          %get3A_285 = arith.index_cast %get3A : i32 to index
          %get3A_286 = arith.index_cast %mul3A_284 : i32 to index
          %get3A_287 = tpu.vector_load %arg5[%get3A_285, %get3A_286] {strides = array<i32>} : memref<2x1024xi32, #tpu.memory_space<vmem>>, vector<16xi32>,
          %gt3A_288 = arith.constant 0 : i32
          %gt3A_289 = vector.broadcast %gt3A_288 : i32 to vector<16xi32>
          %gt3A_290 = arith.cmpi sgt, %get3A_287, %gt3A_289 : vector<16xi32>
          %ge3A = vector.broadcast %mul3A_252 : i32 to vector<16xi32>
          %ge3A_291 = arith.cmpi sge, %get3A_287, %ge3A : vector<16xi32>
          %and3A_292 = arith.andi %gt3A_290, %ge3A_291 : vector<16xi1>
          %add3A_293 = arith.constant 40 : i32
          %add3A_294 = arith.addi %mul3A_252, %add3A_293 : i32
          %lt3A_295 = vector.broadcast %add3A_294 : i32 to vector<16xi32>
          %lt3A_296 = arith.cmpi slt, %get3A_287, %lt3A_295 : vector<16xi32>
          %and3A_297 = arith.andi %and3A_292, %lt3A_296 : vector<16xi1>
          %sub3A_298 = vector.broadcast %mul3A_252 : i32 to vector<16xi32>
          %sub3A_299 = arith.subi %get3A_287, %sub3A_298 : vector<16xi32>
          %mul3A_300 = arith.constant 16 : i32
          %mul3A_301 = arith.muli %scan3A_281, %mul3A_300 : i32
          %add3A_302 = vector.broadcast %mul3A_301 : i32 to vector<16xi32>
          %add3A_303 = arith.addi %add3A_302, %iota3A : vector<16xi32>
          %scatter3A = arith.constant 0 : i32
          %scatter3A_304 = arith.constant 0 : i32
          %scatter3A_305 = arith.constant 0 : i32
          %scatter3A_306 = tpu.memref_slice %arg4[%scatter3A, %scatter3A_304, %scatter3A_305] : memref<2x40x1024xf32, #tpu.memory_space<vmem>> -> memref<1x40x1024xf32, #tpu.memory_space<vmem>>
          %scatter3A_307 = tpu.memref_squeeze %scatter3A_306 : memref<1x40x1024xf32, #tpu.memory_space<vmem>> -> memref<40x1024xf32, #tpu.memory_space<vmem>>
          tpu.vector_store_idx %scatter3A_307[%sub3A_299, %add3A_303], %broadcast_in_dim3A_9 masked %and3A_297 : memref<40x1024xf32, #tpu.memory_space<vmem>>[vector<16xi32>, vector<16xi32>], vector<16xf32>, vector<16xi1>
          %scan3A_308 = arith.constant 0 : i32
          scf.yield %scan3A_308 : i32
        }
        %scan3A_263 = arith.constant 64 : i32
        %dma_start3A = arith.constant 0 : i32
        %dma_start3A_264 = arith.constant 0 : i32
        %dma_start3A_265 = arith.constant 0 : i32
        %dma_start3A_266 = arith.constant 0 : i32
        %dma_start3A_267 = tpu.memref_slice %arg4[%dma_start3A, %dma_start3A_265, %dma_start3A_266] : memref<2x40x1024xf32, #tpu.memory_space<vmem>> -> memref<1x40x1024xf32, #tpu.memory_space<vmem>>
        %dma_start3A_268 = tpu.memref_squeeze %dma_start3A_267 : memref<1x40x1024xf32, #tpu.memory_space<vmem>> -> memref<40x1024xf32, #tpu.memory_space<vmem>>
        %dma_start3A_269 = arith.constant 0 : i32
        %dma_start3A_270 = tpu.memref_slice %arg3[%select_n3A_234, %mul3A_252, %dma_start3A_269] : memref<20x1000x1024xf32, #tpu.memory_space<hbm>> -> memref<1x40x1024xf32, #tpu.memory_space<hbm>>
        %dma_start3A_271 = tpu.memref_squeeze %dma_start3A_270 : memref<1x40x1024xf32, #tpu.memory_space<hbm>> -> memref<40x1024xf32, #tpu.memory_space<hbm>>
        %dma_start3A_272 = tpu.memref_slice %arg6[%dma_start3A_264] : memref<2x!tpu.dma_semaphore, #tpu.memory_space<semaphore_mem>> -> memref<1x!tpu.dma_semaphore, #tpu.memory_space<semaphore_mem>>
        %dma_start3A_273 = tpu.memref_squeeze %dma_start3A_272 : memref<1x!tpu.dma_semaphore, #tpu.memory_space<semaphore_mem>> -> memref<!tpu.dma_semaphore, #tpu.memory_space<semaphore_mem>>
        %dma_start3A_274 = arith.constant 0 : i32
        %dma_start3A_275 = tpu.memref_slice %arg3[%select_n3A_234, %mul3A_252, %dma_start3A_274] : memref<20x1000x1024xf32, #tpu.memory_space<hbm>> -> memref<1x40x1024xf32, #tpu.memory_space<hbm>>
        %dma_start3A_276 = tpu.memref_squeeze %dma_start3A_275 : memref<1x40x1024xf32, #tpu.memory_space<hbm>> -> memref<40x1024xf32, #tpu.memory_space<hbm>>
        %dma_start3A_277 = arith.constant 0 : i32
        %dma_start3A_278 = arith.constant 0 : i32
        %dma_start3A_279 = tpu.memref_slice %arg4[%dma_start3A, %dma_start3A_277, %dma_start3A_278] : memref<2x40x1024xf32, #tpu.memory_space<vmem>> -> memref<1x40x1024xf32, #tpu.memory_space<vmem>>
        %dma_start3A_280 = tpu.memref_squeeze %dma_start3A_279 : memref<1x40x1024xf32, #tpu.memory_space<vmem>> -> memref<40x1024xf32, #tpu.memory_space<vmem>>
        tpu.enqueue_dma source(%dma_start3A_280 : memref<40x1024xf32, #tpu.memory_space<vmem>>) target(%dma_start3A_276 : memref<40x1024xf32, #tpu.memory_space<hbm>>) target_semaphore(%dma_start3A_273 : memref<!tpu.dma_semaphore, #tpu.memory_space<semaphore_mem>>)
      } else {
      }
      %mul3A_201 = arith.constant 2 : i32
      %mul3A_202 = arith.muli %mul3A_201, %scan3A_192 : i32
      %add3A_203 = arith.constant 1 : i32
      %add3A_204 = arith.addi %mul3A_202, %add3A_203 : i32
      %add3A_205 = arith.addi %add3A_4, %add3A_204 : i32
      %lt3A_206 = arith.cmpi slt, %add3A_204, %add3A_8 : i32
      %convert_element_type3A_207 = arith.extui %lt3A_206 : i1 to i32
      %cond3A_208 = arith.constant 0 : i32
      %cond3A_209 = arith.cmpi ne, %convert_element_type3A_207, %cond3A_208 : i32
      scf.if %cond3A_209 {
        %jit3A_211 = arith.constant 25 : i32
        %div3A_212 = arith.divsi %add3A_205, %jit3A_211 : i32
        %sign3A_213 = arith.constant 0 : i32
        %sign3A_214 = arith.cmpi sgt, %add3A_205, %sign3A_213 : i32
        %sign3A_215 = arith.extui %sign3A_214 : i1 to i32
        %sign3A_216 = arith.constant 0 : i32
        %sign3A_217 = arith.cmpi slt, %add3A_205, %sign3A_216 : i32
        %sign3A_218 = arith.extui %sign3A_217 : i1 to i32
        %sign3A_219 = arith.subi %sign3A_215, %sign3A_218 : i32
        %sign3A_220 = arith.constant 0 : i32
        %sign3A_221 = arith.cmpi sgt, %jit3A_211, %sign3A_220 : i32
        %sign3A_222 = arith.extui %sign3A_221 : i1 to i32
        %sign3A_223 = arith.constant 0 : i32
        %sign3A_224 = arith.cmpi slt, %jit3A_211, %sign3A_223 : i32
        %sign3A_225 = arith.extui %sign3A_224 : i1 to i32
        %sign3A_226 = arith.subi %sign3A_222, %sign3A_225 : i32
        %ne3A_227 = arith.cmpi ne, %sign3A_219, %sign3A_226 : i32
        %rem3A_228 = arith.remsi %add3A_205, %jit3A_211 : i32
        %ne3A_229 = arith.constant 0 : i32
        %ne3A_230 = arith.cmpi ne, %rem3A_228, %ne3A_229 : i32
        %and3A_231 = arith.andi %ne3A_227, %ne3A_230 : i1
        %sub3A_232 = arith.constant 1 : i32
        %sub3A_233 = arith.subi %div3A_212, %sub3A_232 : i32
        %select_n3A_234 = arith.select %and3A_231, %sub3A_233, %div3A_212 : i32
        %jit3A_235 = arith.constant 25 : i32
        %eq3A_236 = arith.constant 0 : i32
        %eq3A_237 = arith.cmpi eq, %jit3A_235, %eq3A_236 : i32
        %jit3A_238 = arith.constant 1 : i32
        %select_n3A_239 = arith.select %eq3A_237, %jit3A_238, %jit3A_235 : i32
        %rem3A_240 = arith.remsi %add3A_205, %select_n3A_239 : i32
        %ne3A_241 = arith.constant 0 : i32
        %ne3A_242 = arith.cmpi ne, %rem3A_240, %ne3A_241 : i32
        %lt3A_243 = arith.constant 0 : i32
        %lt3A_244 = arith.cmpi slt, %rem3A_240, %lt3A_243 : i32
        %lt3A_245 = arith.constant 0 : i32
        %lt3A_246 = arith.cmpi slt, %select_n3A_239, %lt3A_245 : i32
        %ne3A_247 = arith.xori %lt3A_244, %lt3A_246 : i1
        %and3A_248 = arith.andi %ne3A_247, %ne3A_242 : i1
        %add3A_249 = arith.addi %rem3A_240, %select_n3A_239 : i32
        %select_n3A_250 = arith.select %and3A_248, %add3A_249, %rem3A_240 : i32
        %mul3A_251 = arith.constant 40 : i32
        %mul3A_252 = arith.muli %select_n3A_250, %mul3A_251 : i32
        %gt3A = arith.constant 0 : i32
        %gt3A_253 = arith.cmpi sgt, %scan3A_192, %gt3A : i32
        %convert_element_type3A_254 = arith.extui %gt3A_253 : i1 to i32
        %cond3A_255 = arith.constant 0 : i32
        %cond3A_256 = arith.cmpi ne, %convert_element_type3A_254, %cond3A_255 : i32
        scf.if %cond3A_256 {
          %sub3A_281 = arith.constant 2 : i32
          %sub3A_282 = arith.subi %add3A_205, %sub3A_281 : i32
          %jit3A_283 = arith.constant 25 : i32
          %div3A_284 = arith.divsi %sub3A_282, %jit3A_283 : i32
          %sign3A_285 = arith.constant 0 : i32
          %sign3A_286 = arith.cmpi sgt, %sub3A_282, %sign3A_285 : i32
          %sign3A_287 = arith.extui %sign3A_286 : i1 to i32
          %sign3A_288 = arith.constant 0 : i32
          %sign3A_289 = arith.cmpi slt, %sub3A_282, %sign3A_288 : i32
          %sign3A_290 = arith.extui %sign3A_289 : i1 to i32
          %sign3A_291 = arith.subi %sign3A_287, %sign3A_290 : i32
          %sign3A_292 = arith.constant 0 : i32
          %sign3A_293 = arith.cmpi sgt, %jit3A_283, %sign3A_292 : i32
          %sign3A_294 = arith.extui %sign3A_293 : i1 to i32
          %sign3A_295 = arith.constant 0 : i32
          %sign3A_296 = arith.cmpi slt, %jit3A_283, %sign3A_295 : i32
          %sign3A_297 = arith.extui %sign3A_296 : i1 to i32
          %sign3A_298 = arith.subi %sign3A_294, %sign3A_297 : i32
          %ne3A_299 = arith.cmpi ne, %sign3A_291, %sign3A_298 : i32
          %rem3A_300 = arith.remsi %sub3A_282, %jit3A_283 : i32
          %ne3A_301 = arith.constant 0 : i32
          %ne3A_302 = arith.cmpi ne, %rem3A_300, %ne3A_301 : i32
          %and3A_303 = arith.andi %ne3A_299, %ne3A_302 : i1
          %sub3A_304 = arith.constant 1 : i32
          %sub3A_305 = arith.subi %div3A_284, %sub3A_304 : i32
          %select_n3A_306 = arith.select %and3A_303, %sub3A_305, %div3A_284 : i32
          %jit3A_307 = arith.constant 25 : i32
          %eq3A_308 = arith.constant 0 : i32
          %eq3A_309 = arith.cmpi eq, %jit3A_307, %eq3A_308 : i32
          %jit3A_310 = arith.constant 1 : i32
          %select_n3A_311 = arith.select %eq3A_309, %jit3A_310, %jit3A_307 : i32
          %rem3A_312 = arith.remsi %sub3A_282, %select_n3A_311 : i32
          %ne3A_313 = arith.constant 0 : i32
          %ne3A_314 = arith.cmpi ne, %rem3A_312, %ne3A_313 : i32
          %lt3A_315 = arith.constant 0 : i32
          %lt3A_316 = arith.cmpi slt, %rem3A_312, %lt3A_315 : i32
          %lt3A_317 = arith.constant 0 : i32
          %lt3A_318 = arith.cmpi slt, %select_n3A_311, %lt3A_317 : i32
          %ne3A_319 = arith.xori %lt3A_316, %lt3A_318 : i1
          %and3A_320 = arith.andi %ne3A_319, %ne3A_314 : i1
          %add3A_321 = arith.addi %rem3A_312, %select_n3A_311 : i32
          %select_n3A_322 = arith.select %and3A_320, %add3A_321, %rem3A_312 : i32
          %mul3A_323 = arith.constant 40 : i32
          %mul3A_324 = arith.muli %select_n3A_322, %mul3A_323 : i32
          %dma_wait3A_325 = arith.constant 1 : i32
          %dma_wait3A_326 = arith.constant 1 : i32
          %dma_wait3A_327 = arith.constant 0 : i32
          %dma_wait3A_328 = arith.constant 0 : i32
          %dma_wait3A_329 = tpu.memref_slice %arg4[%dma_wait3A_325, %dma_wait3A_327, %dma_wait3A_328] : memref<2x40x1024xf32, #tpu.memory_space<vmem>> -> memref<1x40x1024xf32, #tpu.memory_space<vmem>>
          %dma_wait3A_330 = tpu.memref_squeeze %dma_wait3A_329 : memref<1x40x1024xf32, #tpu.memory_space<vmem>> -> memref<40x1024xf32, #tpu.memory_space<vmem>>
          %dma_wait3A_331 = arith.constant 0 : i32
          %dma_wait3A_332 = tpu.memref_slice %arg3[%select_n3A_306, %mul3A_324, %dma_wait3A_331] : memref<20x1000x1024xf32, #tpu.memory_space<hbm>> -> memref<1x40x1024xf32, #tpu.memory_space<hbm>>
          %dma_wait3A_333 = tpu.memref_squeeze %dma_wait3A_332 : memref<1x40x1024xf32, #tpu.memory_space<hbm>> -> memref<40x1024xf32, #tpu.memory_space<hbm>>
          %dma_wait3A_334 = tpu.memref_slice %arg6[%dma_wait3A_326] : memref<2x!tpu.dma_semaphore, #tpu.memory_space<semaphore_mem>> -> memref<1x!tpu.dma_semaphore, #tpu.memory_space<semaphore_mem>>
          %dma_wait3A_335 = tpu.memref_squeeze %dma_wait3A_334 : memref<1x!tpu.dma_semaphore, #tpu.memory_space<semaphore_mem>> -> memref<!tpu.dma_semaphore, #tpu.memory_space<semaphore_mem>>
          %dma_wait3A_336 = arith.constant 0 : i32
          %dma_wait3A_337 = tpu.memref_slice %arg3[%select_n3A_306, %mul3A_324, %dma_wait3A_336] : memref<20x1000x1024xf32, #tpu.memory_space<hbm>> -> memref<1x40x1024xf32, #tpu.memory_space<hbm>>
          %dma_wait3A_338 = tpu.memref_squeeze %dma_wait3A_337 : memref<1x40x1024xf32, #tpu.memory_space<hbm>> -> memref<40x1024xf32, #tpu.memory_space<hbm>>
          %dma_wait3A_339 = arith.constant 0 : i32
          %dma_wait3A_340 = arith.constant 0 : i32
          %dma_wait3A_341 = tpu.memref_slice %arg4[%dma_wait3A_325, %dma_wait3A_339, %dma_wait3A_340] : memref<2x40x1024xf32, #tpu.memory_space<vmem>> -> memref<1x40x1024xf32, #tpu.memory_space<vmem>>
          %dma_wait3A_342 = tpu.memref_squeeze %dma_wait3A_341 : memref<1x40x1024xf32, #tpu.memory_space<vmem>> -> memref<40x1024xf32, #tpu.memory_space<vmem>>
          tpu.wait_dma2 semaphore(%dma_wait3A_335 : memref<!tpu.dma_semaphore, #tpu.memory_space<semaphore_mem>>) src(%dma_wait3A_342 : memref<40x1024xf32, #tpu.memory_space<vmem>>) dst(%dma_wait3A_338 : memref<40x1024xf32, #tpu.memory_space<hbm>>)
          %scan3A_343 = arith.constant 0 : i32
          %scan3A_344 = arith.constant 0 : i32
          %scan3A_345 = arith.constant 64 : i32
          %scan3A_346 = arith.addi %scan3A_344, %scan3A_345 : i32
          %scan3A_347 = arith.constant 1 : i32
          %scan3A_348 = scf.for %scan3A_350 = %scan3A_344 to %scan3A_346 step %scan3A_347 iter_args(%scan3A_351 = %scan3A_343) -> (i32)  : i32 {
            %mul3A_352 = arith.constant 16 : i32
            %mul3A_353 = arith.muli %scan3A_350, %mul3A_352 : i32
            %get3A = arith.constant 1 : i32
            %get3A_354 = arith.index_cast %get3A : i32 to index
            %get3A_355 = arith.index_cast %mul3A_353 : i32 to index
            %get3A_356 = tpu.vector_load %arg5[%get3A_354, %get3A_355] {strides = array<i32>} : memref<2x1024xi32, #tpu.memory_space<vmem>>, vector<16xi32>,
            %gt3A_357 = arith.constant 0 : i32
            %gt3A_358 = vector.broadcast %gt3A_357 : i32 to vector<16xi32>
            %gt3A_359 = arith.cmpi sgt, %get3A_356, %gt3A_358 : vector<16xi32>
            %ge3A = vector.broadcast %mul3A_324 : i32 to vector<16xi32>
            %ge3A_360 = arith.cmpi sge, %get3A_356, %ge3A : vector<16xi32>
            %and3A_361 = arith.andi %gt3A_359, %ge3A_360 : vector<16xi1>
            %add3A_362 = arith.constant 40 : i32
            %add3A_363 = arith.addi %mul3A_324, %add3A_362 : i32
            %lt3A_364 = vector.broadcast %add3A_363 : i32 to vector<16xi32>
            %lt3A_365 = arith.cmpi slt, %get3A_356, %lt3A_364 : vector<16xi32>
            %and3A_366 = arith.andi %and3A_361, %lt3A_365 : vector<16xi1>
            %sub3A_367 = vector.broadcast %mul3A_324 : i32 to vector<16xi32>
            %sub3A_368 = arith.subi %get3A_356, %sub3A_367 : vector<16xi32>
            %mul3A_369 = arith.constant 16 : i32
            %mul3A_370 = arith.muli %scan3A_350, %mul3A_369 : i32
            %add3A_371 = vector.broadcast %mul3A_370 : i32 to vector<16xi32>
            %add3A_372 = arith.addi %add3A_371, %iota3A : vector<16xi32>
            %scatter3A = arith.constant 1 : i32
            %scatter3A_373 = arith.constant 0 : i32
            %scatter3A_374 = arith.constant 0 : i32
            %scatter3A_375 = tpu.memref_slice %arg4[%scatter3A, %scatter3A_373, %scatter3A_374] : memref<2x40x1024xf32, #tpu.memory_space<vmem>> -> memref<1x40x1024xf32, #tpu.memory_space<vmem>>
            %scatter3A_376 = tpu.memref_squeeze %scatter3A_375 : memref<1x40x1024xf32, #tpu.memory_space<vmem>> -> memref<40x1024xf32, #tpu.memory_space<vmem>>
            tpu.vector_store_idx %scatter3A_376[%sub3A_368, %add3A_372], %broadcast_in_dim3A_11 masked %and3A_366 : memref<40x1024xf32, #tpu.memory_space<vmem>>[vector<16xi32>, vector<16xi32>], vector<16xf32>, vector<16xi1>
            %scan3A_377 = arith.constant 0 : i32
            scf.yield %scan3A_377 : i32
          }
          %scan3A_349 = arith.constant 64 : i32
        } else {
        }
        %run_scoped3A = arith.constant 1 : i32
        "tpu.region"() ({
          %run_scoped3A_281 = tpu.sem_alloc : memref<!tpu.dma_semaphore, #tpu.memory_space<semaphore_mem>>
          %dma_start3A_282 = arith.constant 0 : i32
          %dma_start3A_283 = tpu.memref_slice %arg5[%run_scoped3A, %dma_start3A_282] : memref<2x1024xi32, #tpu.memory_space<vmem>> -> memref<1x1024xi32, #tpu.memory_space<vmem>>
          %dma_start3A_284 = tpu.memref_squeeze %dma_start3A_283 : memref<1x1024xi32, #tpu.memory_space<vmem>> -> memref<1024xi32, #tpu.memory_space<vmem>>
          %dma_start3A_285 = arith.constant 0 : i32
          %dma_start3A_286 = tpu.memref_slice %arg2[%select_n3A_234, %dma_start3A_285] : memref<20x1024xi32, #tpu.memory_space<hbm>> -> memref<1x1024xi32, #tpu.memory_space<hbm>>
          %dma_start3A_287 = tpu.memref_squeeze %dma_start3A_286 : memref<1x1024xi32, #tpu.memory_space<hbm>> -> memref<1024xi32, #tpu.memory_space<hbm>>
          %dma_start3A_288 = arith.constant 0 : i32
          %dma_start3A_289 = tpu.memref_slice %arg5[%run_scoped3A, %dma_start3A_288] : memref<2x1024xi32, #tpu.memory_space<vmem>> -> memref<1x1024xi32, #tpu.memory_space<vmem>>
          %dma_start3A_290 = tpu.memref_squeeze %dma_start3A_289 : memref<1x1024xi32, #tpu.memory_space<vmem>> -> memref<1024xi32, #tpu.memory_space<vmem>>
          %dma_start3A_291 = arith.constant 0 : i32
          %dma_start3A_292 = tpu.memref_slice %arg2[%select_n3A_234, %dma_start3A_291] : memref<20x1024xi32, #tpu.memory_space<hbm>> -> memref<1x1024xi32, #tpu.memory_space<hbm>>
          %dma_start3A_293 = tpu.memref_squeeze %dma_start3A_292 : memref<1x1024xi32, #tpu.memory_space<hbm>> -> memref<1024xi32, #tpu.memory_space<hbm>>
          tpu.enqueue_dma source(%dma_start3A_293 : memref<1024xi32, #tpu.memory_space<hbm>>) target(%dma_start3A_290 : memref<1024xi32, #tpu.memory_space<vmem>>) target_semaphore(%run_scoped3A_281 : memref<!tpu.dma_semaphore, #tpu.memory_space<semaphore_mem>>)
          %dma_wait3A_294 = arith.constant 0 : i32
          %dma_wait3A_295 = tpu.memref_slice %arg5[%run_scoped3A, %dma_wait3A_294] : memref<2x1024xi32, #tpu.memory_space<vmem>> -> memref<1x1024xi32, #tpu.memory_space<vmem>>
          %dma_wait3A_296 = tpu.memref_squeeze %dma_wait3A_295 : memref<1x1024xi32, #tpu.memory_space<vmem>> -> memref<1024xi32, #tpu.memory_space<vmem>>
          %dma_wait3A_297 = arith.constant 0 : i32
          %dma_wait3A_298 = tpu.memref_slice %arg2[%select_n3A_234, %dma_wait3A_297] : memref<20x1024xi32, #tpu.memory_space<hbm>> -> memref<1x1024xi32, #tpu.memory_space<hbm>>
          %dma_wait3A_299 = tpu.memref_squeeze %dma_wait3A_298 : memref<1x1024xi32, #tpu.memory_space<hbm>> -> memref<1024xi32, #tpu.memory_space<hbm>>
          %dma_wait3A_300 = arith.constant 0 : i32
          %dma_wait3A_301 = tpu.memref_slice %arg5[%run_scoped3A, %dma_wait3A_300] : memref<2x1024xi32, #tpu.memory_space<vmem>> -> memref<1x1024xi32, #tpu.memory_space<vmem>>
          %dma_wait3A_302 = tpu.memref_squeeze %dma_wait3A_301 : memref<1x1024xi32, #tpu.memory_space<vmem>> -> memref<1024xi32, #tpu.memory_space<vmem>>
          %dma_wait3A_303 = arith.constant 0 : i32
          %dma_wait3A_304 = tpu.memref_slice %arg2[%select_n3A_234, %dma_wait3A_303] : memref<20x1024xi32, #tpu.memory_space<hbm>> -> memref<1x1024xi32, #tpu.memory_space<hbm>>
          %dma_wait3A_305 = tpu.memref_squeeze %dma_wait3A_304 : memref<1x1024xi32, #tpu.memory_space<hbm>> -> memref<1024xi32, #tpu.memory_space<hbm>>
          tpu.wait_dma2 semaphore(%run_scoped3A_281 : memref<!tpu.dma_semaphore, #tpu.memory_space<semaphore_mem>>) src(%dma_wait3A_305 : memref<1024xi32, #tpu.memory_space<hbm>>) dst(%dma_wait3A_302 : memref<1024xi32, #tpu.memory_space<vmem>>)
          tpu.yield
        }) : () -> ()
        %scan3A_257 = arith.constant 0 : i32
        %scan3A_258 = arith.constant 0 : i32
        %scan3A_259 = arith.constant 64 : i32
        %scan3A_260 = arith.addi %scan3A_258, %scan3A_259 : i32
        %scan3A_261 = arith.constant 1 : i32
        %scan3A_262 = scf.for %scan3A_281 = %scan3A_258 to %scan3A_260 step %scan3A_261 iter_args(%scan3A_282 = %scan3A_257) -> (i32)  : i32 {
          %mul3A_283 = arith.constant 16 : i32
          %mul3A_284 = arith.muli %scan3A_281, %mul3A_283 : i32
          %get3A = arith.constant 1 : i32
          %get3A_285 = arith.index_cast %get3A : i32 to index
          %get3A_286 = arith.index_cast %mul3A_284 : i32 to index
          %get3A_287 = tpu.vector_load %arg5[%get3A_285, %get3A_286] {strides = array<i32>} : memref<2x1024xi32, #tpu.memory_space<vmem>>, vector<16xi32>,
          %gt3A_288 = arith.constant 0 : i32
          %gt3A_289 = vector.broadcast %gt3A_288 : i32 to vector<16xi32>
          %gt3A_290 = arith.cmpi sgt, %get3A_287, %gt3A_289 : vector<16xi32>
          %ge3A = vector.broadcast %mul3A_252 : i32 to vector<16xi32>
          %ge3A_291 = arith.cmpi sge, %get3A_287, %ge3A : vector<16xi32>
          %and3A_292 = arith.andi %gt3A_290, %ge3A_291 : vector<16xi1>
          %add3A_293 = arith.constant 40 : i32
          %add3A_294 = arith.addi %mul3A_252, %add3A_293 : i32
          %lt3A_295 = vector.broadcast %add3A_294 : i32 to vector<16xi32>
          %lt3A_296 = arith.cmpi slt, %get3A_287, %lt3A_295 : vector<16xi32>
          %and3A_297 = arith.andi %and3A_292, %lt3A_296 : vector<16xi1>
          %sub3A_298 = vector.broadcast %mul3A_252 : i32 to vector<16xi32>
          %sub3A_299 = arith.subi %get3A_287, %sub3A_298 : vector<16xi32>
          %mul3A_300 = arith.constant 16 : i32
          %mul3A_301 = arith.muli %scan3A_281, %mul3A_300 : i32
          %add3A_302 = vector.broadcast %mul3A_301 : i32 to vector<16xi32>
          %add3A_303 = arith.addi %add3A_302, %iota3A : vector<16xi32>
          %scatter3A = arith.constant 1 : i32
          %scatter3A_304 = arith.constant 0 : i32
          %scatter3A_305 = arith.constant 0 : i32
          %scatter3A_306 = tpu.memref_slice %arg4[%scatter3A, %scatter3A_304, %scatter3A_305] : memref<2x40x1024xf32, #tpu.memory_space<vmem>> -> memref<1x40x1024xf32, #tpu.memory_space<vmem>>
          %scatter3A_307 = tpu.memref_squeeze %scatter3A_306 : memref<1x40x1024xf32, #tpu.memory_space<vmem>> -> memref<40x1024xf32, #tpu.memory_space<vmem>>
          tpu.vector_store_idx %scatter3A_307[%sub3A_299, %add3A_303], %broadcast_in_dim3A_9 masked %and3A_297 : memref<40x1024xf32, #tpu.memory_space<vmem>>[vector<16xi32>, vector<16xi32>], vector<16xf32>, vector<16xi1>
          %scan3A_308 = arith.constant 0 : i32
          scf.yield %scan3A_308 : i32
        }
        %scan3A_263 = arith.constant 64 : i32
        %dma_start3A = arith.constant 1 : i32
        %dma_start3A_264 = arith.constant 1 : i32
        %dma_start3A_265 = arith.constant 0 : i32
        %dma_start3A_266 = arith.constant 0 : i32
        %dma_start3A_267 = tpu.memref_slice %arg4[%dma_start3A, %dma_start3A_265, %dma_start3A_266] : memref<2x40x1024xf32, #tpu.memory_space<vmem>> -> memref<1x40x1024xf32, #tpu.memory_space<vmem>>
        %dma_start3A_268 = tpu.memref_squeeze %dma_start3A_267 : memref<1x40x1024xf32, #tpu.memory_space<vmem>> -> memref<40x1024xf32, #tpu.memory_space<vmem>>
        %dma_start3A_269 = arith.constant 0 : i32
        %dma_start3A_270 = tpu.memref_slice %arg3[%select_n3A_234, %mul3A_252, %dma_start3A_269] : memref<20x1000x1024xf32, #tpu.memory_space<hbm>> -> memref<1x40x1024xf32, #tpu.memory_space<hbm>>
        %dma_start3A_271 = tpu.memref_squeeze %dma_start3A_270 : memref<1x40x1024xf32, #tpu.memory_space<hbm>> -> memref<40x1024xf32, #tpu.memory_space<hbm>>
        %dma_start3A_272 = tpu.memref_slice %arg6[%dma_start3A_264] : memref<2x!tpu.dma_semaphore, #tpu.memory_space<semaphore_mem>> -> memref<1x!tpu.dma_semaphore, #tpu.memory_space<semaphore_mem>>
        %dma_start3A_273 = tpu.memref_squeeze %dma_start3A_272 : memref<1x!tpu.dma_semaphore, #tpu.memory_space<semaphore_mem>> -> memref<!tpu.dma_semaphore, #tpu.memory_space<semaphore_mem>>
        %dma_start3A_274 = arith.constant 0 : i32
        %dma_start3A_275 = tpu.memref_slice %arg3[%select_n3A_234, %mul3A_252, %dma_start3A_274] : memref<20x1000x1024xf32, #tpu.memory_space<hbm>> -> memref<1x40x1024xf32, #tpu.memory_space<hbm>>
        %dma_start3A_276 = tpu.memref_squeeze %dma_start3A_275 : memref<1x40x1024xf32, #tpu.memory_space<hbm>> -> memref<40x1024xf32, #tpu.memory_space<hbm>>
        %dma_start3A_277 = arith.constant 0 : i32
        %dma_start3A_278 = arith.constant 0 : i32
        %dma_start3A_279 = tpu.memref_slice %arg4[%dma_start3A, %dma_start3A_277, %dma_start3A_278] : memref<2x40x1024xf32, #tpu.memory_space<vmem>> -> memref<1x40x1024xf32, #tpu.memory_space<vmem>>
        %dma_start3A_280 = tpu.memref_squeeze %dma_start3A_279 : memref<1x40x1024xf32, #tpu.memory_space<vmem>> -> memref<40x1024xf32, #tpu.memory_space<vmem>>
        tpu.enqueue_dma source(%dma_start3A_280 : memref<40x1024xf32, #tpu.memory_space<vmem>>) target(%dma_start3A_276 : memref<40x1024xf32, #tpu.memory_space<hbm>>) target_semaphore(%dma_start3A_273 : memref<!tpu.dma_semaphore, #tpu.memory_space<semaphore_mem>>)
      } else {
      }
      %scan3A_210 = arith.constant 0 : i32
      scf.yield %scan3A_210 : i32
    }
    %scan3A_31 = arith.constant 9 : i32
    %sub3A = arith.constant 1 : i32
    %sub3A_32 = arith.subi %add3A_8, %sub3A : i32
    %sub3A_33 = arith.constant 1 : i32
    %sub3A_34 = arith.subi %add3A_8, %sub3A_33 : i32
    %sub3A_35 = arith.constant 0 : i32
    %sub3A_36 = arith.subi %sub3A_34, %sub3A_35 : i32
    %jit3A_37 = arith.constant 2 : i32
    %eq3A = arith.constant 0 : i32
    %eq3A_38 = arith.cmpi eq, %jit3A_37, %eq3A : i32
    %jit3A_39 = arith.constant 1 : i32
    %select_n3A_40 = arith.select %eq3A_38, %jit3A_39, %jit3A_37 : i32
    %rem3A = arith.remsi %sub3A_36, %select_n3A_40 : i32
    %ne3A = arith.constant 0 : i32
    %ne3A_41 = arith.cmpi ne, %rem3A, %ne3A : i32
    %lt3A_42 = arith.constant 0 : i32
    %lt3A_43 = arith.cmpi slt, %rem3A, %lt3A_42 : i32
    %lt3A_44 = arith.constant 0 : i32
    %lt3A_45 = arith.cmpi slt, %select_n3A_40, %lt3A_44 : i32
    %ne3A_46 = arith.xori %lt3A_43, %lt3A_45 : i1
    %and3A = arith.andi %ne3A_46, %ne3A_41 : i1
    %add3A_47 = arith.addi %rem3A, %select_n3A_40 : i32
    %select_n3A_48 = arith.select %and3A, %add3A_47, %rem3A : i32
    %sub3A_49 = arith.subi %sub3A_32, %select_n3A_48 : i32
    %add3A_50 = arith.addi %add3A_4, %sub3A_49 : i32
    %jit3A_51 = arith.constant 25 : i32
    %div3A = arith.divsi %add3A_50, %jit3A_51 : i32
    %sign3A = arith.constant 0 : i32
    %sign3A_52 = arith.cmpi sgt, %add3A_50, %sign3A : i32
    %sign3A_53 = arith.extui %sign3A_52 : i1 to i32
    %sign3A_54 = arith.constant 0 : i32
    %sign3A_55 = arith.cmpi slt, %add3A_50, %sign3A_54 : i32
    %sign3A_56 = arith.extui %sign3A_55 : i1 to i32
    %sign3A_57 = arith.subi %sign3A_53, %sign3A_56 : i32
    %sign3A_58 = arith.constant 0 : i32
    %sign3A_59 = arith.cmpi sgt, %jit3A_51, %sign3A_58 : i32
    %sign3A_60 = arith.extui %sign3A_59 : i1 to i32
    %sign3A_61 = arith.constant 0 : i32
    %sign3A_62 = arith.cmpi slt, %jit3A_51, %sign3A_61 : i32
    %sign3A_63 = arith.extui %sign3A_62 : i1 to i32
    %sign3A_64 = arith.subi %sign3A_60, %sign3A_63 : i32
    %ne3A_65 = arith.cmpi ne, %sign3A_57, %sign3A_64 : i32
    %rem3A_66 = arith.remsi %add3A_50, %jit3A_51 : i32
    %ne3A_67 = arith.constant 0 : i32
    %ne3A_68 = arith.cmpi ne, %rem3A_66, %ne3A_67 : i32
    %and3A_69 = arith.andi %ne3A_65, %ne3A_68 : i1
    %sub3A_70 = arith.constant 1 : i32
    %sub3A_71 = arith.subi %div3A, %sub3A_70 : i32
    %select_n3A_72 = arith.select %and3A_69, %sub3A_71, %div3A : i32
    %jit3A_73 = arith.constant 25 : i32
    %eq3A_74 = arith.constant 0 : i32
    %eq3A_75 = arith.cmpi eq, %jit3A_73, %eq3A_74 : i32
    %jit3A_76 = arith.constant 1 : i32
    %select_n3A_77 = arith.select %eq3A_75, %jit3A_76, %jit3A_73 : i32
    %rem3A_78 = arith.remsi %add3A_50, %select_n3A_77 : i32
    %ne3A_79 = arith.constant 0 : i32
    %ne3A_80 = arith.cmpi ne, %rem3A_78, %ne3A_79 : i32
    %lt3A_81 = arith.constant 0 : i32
    %lt3A_82 = arith.cmpi slt, %rem3A_78, %lt3A_81 : i32
    %lt3A_83 = arith.constant 0 : i32
    %lt3A_84 = arith.cmpi slt, %select_n3A_77, %lt3A_83 : i32
    %ne3A_85 = arith.xori %lt3A_82, %lt3A_84 : i1
    %and3A_86 = arith.andi %ne3A_85, %ne3A_80 : i1
    %add3A_87 = arith.addi %rem3A_78, %select_n3A_77 : i32
    %select_n3A_88 = arith.select %and3A_86, %add3A_87, %rem3A_78 : i32
    %mul3A_89 = arith.constant 40 : i32
    %mul3A_90 = arith.muli %select_n3A_88, %mul3A_89 : i32
    %dma_wait3A = arith.constant 0 : i32
    %dma_wait3A_91 = arith.constant 0 : i32
    %dma_wait3A_92 = arith.constant 0 : i32
    %dma_wait3A_93 = arith.constant 0 : i32
    %dma_wait3A_94 = tpu.memref_slice %arg4[%dma_wait3A, %dma_wait3A_92, %dma_wait3A_93] : memref<2x40x1024xf32, #tpu.memory_space<vmem>> -> memref<1x40x1024xf32, #tpu.memory_space<vmem>>
    %dma_wait3A_95 = tpu.memref_squeeze %dma_wait3A_94 : memref<1x40x1024xf32, #tpu.memory_space<vmem>> -> memref<40x1024xf32, #tpu.memory_space<vmem>>
    %dma_wait3A_96 = arith.constant 0 : i32
    %dma_wait3A_97 = tpu.memref_slice %arg3[%select_n3A_72, %mul3A_90, %dma_wait3A_96] : memref<20x1000x1024xf32, #tpu.memory_space<hbm>> -> memref<1x40x1024xf32, #tpu.memory_space<hbm>>
    %dma_wait3A_98 = tpu.memref_squeeze %dma_wait3A_97 : memref<1x40x1024xf32, #tpu.memory_space<hbm>> -> memref<40x1024xf32, #tpu.memory_space<hbm>>
    %dma_wait3A_99 = tpu.memref_slice %arg6[%dma_wait3A_91] : memref<2x!tpu.dma_semaphore, #tpu.memory_space<semaphore_mem>> -> memref<1x!tpu.dma_semaphore, #tpu.memory_space<semaphore_mem>>
    %dma_wait3A_100 = tpu.memref_squeeze %dma_wait3A_99 : memref<1x!tpu.dma_semaphore, #tpu.memory_space<semaphore_mem>> -> memref<!tpu.dma_semaphore, #tpu.memory_space<semaphore_mem>>
    %dma_wait3A_101 = arith.constant 0 : i32
    %dma_wait3A_102 = tpu.memref_slice %arg3[%select_n3A_72, %mul3A_90, %dma_wait3A_101] : memref<20x1000x1024xf32, #tpu.memory_space<hbm>> -> memref<1x40x1024xf32, #tpu.memory_space<hbm>>
    %dma_wait3A_103 = tpu.memref_squeeze %dma_wait3A_102 : memref<1x40x1024xf32, #tpu.memory_space<hbm>> -> memref<40x1024xf32, #tpu.memory_space<hbm>>
    %dma_wait3A_104 = arith.constant 0 : i32
    %dma_wait3A_105 = arith.constant 0 : i32
    %dma_wait3A_106 = tpu.memref_slice %arg4[%dma_wait3A, %dma_wait3A_104, %dma_wait3A_105] : memref<2x40x1024xf32, #tpu.memory_space<vmem>> -> memref<1x40x1024xf32, #tpu.memory_space<vmem>>
    %dma_wait3A_107 = tpu.memref_squeeze %dma_wait3A_106 : memref<1x40x1024xf32, #tpu.memory_space<vmem>> -> memref<40x1024xf32, #tpu.memory_space<vmem>>
    tpu.wait_dma2 semaphore(%dma_wait3A_100 : memref<!tpu.dma_semaphore, #tpu.memory_space<semaphore_mem>>) src(%dma_wait3A_107 : memref<40x1024xf32, #tpu.memory_space<vmem>>) dst(%dma_wait3A_103 : memref<40x1024xf32, #tpu.memory_space<hbm>>)
    %sub3A_108 = arith.constant 1 : i32
    %sub3A_109 = arith.subi %add3A_8, %sub3A_108 : i32
    %sub3A_110 = arith.constant 1 : i32
    %sub3A_111 = arith.subi %add3A_8, %sub3A_110 : i32
    %sub3A_112 = arith.constant 1 : i32
    %sub3A_113 = arith.subi %sub3A_111, %sub3A_112 : i32
    %jit3A_114 = arith.constant 2 : i32
    %eq3A_115 = arith.constant 0 : i32
    %eq3A_116 = arith.cmpi eq, %jit3A_114, %eq3A_115 : i32
    %jit3A_117 = arith.constant 1 : i32
    %select_n3A_118 = arith.select %eq3A_116, %jit3A_117, %jit3A_114 : i32
    %rem3A_119 = arith.remsi %sub3A_113, %select_n3A_118 : i32
    %ne3A_120 = arith.constant 0 : i32
    %ne3A_121 = arith.cmpi ne, %rem3A_119, %ne3A_120 : i32
    %lt3A_122 = arith.constant 0 : i32
    %lt3A_123 = arith.cmpi slt, %rem3A_119, %lt3A_122 : i32
    %lt3A_124 = arith.constant 0 : i32
    %lt3A_125 = arith.cmpi slt, %select_n3A_118, %lt3A_124 : i32
    %ne3A_126 = arith.xori %lt3A_123, %lt3A_125 : i1
    %and3A_127 = arith.andi %ne3A_126, %ne3A_121 : i1
    %add3A_128 = arith.addi %rem3A_119, %select_n3A_118 : i32
    %select_n3A_129 = arith.select %and3A_127, %add3A_128, %rem3A_119 : i32
    %sub3A_130 = arith.subi %sub3A_109, %select_n3A_129 : i32
    %add3A_131 = arith.addi %add3A_4, %sub3A_130 : i32
    %jit3A_132 = arith.constant 25 : i32
    %div3A_133 = arith.divsi %add3A_131, %jit3A_132 : i32
    %sign3A_134 = arith.constant 0 : i32
    %sign3A_135 = arith.cmpi sgt, %add3A_131, %sign3A_134 : i32
    %sign3A_136 = arith.extui %sign3A_135 : i1 to i32
    %sign3A_137 = arith.constant 0 : i32
    %sign3A_138 = arith.cmpi slt, %add3A_131, %sign3A_137 : i32
    %sign3A_139 = arith.extui %sign3A_138 : i1 to i32
    %sign3A_140 = arith.subi %sign3A_136, %sign3A_139 : i32
    %sign3A_141 = arith.constant 0 : i32
    %sign3A_142 = arith.cmpi sgt, %jit3A_132, %sign3A_141 : i32
    %sign3A_143 = arith.extui %sign3A_142 : i1 to i32
    %sign3A_144 = arith.constant 0 : i32
    %sign3A_145 = arith.cmpi slt, %jit3A_132, %sign3A_144 : i32
    %sign3A_146 = arith.extui %sign3A_145 : i1 to i32
    %sign3A_147 = arith.subi %sign3A_143, %sign3A_146 : i32
    %ne3A_148 = arith.cmpi ne, %sign3A_140, %sign3A_147 : i32
    %rem3A_149 = arith.remsi %add3A_131, %jit3A_132 : i32
    %ne3A_150 = arith.constant 0 : i32
    %ne3A_151 = arith.cmpi ne, %rem3A_149, %ne3A_150 : i32
    %and3A_152 = arith.andi %ne3A_148, %ne3A_151 : i1
    %sub3A_153 = arith.constant 1 : i32
    %sub3A_154 = arith.subi %div3A_133, %sub3A_153 : i32
    %select_n3A_155 = arith.select %and3A_152, %sub3A_154, %div3A_133 : i32
    %jit3A_156 = arith.constant 25 : i32
    %eq3A_157 = arith.constant 0 : i32
    %eq3A_158 = arith.cmpi eq, %jit3A_156, %eq3A_157 : i32
    %jit3A_159 = arith.constant 1 : i32
    %select_n3A_160 = arith.select %eq3A_158, %jit3A_159, %jit3A_156 : i32
    %rem3A_161 = arith.remsi %add3A_131, %select_n3A_160 : i32
    %ne3A_162 = arith.constant 0 : i32
    %ne3A_163 = arith.cmpi ne, %rem3A_161, %ne3A_162 : i32
    %lt3A_164 = arith.constant 0 : i32
    %lt3A_165 = arith.cmpi slt, %rem3A_161, %lt3A_164 : i32
    %lt3A_166 = arith.constant 0 : i32
    %lt3A_167 = arith.cmpi slt, %select_n3A_160, %lt3A_166 : i32
    %ne3A_168 = arith.xori %lt3A_165, %lt3A_167 : i1
    %and3A_169 = arith.andi %ne3A_168, %ne3A_163 : i1
    %add3A_170 = arith.addi %rem3A_161, %select_n3A_160 : i32
    %select_n3A_171 = arith.select %and3A_169, %add3A_170, %rem3A_161 : i32
    %mul3A_172 = arith.constant 40 : i32
    %mul3A_173 = arith.muli %select_n3A_171, %mul3A_172 : i32
    %dma_wait3A_174 = arith.constant 1 : i32
    %dma_wait3A_175 = arith.constant 1 : i32
    %dma_wait3A_176 = arith.constant 0 : i32
    %dma_wait3A_177 = arith.constant 0 : i32
    %dma_wait3A_178 = tpu.memref_slice %arg4[%dma_wait3A_174, %dma_wait3A_176, %dma_wait3A_177] : memref<2x40x1024xf32, #tpu.memory_space<vmem>> -> memref<1x40x1024xf32, #tpu.memory_space<vmem>>
    %dma_wait3A_179 = tpu.memref_squeeze %dma_wait3A_178 : memref<1x40x1024xf32, #tpu.memory_space<vmem>> -> memref<40x1024xf32, #tpu.memory_space<vmem>>
    %dma_wait3A_180 = arith.constant 0 : i32
    %dma_wait3A_181 = tpu.memref_slice %arg3[%select_n3A_155, %mul3A_173, %dma_wait3A_180] : memref<20x1000x1024xf32, #tpu.memory_space<hbm>> -> memref<1x40x1024xf32, #tpu.memory_space<hbm>>
    %dma_wait3A_182 = tpu.memref_squeeze %dma_wait3A_181 : memref<1x40x1024xf32, #tpu.memory_space<hbm>> -> memref<40x1024xf32, #tpu.memory_space<hbm>>
    %dma_wait3A_183 = tpu.memref_slice %arg6[%dma_wait3A_175] : memref<2x!tpu.dma_semaphore, #tpu.memory_space<semaphore_mem>> -> memref<1x!tpu.dma_semaphore, #tpu.memory_space<semaphore_mem>>
    %dma_wait3A_184 = tpu.memref_squeeze %dma_wait3A_183 : memref<1x!tpu.dma_semaphore, #tpu.memory_space<semaphore_mem>> -> memref<!tpu.dma_semaphore, #tpu.memory_space<semaphore_mem>>
    %dma_wait3A_185 = arith.constant 0 : i32
    %dma_wait3A_186 = tpu.memref_slice %arg3[%select_n3A_155, %mul3A_173, %dma_wait3A_185] : memref<20x1000x1024xf32, #tpu.memory_space<hbm>> -> memref<1x40x1024xf32, #tpu.memory_space<hbm>>
    %dma_wait3A_187 = tpu.memref_squeeze %dma_wait3A_186 : memref<1x40x1024xf32, #tpu.memory_space<hbm>> -> memref<40x1024xf32, #tpu.memory_space<hbm>>
    %dma_wait3A_188 = arith.constant 0 : i32
    %dma_wait3A_189 = arith.constant 0 : i32
    %dma_wait3A_190 = tpu.memref_slice %arg4[%dma_wait3A_174, %dma_wait3A_188, %dma_wait3A_189] : memref<2x40x1024xf32, #tpu.memory_space<vmem>> -> memref<1x40x1024xf32, #tpu.memory_space<vmem>>
    %dma_wait3A_191 = tpu.memref_squeeze %dma_wait3A_190 : memref<1x40x1024xf32, #tpu.memory_space<vmem>> -> memref<40x1024xf32, #tpu.memory_space<vmem>>
    tpu.wait_dma2 semaphore(%dma_wait3A_184 : memref<!tpu.dma_semaphore, #tpu.memory_space<semaphore_mem>>) src(%dma_wait3A_191 : memref<40x1024xf32, #tpu.memory_space<vmem>>) dst(%dma_wait3A_187 : memref<40x1024xf32, #tpu.memory_space<hbm>>)
    return
  }
}

module attributes {stable_mosaic.version = 14 : i64} {
  func.func @_tc_body(%arg0: i32, %arg1: memref<5x1x1024xi32, #tpu.memory_space<vmem>>, %arg2: memref<30x1000x1024xf32, #tpu.memory_space<any>>, %arg3: memref<5x1000x1024xf32, #tpu.memory_space<vmem>>, %arg4: memref<5x!tpu.dma_semaphore, #tpu.memory_space<semaphore_mem>>) attributes {dimension_semantics = [#tpu.dimension_semantics<arbitrary>], iteration_bounds = array<i64: 6>, scalar_prefetch = 0 : i64, scratch_operands = 2 : i64, tpu.core_type = #tpu.core_type<tc>, window_params = [{transform_indices = @transform_0, window_bounds = array<i64: 5, 1, 1024>}, {}]} {
    %gt3A = arith.constant 0 : i32
    %gt3A_0 = arith.cmpi sgt, %arg0, %gt3A : i32
    %convert_element_type3A = arith.extui %gt3A_0 : i1 to i32
    %cond3A = arith.constant 0 : i32
    %cond3A_1 = arith.cmpi ne, %convert_element_type3A, %cond3A : i32
    scf.if %cond3A_1 {
      %sub3A = arith.constant 1 : i32
      %sub3A_207 = arith.subi %arg0, %sub3A : i32
      %mul3A_208 = arith.constant 5 : i32
      %mul3A_209 = arith.muli %sub3A_207, %mul3A_208 : i32
      %add3A_210 = arith.constant 0 : i32
      %add3A_211 = arith.addi %mul3A_209, %add3A_210 : i32
      %dma_wait3A = arith.constant 0 : i32
      %dma_wait3A_212 = arith.constant 0 : i32
      %dma_wait3A_213 = tpu.memref_slice %arg4[%dma_wait3A_212] : memref<5x!tpu.dma_semaphore, #tpu.memory_space<semaphore_mem>> -> memref<1x!tpu.dma_semaphore, #tpu.memory_space<semaphore_mem>>
      %dma_wait3A_214 = tpu.memref_squeeze %dma_wait3A_213 : memref<1x!tpu.dma_semaphore, #tpu.memory_space<semaphore_mem>> -> memref<!tpu.dma_semaphore, #tpu.memory_space<semaphore_mem>>
      %dma_wait3A_215 = arith.constant 0 : i32
      %dma_wait3A_216 = arith.constant 0 : i32
      %dma_wait3A_217 = tpu.memref_slice %arg2[%add3A_211, %dma_wait3A_215, %dma_wait3A_216] : memref<30x1000x1024xf32, #tpu.memory_space<any>> -> memref<1x1000x1024xf32, #tpu.memory_space<any>>
      %dma_wait3A_218 = tpu.memref_squeeze %dma_wait3A_217 : memref<1x1000x1024xf32, #tpu.memory_space<any>> -> memref<1000x1024xf32, #tpu.memory_space<any>>
      %dma_wait3A_219 = arith.constant 0 : i32
      %dma_wait3A_220 = arith.constant 0 : i32
      %dma_wait3A_221 = tpu.memref_slice %arg3[%dma_wait3A, %dma_wait3A_219, %dma_wait3A_220] : memref<5x1000x1024xf32, #tpu.memory_space<vmem>> -> memref<1x1000x1024xf32, #tpu.memory_space<vmem>>
      %dma_wait3A_222 = tpu.memref_squeeze %dma_wait3A_221 : memref<1x1000x1024xf32, #tpu.memory_space<vmem>> -> memref<1000x1024xf32, #tpu.memory_space<vmem>>
      tpu.wait_dma2 semaphore(%dma_wait3A_214 : memref<!tpu.dma_semaphore, #tpu.memory_space<semaphore_mem>>) src(%dma_wait3A_222 : memref<1000x1024xf32, #tpu.memory_space<vmem>>) dst(%dma_wait3A_218 : memref<1000x1024xf32, #tpu.memory_space<any>>)
    } else {
    }
    %get3A = arith.constant 0 : index
    %get3A_2 = arith.constant 0 : index
    %get3A_3 = arith.constant 0 : index
    %get3A_4 = vector.load %arg1[%get3A, %get3A_2, %get3A_3] : memref<5x1x1024xi32, #tpu.memory_space<vmem>>, vector<1x1x1024xi32>
    %get3A_5 = vector.shape_cast %get3A_4 : vector<1x1x1024xi32> to vector<1x1024xi32>
    %eq3A = arith.constant 0 : i32
    %eq3A_6 = vector.broadcast %eq3A : i32 to vector<1x1024xi32>
    %eq3A_7 = arith.cmpi eq, %get3A_5, %eq3A_6 : vector<1x1024xi32>
    %jit3A = arith.constant -1 : i32
    %broadcast_in_dim3A = vector.broadcast %jit3A : i32 to vector<1x1024xi32>
    %select_n3A = arith.select %eq3A_7, %broadcast_in_dim3A, %get3A_5 : vector<1x1024xi1>, vector<1x1024xi32>
    %iota3A = tpu.iota {dimensions = array<i32: 0>} : vector<1000x1024xi32>
    %eq3A_8 = vector.broadcast %select_n3A : vector<1x1024xi32> to vector<1000x1024xi32>
    %eq3A_9 = arith.cmpi eq, %eq3A_8, %iota3A : vector<1000x1024xi32>
    %convert_element_type3A_10 = arith.extui %eq3A_9 : vector<1000x1024xi1> to vector<1000x1024xi32>
    %convert_element_type3A_11 = arith.sitofp %convert_element_type3A_10 : vector<1000x1024xi32> to vector<1000x1024xf32>
    %swap3A = arith.constant 0 : index
    %swap3A_12 = arith.constant 0 : index
    %swap3A_13 = arith.constant 0 : index
    %swap3A_14 = vector.load %arg3[%swap3A, %swap3A_12, %swap3A_13] : memref<5x1000x1024xf32, #tpu.memory_space<vmem>>, vector<1x1000x1024xf32>
    %swap3A_15 = vector.shape_cast %swap3A_14 : vector<1x1000x1024xf32> to vector<1000x1024xf32>
    %swap3A_16 = vector.shape_cast %convert_element_type3A_11 : vector<1000x1024xf32> to vector<1x1000x1024xf32>
    tpu.vector_store %arg3[%swap3A, %swap3A_12, %swap3A_13], %swap3A_16 {strides = array<i32>} : memref<5x1000x1024xf32, #tpu.memory_space<vmem>>, vector<1x1000x1024xf32>,
    %mul3A = arith.constant 5 : i32
    %mul3A_17 = arith.muli %arg0, %mul3A : i32
    %add3A = arith.constant 0 : i32
    %add3A_18 = arith.addi %mul3A_17, %add3A : i32
    %dma_start3A = arith.constant 0 : i32
    %dma_start3A_19 = arith.constant 0 : i32
    %dma_start3A_20 = tpu.memref_slice %arg4[%dma_start3A_19] : memref<5x!tpu.dma_semaphore, #tpu.memory_space<semaphore_mem>> -> memref<1x!tpu.dma_semaphore, #tpu.memory_space<semaphore_mem>>
    %dma_start3A_21 = tpu.memref_squeeze %dma_start3A_20 : memref<1x!tpu.dma_semaphore, #tpu.memory_space<semaphore_mem>> -> memref<!tpu.dma_semaphore, #tpu.memory_space<semaphore_mem>>
    %dma_start3A_22 = arith.constant 0 : i32
    %dma_start3A_23 = arith.constant 0 : i32
    %dma_start3A_24 = tpu.memref_slice %arg2[%add3A_18, %dma_start3A_22, %dma_start3A_23] : memref<30x1000x1024xf32, #tpu.memory_space<any>> -> memref<1x1000x1024xf32, #tpu.memory_space<any>>
    %dma_start3A_25 = tpu.memref_squeeze %dma_start3A_24 : memref<1x1000x1024xf32, #tpu.memory_space<any>> -> memref<1000x1024xf32, #tpu.memory_space<any>>
    %dma_start3A_26 = arith.constant 0 : i32
    %dma_start3A_27 = arith.constant 0 : i32
    %dma_start3A_28 = tpu.memref_slice %arg3[%dma_start3A, %dma_start3A_26, %dma_start3A_27] : memref<5x1000x1024xf32, #tpu.memory_space<vmem>> -> memref<1x1000x1024xf32, #tpu.memory_space<vmem>>
    %dma_start3A_29 = tpu.memref_squeeze %dma_start3A_28 : memref<1x1000x1024xf32, #tpu.memory_space<vmem>> -> memref<1000x1024xf32, #tpu.memory_space<vmem>>
    tpu.enqueue_dma source(%dma_start3A_29 : memref<1000x1024xf32, #tpu.memory_space<vmem>>) target(%dma_start3A_25 : memref<1000x1024xf32, #tpu.memory_space<any>>) target_semaphore(%dma_start3A_21 : memref<!tpu.dma_semaphore, #tpu.memory_space<semaphore_mem>>)
    %gt3A_30 = arith.constant 0 : i32
    %gt3A_31 = arith.cmpi sgt, %arg0, %gt3A_30 : i32
    %convert_element_type3A_32 = arith.extui %gt3A_31 : i1 to i32
    %cond3A_33 = arith.constant 0 : i32
    %cond3A_34 = arith.cmpi ne, %convert_element_type3A_32, %cond3A_33 : i32
    scf.if %cond3A_34 {
      %sub3A = arith.constant 1 : i32
      %sub3A_207 = arith.subi %arg0, %sub3A : i32
      %mul3A_208 = arith.constant 5 : i32
      %mul3A_209 = arith.muli %sub3A_207, %mul3A_208 : i32
      %add3A_210 = arith.constant 1 : i32
      %add3A_211 = arith.addi %mul3A_209, %add3A_210 : i32
      %dma_wait3A = arith.constant 1 : i32
      %dma_wait3A_212 = arith.constant 1 : i32
      %dma_wait3A_213 = tpu.memref_slice %arg4[%dma_wait3A_212] : memref<5x!tpu.dma_semaphore, #tpu.memory_space<semaphore_mem>> -> memref<1x!tpu.dma_semaphore, #tpu.memory_space<semaphore_mem>>
      %dma_wait3A_214 = tpu.memref_squeeze %dma_wait3A_213 : memref<1x!tpu.dma_semaphore, #tpu.memory_space<semaphore_mem>> -> memref<!tpu.dma_semaphore, #tpu.memory_space<semaphore_mem>>
      %dma_wait3A_215 = arith.constant 0 : i32
      %dma_wait3A_216 = arith.constant 0 : i32
      %dma_wait3A_217 = tpu.memref_slice %arg2[%add3A_211, %dma_wait3A_215, %dma_wait3A_216] : memref<30x1000x1024xf32, #tpu.memory_space<any>> -> memref<1x1000x1024xf32, #tpu.memory_space<any>>
      %dma_wait3A_218 = tpu.memref_squeeze %dma_wait3A_217 : memref<1x1000x1024xf32, #tpu.memory_space<any>> -> memref<1000x1024xf32, #tpu.memory_space<any>>
      %dma_wait3A_219 = arith.constant 0 : i32
      %dma_wait3A_220 = arith.constant 0 : i32
      %dma_wait3A_221 = tpu.memref_slice %arg3[%dma_wait3A, %dma_wait3A_219, %dma_wait3A_220] : memref<5x1000x1024xf32, #tpu.memory_space<vmem>> -> memref<1x1000x1024xf32, #tpu.memory_space<vmem>>
      %dma_wait3A_222 = tpu.memref_squeeze %dma_wait3A_221 : memref<1x1000x1024xf32, #tpu.memory_space<vmem>> -> memref<1000x1024xf32, #tpu.memory_space<vmem>>
      tpu.wait_dma2 semaphore(%dma_wait3A_214 : memref<!tpu.dma_semaphore, #tpu.memory_space<semaphore_mem>>) src(%dma_wait3A_222 : memref<1000x1024xf32, #tpu.memory_space<vmem>>) dst(%dma_wait3A_218 : memref<1000x1024xf32, #tpu.memory_space<any>>)
    } else {
    }
    %get3A_35 = arith.constant 1 : index
    %get3A_36 = arith.constant 0 : index
    %get3A_37 = arith.constant 0 : index
    %get3A_38 = vector.load %arg1[%get3A_35, %get3A_36, %get3A_37] : memref<5x1x1024xi32, #tpu.memory_space<vmem>>, vector<1x1x1024xi32>
    %get3A_39 = vector.shape_cast %get3A_38 : vector<1x1x1024xi32> to vector<1x1024xi32>
    %eq3A_40 = arith.constant 0 : i32
    %eq3A_41 = vector.broadcast %eq3A_40 : i32 to vector<1x1024xi32>
    %eq3A_42 = arith.cmpi eq, %get3A_39, %eq3A_41 : vector<1x1024xi32>
    %jit3A_43 = arith.constant -1 : i32
    %broadcast_in_dim3A_44 = vector.broadcast %jit3A_43 : i32 to vector<1x1024xi32>
    %select_n3A_45 = arith.select %eq3A_42, %broadcast_in_dim3A_44, %get3A_39 : vector<1x1024xi1>, vector<1x1024xi32>
    %iota3A_46 = tpu.iota {dimensions = array<i32: 0>} : vector<1000x1024xi32>
    %eq3A_47 = vector.broadcast %select_n3A_45 : vector<1x1024xi32> to vector<1000x1024xi32>
    %eq3A_48 = arith.cmpi eq, %eq3A_47, %iota3A_46 : vector<1000x1024xi32>
    %convert_element_type3A_49 = arith.extui %eq3A_48 : vector<1000x1024xi1> to vector<1000x1024xi32>
    %convert_element_type3A_50 = arith.sitofp %convert_element_type3A_49 : vector<1000x1024xi32> to vector<1000x1024xf32>
    %swap3A_51 = arith.constant 1 : index
    %swap3A_52 = arith.constant 0 : index
    %swap3A_53 = arith.constant 0 : index
    %swap3A_54 = vector.load %arg3[%swap3A_51, %swap3A_52, %swap3A_53] : memref<5x1000x1024xf32, #tpu.memory_space<vmem>>, vector<1x1000x1024xf32>
    %swap3A_55 = vector.shape_cast %swap3A_54 : vector<1x1000x1024xf32> to vector<1000x1024xf32>
    %swap3A_56 = vector.shape_cast %convert_element_type3A_50 : vector<1000x1024xf32> to vector<1x1000x1024xf32>
    tpu.vector_store %arg3[%swap3A_51, %swap3A_52, %swap3A_53], %swap3A_56 {strides = array<i32>} : memref<5x1000x1024xf32, #tpu.memory_space<vmem>>, vector<1x1000x1024xf32>,
    %mul3A_57 = arith.constant 5 : i32
    %mul3A_58 = arith.muli %arg0, %mul3A_57 : i32
    %add3A_59 = arith.constant 1 : i32
    %add3A_60 = arith.addi %mul3A_58, %add3A_59 : i32
    %dma_start3A_61 = arith.constant 1 : i32
    %dma_start3A_62 = arith.constant 1 : i32
    %dma_start3A_63 = tpu.memref_slice %arg4[%dma_start3A_62] : memref<5x!tpu.dma_semaphore, #tpu.memory_space<semaphore_mem>> -> memref<1x!tpu.dma_semaphore, #tpu.memory_space<semaphore_mem>>
    %dma_start3A_64 = tpu.memref_squeeze %dma_start3A_63 : memref<1x!tpu.dma_semaphore, #tpu.memory_space<semaphore_mem>> -> memref<!tpu.dma_semaphore, #tpu.memory_space<semaphore_mem>>
    %dma_start3A_65 = arith.constant 0 : i32
    %dma_start3A_66 = arith.constant 0 : i32
    %dma_start3A_67 = tpu.memref_slice %arg2[%add3A_60, %dma_start3A_65, %dma_start3A_66] : memref<30x1000x1024xf32, #tpu.memory_space<any>> -> memref<1x1000x1024xf32, #tpu.memory_space<any>>
    %dma_start3A_68 = tpu.memref_squeeze %dma_start3A_67 : memref<1x1000x1024xf32, #tpu.memory_space<any>> -> memref<1000x1024xf32, #tpu.memory_space<any>>
    %dma_start3A_69 = arith.constant 0 : i32
    %dma_start3A_70 = arith.constant 0 : i32
    %dma_start3A_71 = tpu.memref_slice %arg3[%dma_start3A_61, %dma_start3A_69, %dma_start3A_70] : memref<5x1000x1024xf32, #tpu.memory_space<vmem>> -> memref<1x1000x1024xf32, #tpu.memory_space<vmem>>
    %dma_start3A_72 = tpu.memref_squeeze %dma_start3A_71 : memref<1x1000x1024xf32, #tpu.memory_space<vmem>> -> memref<1000x1024xf32, #tpu.memory_space<vmem>>
    tpu.enqueue_dma source(%dma_start3A_72 : memref<1000x1024xf32, #tpu.memory_space<vmem>>) target(%dma_start3A_68 : memref<1000x1024xf32, #tpu.memory_space<any>>) target_semaphore(%dma_start3A_64 : memref<!tpu.dma_semaphore, #tpu.memory_space<semaphore_mem>>)
    %gt3A_73 = arith.constant 0 : i32
    %gt3A_74 = arith.cmpi sgt, %arg0, %gt3A_73 : i32
    %convert_element_type3A_75 = arith.extui %gt3A_74 : i1 to i32
    %cond3A_76 = arith.constant 0 : i32
    %cond3A_77 = arith.cmpi ne, %convert_element_type3A_75, %cond3A_76 : i32
    scf.if %cond3A_77 {
      %sub3A = arith.constant 1 : i32
      %sub3A_207 = arith.subi %arg0, %sub3A : i32
      %mul3A_208 = arith.constant 5 : i32
      %mul3A_209 = arith.muli %sub3A_207, %mul3A_208 : i32
      %add3A_210 = arith.constant 2 : i32
      %add3A_211 = arith.addi %mul3A_209, %add3A_210 : i32
      %dma_wait3A = arith.constant 2 : i32
      %dma_wait3A_212 = arith.constant 2 : i32
      %dma_wait3A_213 = tpu.memref_slice %arg4[%dma_wait3A_212] : memref<5x!tpu.dma_semaphore, #tpu.memory_space<semaphore_mem>> -> memref<1x!tpu.dma_semaphore, #tpu.memory_space<semaphore_mem>>
      %dma_wait3A_214 = tpu.memref_squeeze %dma_wait3A_213 : memref<1x!tpu.dma_semaphore, #tpu.memory_space<semaphore_mem>> -> memref<!tpu.dma_semaphore, #tpu.memory_space<semaphore_mem>>
      %dma_wait3A_215 = arith.constant 0 : i32
      %dma_wait3A_216 = arith.constant 0 : i32
      %dma_wait3A_217 = tpu.memref_slice %arg2[%add3A_211, %dma_wait3A_215, %dma_wait3A_216] : memref<30x1000x1024xf32, #tpu.memory_space<any>> -> memref<1x1000x1024xf32, #tpu.memory_space<any>>
      %dma_wait3A_218 = tpu.memref_squeeze %dma_wait3A_217 : memref<1x1000x1024xf32, #tpu.memory_space<any>> -> memref<1000x1024xf32, #tpu.memory_space<any>>
      %dma_wait3A_219 = arith.constant 0 : i32
      %dma_wait3A_220 = arith.constant 0 : i32
      %dma_wait3A_221 = tpu.memref_slice %arg3[%dma_wait3A, %dma_wait3A_219, %dma_wait3A_220] : memref<5x1000x1024xf32, #tpu.memory_space<vmem>> -> memref<1x1000x1024xf32, #tpu.memory_space<vmem>>
      %dma_wait3A_222 = tpu.memref_squeeze %dma_wait3A_221 : memref<1x1000x1024xf32, #tpu.memory_space<vmem>> -> memref<1000x1024xf32, #tpu.memory_space<vmem>>
      tpu.wait_dma2 semaphore(%dma_wait3A_214 : memref<!tpu.dma_semaphore, #tpu.memory_space<semaphore_mem>>) src(%dma_wait3A_222 : memref<1000x1024xf32, #tpu.memory_space<vmem>>) dst(%dma_wait3A_218 : memref<1000x1024xf32, #tpu.memory_space<any>>)
    } else {
    }
    %get3A_78 = arith.constant 2 : index
    %get3A_79 = arith.constant 0 : index
    %get3A_80 = arith.constant 0 : index
    %get3A_81 = vector.load %arg1[%get3A_78, %get3A_79, %get3A_80] : memref<5x1x1024xi32, #tpu.memory_space<vmem>>, vector<1x1x1024xi32>
    %get3A_82 = vector.shape_cast %get3A_81 : vector<1x1x1024xi32> to vector<1x1024xi32>
    %eq3A_83 = arith.constant 0 : i32
    %eq3A_84 = vector.broadcast %eq3A_83 : i32 to vector<1x1024xi32>
    %eq3A_85 = arith.cmpi eq, %get3A_82, %eq3A_84 : vector<1x1024xi32>
    %jit3A_86 = arith.constant -1 : i32
    %broadcast_in_dim3A_87 = vector.broadcast %jit3A_86 : i32 to vector<1x1024xi32>
    %select_n3A_88 = arith.select %eq3A_85, %broadcast_in_dim3A_87, %get3A_82 : vector<1x1024xi1>, vector<1x1024xi32>
    %iota3A_89 = tpu.iota {dimensions = array<i32: 0>} : vector<1000x1024xi32>
    %eq3A_90 = vector.broadcast %select_n3A_88 : vector<1x1024xi32> to vector<1000x1024xi32>
    %eq3A_91 = arith.cmpi eq, %eq3A_90, %iota3A_89 : vector<1000x1024xi32>
    %convert_element_type3A_92 = arith.extui %eq3A_91 : vector<1000x1024xi1> to vector<1000x1024xi32>
    %convert_element_type3A_93 = arith.sitofp %convert_element_type3A_92 : vector<1000x1024xi32> to vector<1000x1024xf32>
    %swap3A_94 = arith.constant 2 : index
    %swap3A_95 = arith.constant 0 : index
    %swap3A_96 = arith.constant 0 : index
    %swap3A_97 = vector.load %arg3[%swap3A_94, %swap3A_95, %swap3A_96] : memref<5x1000x1024xf32, #tpu.memory_space<vmem>>, vector<1x1000x1024xf32>
    %swap3A_98 = vector.shape_cast %swap3A_97 : vector<1x1000x1024xf32> to vector<1000x1024xf32>
    %swap3A_99 = vector.shape_cast %convert_element_type3A_93 : vector<1000x1024xf32> to vector<1x1000x1024xf32>
    tpu.vector_store %arg3[%swap3A_94, %swap3A_95, %swap3A_96], %swap3A_99 {strides = array<i32>} : memref<5x1000x1024xf32, #tpu.memory_space<vmem>>, vector<1x1000x1024xf32>,
    %mul3A_100 = arith.constant 5 : i32
    %mul3A_101 = arith.muli %arg0, %mul3A_100 : i32
    %add3A_102 = arith.constant 2 : i32
    %add3A_103 = arith.addi %mul3A_101, %add3A_102 : i32
    %dma_start3A_104 = arith.constant 2 : i32
    %dma_start3A_105 = arith.constant 2 : i32
    %dma_start3A_106 = tpu.memref_slice %arg4[%dma_start3A_105] : memref<5x!tpu.dma_semaphore, #tpu.memory_space<semaphore_mem>> -> memref<1x!tpu.dma_semaphore, #tpu.memory_space<semaphore_mem>>
    %dma_start3A_107 = tpu.memref_squeeze %dma_start3A_106 : memref<1x!tpu.dma_semaphore, #tpu.memory_space<semaphore_mem>> -> memref<!tpu.dma_semaphore, #tpu.memory_space<semaphore_mem>>
    %dma_start3A_108 = arith.constant 0 : i32
    %dma_start3A_109 = arith.constant 0 : i32
    %dma_start3A_110 = tpu.memref_slice %arg2[%add3A_103, %dma_start3A_108, %dma_start3A_109] : memref<30x1000x1024xf32, #tpu.memory_space<any>> -> memref<1x1000x1024xf32, #tpu.memory_space<any>>
    %dma_start3A_111 = tpu.memref_squeeze %dma_start3A_110 : memref<1x1000x1024xf32, #tpu.memory_space<any>> -> memref<1000x1024xf32, #tpu.memory_space<any>>
    %dma_start3A_112 = arith.constant 0 : i32
    %dma_start3A_113 = arith.constant 0 : i32
    %dma_start3A_114 = tpu.memref_slice %arg3[%dma_start3A_104, %dma_start3A_112, %dma_start3A_113] : memref<5x1000x1024xf32, #tpu.memory_space<vmem>> -> memref<1x1000x1024xf32, #tpu.memory_space<vmem>>
    %dma_start3A_115 = tpu.memref_squeeze %dma_start3A_114 : memref<1x1000x1024xf32, #tpu.memory_space<vmem>> -> memref<1000x1024xf32, #tpu.memory_space<vmem>>
    tpu.enqueue_dma source(%dma_start3A_115 : memref<1000x1024xf32, #tpu.memory_space<vmem>>) target(%dma_start3A_111 : memref<1000x1024xf32, #tpu.memory_space<any>>) target_semaphore(%dma_start3A_107 : memref<!tpu.dma_semaphore, #tpu.memory_space<semaphore_mem>>)
    %gt3A_116 = arith.constant 0 : i32
    %gt3A_117 = arith.cmpi sgt, %arg0, %gt3A_116 : i32
    %convert_element_type3A_118 = arith.extui %gt3A_117 : i1 to i32
    %cond3A_119 = arith.constant 0 : i32
    %cond3A_120 = arith.cmpi ne, %convert_element_type3A_118, %cond3A_119 : i32
    scf.if %cond3A_120 {
      %sub3A = arith.constant 1 : i32
      %sub3A_207 = arith.subi %arg0, %sub3A : i32
      %mul3A_208 = arith.constant 5 : i32
      %mul3A_209 = arith.muli %sub3A_207, %mul3A_208 : i32
      %add3A_210 = arith.constant 3 : i32
      %add3A_211 = arith.addi %mul3A_209, %add3A_210 : i32
      %dma_wait3A = arith.constant 3 : i32
      %dma_wait3A_212 = arith.constant 3 : i32
      %dma_wait3A_213 = tpu.memref_slice %arg4[%dma_wait3A_212] : memref<5x!tpu.dma_semaphore, #tpu.memory_space<semaphore_mem>> -> memref<1x!tpu.dma_semaphore, #tpu.memory_space<semaphore_mem>>
      %dma_wait3A_214 = tpu.memref_squeeze %dma_wait3A_213 : memref<1x!tpu.dma_semaphore, #tpu.memory_space<semaphore_mem>> -> memref<!tpu.dma_semaphore, #tpu.memory_space<semaphore_mem>>
      %dma_wait3A_215 = arith.constant 0 : i32
      %dma_wait3A_216 = arith.constant 0 : i32
      %dma_wait3A_217 = tpu.memref_slice %arg2[%add3A_211, %dma_wait3A_215, %dma_wait3A_216] : memref<30x1000x1024xf32, #tpu.memory_space<any>> -> memref<1x1000x1024xf32, #tpu.memory_space<any>>
      %dma_wait3A_218 = tpu.memref_squeeze %dma_wait3A_217 : memref<1x1000x1024xf32, #tpu.memory_space<any>> -> memref<1000x1024xf32, #tpu.memory_space<any>>
      %dma_wait3A_219 = arith.constant 0 : i32
      %dma_wait3A_220 = arith.constant 0 : i32
      %dma_wait3A_221 = tpu.memref_slice %arg3[%dma_wait3A, %dma_wait3A_219, %dma_wait3A_220] : memref<5x1000x1024xf32, #tpu.memory_space<vmem>> -> memref<1x1000x1024xf32, #tpu.memory_space<vmem>>
      %dma_wait3A_222 = tpu.memref_squeeze %dma_wait3A_221 : memref<1x1000x1024xf32, #tpu.memory_space<vmem>> -> memref<1000x1024xf32, #tpu.memory_space<vmem>>
      tpu.wait_dma2 semaphore(%dma_wait3A_214 : memref<!tpu.dma_semaphore, #tpu.memory_space<semaphore_mem>>) src(%dma_wait3A_222 : memref<1000x1024xf32, #tpu.memory_space<vmem>>) dst(%dma_wait3A_218 : memref<1000x1024xf32, #tpu.memory_space<any>>)
    } else {
    }
    %get3A_121 = arith.constant 3 : index
    %get3A_122 = arith.constant 0 : index
    %get3A_123 = arith.constant 0 : index
    %get3A_124 = vector.load %arg1[%get3A_121, %get3A_122, %get3A_123] : memref<5x1x1024xi32, #tpu.memory_space<vmem>>, vector<1x1x1024xi32>
    %get3A_125 = vector.shape_cast %get3A_124 : vector<1x1x1024xi32> to vector<1x1024xi32>
    %eq3A_126 = arith.constant 0 : i32
    %eq3A_127 = vector.broadcast %eq3A_126 : i32 to vector<1x1024xi32>
    %eq3A_128 = arith.cmpi eq, %get3A_125, %eq3A_127 : vector<1x1024xi32>
    %jit3A_129 = arith.constant -1 : i32
    %broadcast_in_dim3A_130 = vector.broadcast %jit3A_129 : i32 to vector<1x1024xi32>
    %select_n3A_131 = arith.select %eq3A_128, %broadcast_in_dim3A_130, %get3A_125 : vector<1x1024xi1>, vector<1x1024xi32>
    %iota3A_132 = tpu.iota {dimensions = array<i32: 0>} : vector<1000x1024xi32>
    %eq3A_133 = vector.broadcast %select_n3A_131 : vector<1x1024xi32> to vector<1000x1024xi32>
    %eq3A_134 = arith.cmpi eq, %eq3A_133, %iota3A_132 : vector<1000x1024xi32>
    %convert_element_type3A_135 = arith.extui %eq3A_134 : vector<1000x1024xi1> to vector<1000x1024xi32>
    %convert_element_type3A_136 = arith.sitofp %convert_element_type3A_135 : vector<1000x1024xi32> to vector<1000x1024xf32>
    %swap3A_137 = arith.constant 3 : index
    %swap3A_138 = arith.constant 0 : index
    %swap3A_139 = arith.constant 0 : index
    %swap3A_140 = vector.load %arg3[%swap3A_137, %swap3A_138, %swap3A_139] : memref<5x1000x1024xf32, #tpu.memory_space<vmem>>, vector<1x1000x1024xf32>
    %swap3A_141 = vector.shape_cast %swap3A_140 : vector<1x1000x1024xf32> to vector<1000x1024xf32>
    %swap3A_142 = vector.shape_cast %convert_element_type3A_136 : vector<1000x1024xf32> to vector<1x1000x1024xf32>
    tpu.vector_store %arg3[%swap3A_137, %swap3A_138, %swap3A_139], %swap3A_142 {strides = array<i32>} : memref<5x1000x1024xf32, #tpu.memory_space<vmem>>, vector<1x1000x1024xf32>,
    %mul3A_143 = arith.constant 5 : i32
    %mul3A_144 = arith.muli %arg0, %mul3A_143 : i32
    %add3A_145 = arith.constant 3 : i32
    %add3A_146 = arith.addi %mul3A_144, %add3A_145 : i32
    %dma_start3A_147 = arith.constant 3 : i32
    %dma_start3A_148 = arith.constant 3 : i32
    %dma_start3A_149 = tpu.memref_slice %arg4[%dma_start3A_148] : memref<5x!tpu.dma_semaphore, #tpu.memory_space<semaphore_mem>> -> memref<1x!tpu.dma_semaphore, #tpu.memory_space<semaphore_mem>>
    %dma_start3A_150 = tpu.memref_squeeze %dma_start3A_149 : memref<1x!tpu.dma_semaphore, #tpu.memory_space<semaphore_mem>> -> memref<!tpu.dma_semaphore, #tpu.memory_space<semaphore_mem>>
    %dma_start3A_151 = arith.constant 0 : i32
    %dma_start3A_152 = arith.constant 0 : i32
    %dma_start3A_153 = tpu.memref_slice %arg2[%add3A_146, %dma_start3A_151, %dma_start3A_152] : memref<30x1000x1024xf32, #tpu.memory_space<any>> -> memref<1x1000x1024xf32, #tpu.memory_space<any>>
    %dma_start3A_154 = tpu.memref_squeeze %dma_start3A_153 : memref<1x1000x1024xf32, #tpu.memory_space<any>> -> memref<1000x1024xf32, #tpu.memory_space<any>>
    %dma_start3A_155 = arith.constant 0 : i32
    %dma_start3A_156 = arith.constant 0 : i32
    %dma_start3A_157 = tpu.memref_slice %arg3[%dma_start3A_147, %dma_start3A_155, %dma_start3A_156] : memref<5x1000x1024xf32, #tpu.memory_space<vmem>> -> memref<1x1000x1024xf32, #tpu.memory_space<vmem>>
    %dma_start3A_158 = tpu.memref_squeeze %dma_start3A_157 : memref<1x1000x1024xf32, #tpu.memory_space<vmem>> -> memref<1000x1024xf32, #tpu.memory_space<vmem>>
    tpu.enqueue_dma source(%dma_start3A_158 : memref<1000x1024xf32, #tpu.memory_space<vmem>>) target(%dma_start3A_154 : memref<1000x1024xf32, #tpu.memory_space<any>>) target_semaphore(%dma_start3A_150 : memref<!tpu.dma_semaphore, #tpu.memory_space<semaphore_mem>>)
    %gt3A_159 = arith.constant 0 : i32
    %gt3A_160 = arith.cmpi sgt, %arg0, %gt3A_159 : i32
    %convert_element_type3A_161 = arith.extui %gt3A_160 : i1 to i32
    %cond3A_162 = arith.constant 0 : i32
    %cond3A_163 = arith.cmpi ne, %convert_element_type3A_161, %cond3A_162 : i32
    scf.if %cond3A_163 {
      %sub3A = arith.constant 1 : i32
      %sub3A_207 = arith.subi %arg0, %sub3A : i32
      %mul3A_208 = arith.constant 5 : i32
      %mul3A_209 = arith.muli %sub3A_207, %mul3A_208 : i32
      %add3A_210 = arith.constant 4 : i32
      %add3A_211 = arith.addi %mul3A_209, %add3A_210 : i32
      %dma_wait3A = arith.constant 4 : i32
      %dma_wait3A_212 = arith.constant 4 : i32
      %dma_wait3A_213 = tpu.memref_slice %arg4[%dma_wait3A_212] : memref<5x!tpu.dma_semaphore, #tpu.memory_space<semaphore_mem>> -> memref<1x!tpu.dma_semaphore, #tpu.memory_space<semaphore_mem>>
      %dma_wait3A_214 = tpu.memref_squeeze %dma_wait3A_213 : memref<1x!tpu.dma_semaphore, #tpu.memory_space<semaphore_mem>> -> memref<!tpu.dma_semaphore, #tpu.memory_space<semaphore_mem>>
      %dma_wait3A_215 = arith.constant 0 : i32
      %dma_wait3A_216 = arith.constant 0 : i32
      %dma_wait3A_217 = tpu.memref_slice %arg2[%add3A_211, %dma_wait3A_215, %dma_wait3A_216] : memref<30x1000x1024xf32, #tpu.memory_space<any>> -> memref<1x1000x1024xf32, #tpu.memory_space<any>>
      %dma_wait3A_218 = tpu.memref_squeeze %dma_wait3A_217 : memref<1x1000x1024xf32, #tpu.memory_space<any>> -> memref<1000x1024xf32, #tpu.memory_space<any>>
      %dma_wait3A_219 = arith.constant 0 : i32
      %dma_wait3A_220 = arith.constant 0 : i32
      %dma_wait3A_221 = tpu.memref_slice %arg3[%dma_wait3A, %dma_wait3A_219, %dma_wait3A_220] : memref<5x1000x1024xf32, #tpu.memory_space<vmem>> -> memref<1x1000x1024xf32, #tpu.memory_space<vmem>>
      %dma_wait3A_222 = tpu.memref_squeeze %dma_wait3A_221 : memref<1x1000x1024xf32, #tpu.memory_space<vmem>> -> memref<1000x1024xf32, #tpu.memory_space<vmem>>
      tpu.wait_dma2 semaphore(%dma_wait3A_214 : memref<!tpu.dma_semaphore, #tpu.memory_space<semaphore_mem>>) src(%dma_wait3A_222 : memref<1000x1024xf32, #tpu.memory_space<vmem>>) dst(%dma_wait3A_218 : memref<1000x1024xf32, #tpu.memory_space<any>>)
    } else {
    }
    %get3A_164 = arith.constant 4 : index
    %get3A_165 = arith.constant 0 : index
    %get3A_166 = arith.constant 0 : index
    %get3A_167 = vector.load %arg1[%get3A_164, %get3A_165, %get3A_166] : memref<5x1x1024xi32, #tpu.memory_space<vmem>>, vector<1x1x1024xi32>
    %get3A_168 = vector.shape_cast %get3A_167 : vector<1x1x1024xi32> to vector<1x1024xi32>
    %eq3A_169 = arith.constant 0 : i32
    %eq3A_170 = vector.broadcast %eq3A_169 : i32 to vector<1x1024xi32>
    %eq3A_171 = arith.cmpi eq, %get3A_168, %eq3A_170 : vector<1x1024xi32>
    %jit3A_172 = arith.constant -1 : i32
    %broadcast_in_dim3A_173 = vector.broadcast %jit3A_172 : i32 to vector<1x1024xi32>
    %select_n3A_174 = arith.select %eq3A_171, %broadcast_in_dim3A_173, %get3A_168 : vector<1x1024xi1>, vector<1x1024xi32>
    %iota3A_175 = tpu.iota {dimensions = array<i32: 0>} : vector<1000x1024xi32>
    %eq3A_176 = vector.broadcast %select_n3A_174 : vector<1x1024xi32> to vector<1000x1024xi32>
    %eq3A_177 = arith.cmpi eq, %eq3A_176, %iota3A_175 : vector<1000x1024xi32>
    %convert_element_type3A_178 = arith.extui %eq3A_177 : vector<1000x1024xi1> to vector<1000x1024xi32>
    %convert_element_type3A_179 = arith.sitofp %convert_element_type3A_178 : vector<1000x1024xi32> to vector<1000x1024xf32>
    %swap3A_180 = arith.constant 4 : index
    %swap3A_181 = arith.constant 0 : index
    %swap3A_182 = arith.constant 0 : index
    %swap3A_183 = vector.load %arg3[%swap3A_180, %swap3A_181, %swap3A_182] : memref<5x1000x1024xf32, #tpu.memory_space<vmem>>, vector<1x1000x1024xf32>
    %swap3A_184 = vector.shape_cast %swap3A_183 : vector<1x1000x1024xf32> to vector<1000x1024xf32>
    %swap3A_185 = vector.shape_cast %convert_element_type3A_179 : vector<1000x1024xf32> to vector<1x1000x1024xf32>
    tpu.vector_store %arg3[%swap3A_180, %swap3A_181, %swap3A_182], %swap3A_185 {strides = array<i32>} : memref<5x1000x1024xf32, #tpu.memory_space<vmem>>, vector<1x1000x1024xf32>,
    %mul3A_186 = arith.constant 5 : i32
    %mul3A_187 = arith.muli %arg0, %mul3A_186 : i32
    %add3A_188 = arith.constant 4 : i32
    %add3A_189 = arith.addi %mul3A_187, %add3A_188 : i32
    %dma_start3A_190 = arith.constant 4 : i32
    %dma_start3A_191 = arith.constant 4 : i32
    %dma_start3A_192 = tpu.memref_slice %arg4[%dma_start3A_191] : memref<5x!tpu.dma_semaphore, #tpu.memory_space<semaphore_mem>> -> memref<1x!tpu.dma_semaphore, #tpu.memory_space<semaphore_mem>>
    %dma_start3A_193 = tpu.memref_squeeze %dma_start3A_192 : memref<1x!tpu.dma_semaphore, #tpu.memory_space<semaphore_mem>> -> memref<!tpu.dma_semaphore, #tpu.memory_space<semaphore_mem>>
    %dma_start3A_194 = arith.constant 0 : i32
    %dma_start3A_195 = arith.constant 0 : i32
    %dma_start3A_196 = tpu.memref_slice %arg2[%add3A_189, %dma_start3A_194, %dma_start3A_195] : memref<30x1000x1024xf32, #tpu.memory_space<any>> -> memref<1x1000x1024xf32, #tpu.memory_space<any>>
    %dma_start3A_197 = tpu.memref_squeeze %dma_start3A_196 : memref<1x1000x1024xf32, #tpu.memory_space<any>> -> memref<1000x1024xf32, #tpu.memory_space<any>>
    %dma_start3A_198 = arith.constant 0 : i32
    %dma_start3A_199 = arith.constant 0 : i32
    %dma_start3A_200 = tpu.memref_slice %arg3[%dma_start3A_190, %dma_start3A_198, %dma_start3A_199] : memref<5x1000x1024xf32, #tpu.memory_space<vmem>> -> memref<1x1000x1024xf32, #tpu.memory_space<vmem>>
    %dma_start3A_201 = tpu.memref_squeeze %dma_start3A_200 : memref<1x1000x1024xf32, #tpu.memory_space<vmem>> -> memref<1000x1024xf32, #tpu.memory_space<vmem>>
    tpu.enqueue_dma source(%dma_start3A_201 : memref<1000x1024xf32, #tpu.memory_space<vmem>>) target(%dma_start3A_197 : memref<1000x1024xf32, #tpu.memory_space<any>>) target_semaphore(%dma_start3A_193 : memref<!tpu.dma_semaphore, #tpu.memory_space<semaphore_mem>>)
    %eq3A_202 = arith.constant 5 : i32
    %eq3A_203 = arith.cmpi eq, %arg0, %eq3A_202 : i32
    %convert_element_type3A_204 = arith.extui %eq3A_203 : i1 to i32
    %cond3A_205 = arith.constant 0 : i32
    %cond3A_206 = arith.cmpi ne, %convert_element_type3A_204, %cond3A_205 : i32
    scf.if %cond3A_206 {
      %mul3A_207 = arith.constant 5 : i32
      %mul3A_208 = arith.muli %arg0, %mul3A_207 : i32
      %add3A_209 = arith.constant 0 : i32
      %add3A_210 = arith.addi %mul3A_208, %add3A_209 : i32
      %dma_wait3A = arith.constant 0 : i32
      %dma_wait3A_211 = arith.constant 0 : i32
      %dma_wait3A_212 = tpu.memref_slice %arg4[%dma_wait3A_211] : memref<5x!tpu.dma_semaphore, #tpu.memory_space<semaphore_mem>> -> memref<1x!tpu.dma_semaphore, #tpu.memory_space<semaphore_mem>>
      %dma_wait3A_213 = tpu.memref_squeeze %dma_wait3A_212 : memref<1x!tpu.dma_semaphore, #tpu.memory_space<semaphore_mem>> -> memref<!tpu.dma_semaphore, #tpu.memory_space<semaphore_mem>>
      %dma_wait3A_214 = arith.constant 0 : i32
      %dma_wait3A_215 = arith.constant 0 : i32
      %dma_wait3A_216 = tpu.memref_slice %arg2[%add3A_210, %dma_wait3A_214, %dma_wait3A_215] : memref<30x1000x1024xf32, #tpu.memory_space<any>> -> memref<1x1000x1024xf32, #tpu.memory_space<any>>
      %dma_wait3A_217 = tpu.memref_squeeze %dma_wait3A_216 : memref<1x1000x1024xf32, #tpu.memory_space<any>> -> memref<1000x1024xf32, #tpu.memory_space<any>>
      %dma_wait3A_218 = arith.constant 0 : i32
      %dma_wait3A_219 = arith.constant 0 : i32
      %dma_wait3A_220 = tpu.memref_slice %arg3[%dma_wait3A, %dma_wait3A_218, %dma_wait3A_219] : memref<5x1000x1024xf32, #tpu.memory_space<vmem>> -> memref<1x1000x1024xf32, #tpu.memory_space<vmem>>
      %dma_wait3A_221 = tpu.memref_squeeze %dma_wait3A_220 : memref<1x1000x1024xf32, #tpu.memory_space<vmem>> -> memref<1000x1024xf32, #tpu.memory_space<vmem>>
      tpu.wait_dma2 semaphore(%dma_wait3A_213 : memref<!tpu.dma_semaphore, #tpu.memory_space<semaphore_mem>>) src(%dma_wait3A_221 : memref<1000x1024xf32, #tpu.memory_space<vmem>>) dst(%dma_wait3A_217 : memref<1000x1024xf32, #tpu.memory_space<any>>)
      %mul3A_222 = arith.constant 5 : i32
      %mul3A_223 = arith.muli %arg0, %mul3A_222 : i32
      %add3A_224 = arith.constant 1 : i32
      %add3A_225 = arith.addi %mul3A_223, %add3A_224 : i32
      %dma_wait3A_226 = arith.constant 1 : i32
      %dma_wait3A_227 = arith.constant 1 : i32
      %dma_wait3A_228 = tpu.memref_slice %arg4[%dma_wait3A_227] : memref<5x!tpu.dma_semaphore, #tpu.memory_space<semaphore_mem>> -> memref<1x!tpu.dma_semaphore, #tpu.memory_space<semaphore_mem>>
      %dma_wait3A_229 = tpu.memref_squeeze %dma_wait3A_228 : memref<1x!tpu.dma_semaphore, #tpu.memory_space<semaphore_mem>> -> memref<!tpu.dma_semaphore, #tpu.memory_space<semaphore_mem>>
      %dma_wait3A_230 = arith.constant 0 : i32
      %dma_wait3A_231 = arith.constant 0 : i32
      %dma_wait3A_232 = tpu.memref_slice %arg2[%add3A_225, %dma_wait3A_230, %dma_wait3A_231] : memref<30x1000x1024xf32, #tpu.memory_space<any>> -> memref<1x1000x1024xf32, #tpu.memory_space<any>>
      %dma_wait3A_233 = tpu.memref_squeeze %dma_wait3A_232 : memref<1x1000x1024xf32, #tpu.memory_space<any>> -> memref<1000x1024xf32, #tpu.memory_space<any>>
      %dma_wait3A_234 = arith.constant 0 : i32
      %dma_wait3A_235 = arith.constant 0 : i32
      %dma_wait3A_236 = tpu.memref_slice %arg3[%dma_wait3A_226, %dma_wait3A_234, %dma_wait3A_235] : memref<5x1000x1024xf32, #tpu.memory_space<vmem>> -> memref<1x1000x1024xf32, #tpu.memory_space<vmem>>
      %dma_wait3A_237 = tpu.memref_squeeze %dma_wait3A_236 : memref<1x1000x1024xf32, #tpu.memory_space<vmem>> -> memref<1000x1024xf32, #tpu.memory_space<vmem>>
      tpu.wait_dma2 semaphore(%dma_wait3A_229 : memref<!tpu.dma_semaphore, #tpu.memory_space<semaphore_mem>>) src(%dma_wait3A_237 : memref<1000x1024xf32, #tpu.memory_space<vmem>>) dst(%dma_wait3A_233 : memref<1000x1024xf32, #tpu.memory_space<any>>)
      %mul3A_238 = arith.constant 5 : i32
      %mul3A_239 = arith.muli %arg0, %mul3A_238 : i32
      %add3A_240 = arith.constant 2 : i32
      %add3A_241 = arith.addi %mul3A_239, %add3A_240 : i32
      %dma_wait3A_242 = arith.constant 2 : i32
      %dma_wait3A_243 = arith.constant 2 : i32
      %dma_wait3A_244 = tpu.memref_slice %arg4[%dma_wait3A_243] : memref<5x!tpu.dma_semaphore, #tpu.memory_space<semaphore_mem>> -> memref<1x!tpu.dma_semaphore, #tpu.memory_space<semaphore_mem>>
      %dma_wait3A_245 = tpu.memref_squeeze %dma_wait3A_244 : memref<1x!tpu.dma_semaphore, #tpu.memory_space<semaphore_mem>> -> memref<!tpu.dma_semaphore, #tpu.memory_space<semaphore_mem>>
      %dma_wait3A_246 = arith.constant 0 : i32
      %dma_wait3A_247 = arith.constant 0 : i32
      %dma_wait3A_248 = tpu.memref_slice %arg2[%add3A_241, %dma_wait3A_246, %dma_wait3A_247] : memref<30x1000x1024xf32, #tpu.memory_space<any>> -> memref<1x1000x1024xf32, #tpu.memory_space<any>>
      %dma_wait3A_249 = tpu.memref_squeeze %dma_wait3A_248 : memref<1x1000x1024xf32, #tpu.memory_space<any>> -> memref<1000x1024xf32, #tpu.memory_space<any>>
      %dma_wait3A_250 = arith.constant 0 : i32
      %dma_wait3A_251 = arith.constant 0 : i32
      %dma_wait3A_252 = tpu.memref_slice %arg3[%dma_wait3A_242, %dma_wait3A_250, %dma_wait3A_251] : memref<5x1000x1024xf32, #tpu.memory_space<vmem>> -> memref<1x1000x1024xf32, #tpu.memory_space<vmem>>
      %dma_wait3A_253 = tpu.memref_squeeze %dma_wait3A_252 : memref<1x1000x1024xf32, #tpu.memory_space<vmem>> -> memref<1000x1024xf32, #tpu.memory_space<vmem>>
      tpu.wait_dma2 semaphore(%dma_wait3A_245 : memref<!tpu.dma_semaphore, #tpu.memory_space<semaphore_mem>>) src(%dma_wait3A_253 : memref<1000x1024xf32, #tpu.memory_space<vmem>>) dst(%dma_wait3A_249 : memref<1000x1024xf32, #tpu.memory_space<any>>)
      %mul3A_254 = arith.constant 5 : i32
      %mul3A_255 = arith.muli %arg0, %mul3A_254 : i32
      %add3A_256 = arith.constant 3 : i32
      %add3A_257 = arith.addi %mul3A_255, %add3A_256 : i32
      %dma_wait3A_258 = arith.constant 3 : i32
      %dma_wait3A_259 = arith.constant 3 : i32
      %dma_wait3A_260 = tpu.memref_slice %arg4[%dma_wait3A_259] : memref<5x!tpu.dma_semaphore, #tpu.memory_space<semaphore_mem>> -> memref<1x!tpu.dma_semaphore, #tpu.memory_space<semaphore_mem>>
      %dma_wait3A_261 = tpu.memref_squeeze %dma_wait3A_260 : memref<1x!tpu.dma_semaphore, #tpu.memory_space<semaphore_mem>> -> memref<!tpu.dma_semaphore, #tpu.memory_space<semaphore_mem>>
      %dma_wait3A_262 = arith.constant 0 : i32
      %dma_wait3A_263 = arith.constant 0 : i32
      %dma_wait3A_264 = tpu.memref_slice %arg2[%add3A_257, %dma_wait3A_262, %dma_wait3A_263] : memref<30x1000x1024xf32, #tpu.memory_space<any>> -> memref<1x1000x1024xf32, #tpu.memory_space<any>>
      %dma_wait3A_265 = tpu.memref_squeeze %dma_wait3A_264 : memref<1x1000x1024xf32, #tpu.memory_space<any>> -> memref<1000x1024xf32, #tpu.memory_space<any>>
      %dma_wait3A_266 = arith.constant 0 : i32
      %dma_wait3A_267 = arith.constant 0 : i32
      %dma_wait3A_268 = tpu.memref_slice %arg3[%dma_wait3A_258, %dma_wait3A_266, %dma_wait3A_267] : memref<5x1000x1024xf32, #tpu.memory_space<vmem>> -> memref<1x1000x1024xf32, #tpu.memory_space<vmem>>
      %dma_wait3A_269 = tpu.memref_squeeze %dma_wait3A_268 : memref<1x1000x1024xf32, #tpu.memory_space<vmem>> -> memref<1000x1024xf32, #tpu.memory_space<vmem>>
      tpu.wait_dma2 semaphore(%dma_wait3A_261 : memref<!tpu.dma_semaphore, #tpu.memory_space<semaphore_mem>>) src(%dma_wait3A_269 : memref<1000x1024xf32, #tpu.memory_space<vmem>>) dst(%dma_wait3A_265 : memref<1000x1024xf32, #tpu.memory_space<any>>)
      %mul3A_270 = arith.constant 5 : i32
      %mul3A_271 = arith.muli %arg0, %mul3A_270 : i32
      %add3A_272 = arith.constant 4 : i32
      %add3A_273 = arith.addi %mul3A_271, %add3A_272 : i32
      %dma_wait3A_274 = arith.constant 4 : i32
      %dma_wait3A_275 = arith.constant 4 : i32
      %dma_wait3A_276 = tpu.memref_slice %arg4[%dma_wait3A_275] : memref<5x!tpu.dma_semaphore, #tpu.memory_space<semaphore_mem>> -> memref<1x!tpu.dma_semaphore, #tpu.memory_space<semaphore_mem>>
      %dma_wait3A_277 = tpu.memref_squeeze %dma_wait3A_276 : memref<1x!tpu.dma_semaphore, #tpu.memory_space<semaphore_mem>> -> memref<!tpu.dma_semaphore, #tpu.memory_space<semaphore_mem>>
      %dma_wait3A_278 = arith.constant 0 : i32
      %dma_wait3A_279 = arith.constant 0 : i32
      %dma_wait3A_280 = tpu.memref_slice %arg2[%add3A_273, %dma_wait3A_278, %dma_wait3A_279] : memref<30x1000x1024xf32, #tpu.memory_space<any>> -> memref<1x1000x1024xf32, #tpu.memory_space<any>>
      %dma_wait3A_281 = tpu.memref_squeeze %dma_wait3A_280 : memref<1x1000x1024xf32, #tpu.memory_space<any>> -> memref<1000x1024xf32, #tpu.memory_space<any>>
      %dma_wait3A_282 = arith.constant 0 : i32
      %dma_wait3A_283 = arith.constant 0 : i32
      %dma_wait3A_284 = tpu.memref_slice %arg3[%dma_wait3A_274, %dma_wait3A_282, %dma_wait3A_283] : memref<5x1000x1024xf32, #tpu.memory_space<vmem>> -> memref<1x1000x1024xf32, #tpu.memory_space<vmem>>
      %dma_wait3A_285 = tpu.memref_squeeze %dma_wait3A_284 : memref<1x1000x1024xf32, #tpu.memory_space<vmem>> -> memref<1000x1024xf32, #tpu.memory_space<vmem>>
      tpu.wait_dma2 semaphore(%dma_wait3A_277 : memref<!tpu.dma_semaphore, #tpu.memory_space<semaphore_mem>>) src(%dma_wait3A_285 : memref<1000x1024xf32, #tpu.memory_space<vmem>>) dst(%dma_wait3A_281 : memref<1000x1024xf32, #tpu.memory_space<any>>)
    } else {
    }
    return
  }
  func.func @transform_0(%arg0: i32) -> (i32, i32, i32) {
    %c0_i32 = arith.constant 0 : i32
    %c0_i32_0 = arith.constant 0 : i32
    %c0_i32_1 = arith.constant 0 : i32
    return %arg0, %c0_i32, %c0_i32_0 : i32, i32, i32
  }
}

</mosaic_0001>

<sc_bundles>
// kernel: kernel.4.cloned.1.call-start
scs
__scs_entry_jumppad:
0x0: {  	(pc) =	sbr.rel $0x88, $3  }
0x1: {  	(tag) =	ssettag $0x0;
	lr =	simm.s32 $0x1  }
0x2: {  	[smem:$0x3F9F] =	sst lr;
	_ =	strace $0xD0000000  }
0x3: {  	_ = 	snop  }
0x4: {  	_ = 	snop  }
0x5: {  	_ = 	snop  }
0x6: {  	_ = 	snop  }
0x7: {  	_ = 	snop  }
__scs_overlays_trampoline_lowered:
0x8: {  	[smem:$0x3FAE] =	sst s0  }
0x9: {  	[smem:$0x3FAF] =	sst s1  }
0xa: {  	[smem:$0x3FB0] =	sst s2  }
0xb: {  	[smem:$0x3FB1] =	sst s3  }
0xc: {  	[smem:$0x3FB2] =	sst s4  }
0xd: {  	[smem:$0x3FB3] =	sst s5  }
0xe: {  	[smem:$0x3FB4] =	sst s6  }
0xf: {  	[smem:$0x3FB5] =	sst s7  }
0x10: {  	[smem:$0x3FB6] =	sst s8  }
0x11: {  	[smem:$0x3FB7] =	sst s9;
	s0 =	simm.s32 @!p0 $0x0  }
0x12: {  	s1 =	sld [smem:$0x3F9D];
	s0 =	simm.s32 @p0 $0x1  }
0x13: {  	[smem:$0x3FB8] =	sst s0;
	s0 =	simm.s32 @!p1 $0x0  }
0x14: {  	s2 =	sld [smem:$0x3F9C];
	s0 =	simm.s32 @p1 $0x1  }
0x15: {  	[smem:$0x3FB9] =	sst s0;
	s0 =	simm.s32 @!p2 $0x0  }
0x16: {  	s3 =	sld [smem:$0x3FDB];
	s0 =	simm.s32 @p2 $0x1  }
0x17: {  	s4 =	simm.s32 $0x1BF5;
	[smem:$0x3FBB] =	sst s0  }
0x18: {  	s0 =	sld [smem:$0x3F9E];
	_ =	swait.ge [sflag:s4], $0x0  }
0x19: {  	s7 =	sld [smem:$0x3F9F]  }
0x1a: {  	s8 =	sadd.s32 $0xFFFFE003, lr  }
0x1b: {  	s9 =	sadd.s32 $0xFFFFFEF7, lr;
	s5 =	simm.s32 $0xFFFFFFFF;
	p2 =	slt.u32 s8, $0xFFFFF086  }
0x1c: {  	p1 =	slt.u32 s9, $0xF7A;
	s5 =	simm.s32 @!p2 $0x0  }
0x1d: {  	s5 =	simm.s32 @p1 $0x1;
	p0 =	seq.s32 s7, s2  }
0x1e: {  	s7 =	smul.u32 @!p0 $0xF7A, s2;
	p2 =	seq.s32 @!p0 s5, $0x0  }
0x1f: {  	s9 =	smul.u32 $0xF7A, s1;
	s8 =	simm.s32 @!p0 $0x1BF5;
	p2 =	por !p2, p0  }
0x20: {  	[sflag:s8] =	ssyncset.s32 @!p0 $0xFFFFF086;
	s6 =	sadd.s32 @!p0 s3, s7;
	s7 =	simm.s32 @!p0 $0x108  }
0x21: {  	s3 =	sadd.s32 s3, s9;
	s6 =	sadd.s32 @!p0 $0x88, s6;
	s7 =	simm.s32 @p2 $0x1082  }
0x22: {  	[simem:s7], [sflag:s8] =	dma.local @!p0 [hbm:s6], $0xF7A  }
0x23: {  	s9 =	sor.u32 $0xD0000000, s2;
	s6 =	simm.s32 $0x108;
	_ =	swait.ge @!p0 [sflag:s8], $0x0  }
0x24: {  	s3 =	sadd.s32 $0x88, s3;
	s6 =	simm.s32 @!p1 $0x1082;
	[sflag:s4] =	ssyncset.s32 $0xFFFFF086  }
0x25: {  	[simem:s6], [sflag:s4] =	dma.local [hbm:s3], $0xF7A  }
0x26: {  	[smem:$0x3F9F] =	sst s1;
	(tag) =	ssettag s2;
	_ =	strace s9  }
0x27: {  	s1 =	sld [smem:$0x3FAF]  }
0x28: {  	s2 =	sld [smem:$0x3FB0]  }
0x29: {  	s4 =	sld [smem:$0x3FB2]  }
0x2a: {  	p0 =	seq.s32 s5, $0x0;
	s5 =	sld [smem:$0x3FB3]  }
0x2b: {  	s6 =	sld [smem:$0x3FB4]  }
0x2c: {  	s7 =	sld [smem:$0x3FB5]  }
0x2d: {  	s3 =	simm.s32 $0x108;
	s8 =	sld [smem:$0x3FB6]  }
0x2e: {  	s3 =	simm.s32 @!p0 $0x1082;
	s9 =	sld [smem:$0x3FB7]  }
0x2f: {  	lr =	sadd.s32 s0, s3;
	s0 =	sld [smem:$0x3FAE]  }
0x30: {  	s3 =	sld [smem:$0x3FB1]  }
0x31: {  	[smem:$0x3FBA] =	sst s10  }
0x32: {  	s10 =	sld [smem:$0x3FB8];
	_ =	sdelay $0x3  }
0x33: {  	p0 =	seq.s32 s10, $0x1;
	s10 =	sld [smem:$0x3FBA];
	_ =	sdelay $0x3  }
0x34: {  	[smem:$0x3FBA] =	sst s10  }
0x35: {  	s10 =	sld [smem:$0x3FB9];
	_ =	sdelay $0x3  }
0x36: {  	p1 =	seq.s32 s10, $0x1;
	s10 =	sld [smem:$0x3FBA];
	_ =	sdelay $0x3  }
0x37: {  	[smem:$0x3FBA] =	sst s10  }
0x38: {  	s10 =	sld [smem:$0x3FBB]  }
0x39: {  	_ = 	snop;
	(pc) =	sbr.ind lr, $3  }
0x3a: {  	_ = 	snop  }
0x3b: {  	_ = 	snop  }
0x3c: {  	p2 =	seq.s32 s10, $0x1;
	s10 =	sld [smem:$0x3FBA]  }
0x3d: {  	_ =	shalt  }
0x3e: {  	_ =	shalt  }
0x3f: {  	_ =	shalt  }
0x40: {  	_ =	shalt  }
0x41: {  	_ =	shalt  }
0x42: {  	_ =	shalt  }
0x43: {  	_ =	shalt  }
0x44: {  	_ =	shalt  }
0x45: {  	_ =	shalt  }
0x46: {  	_ =	shalt  }
0x47: {  	_ =	shalt  }
0x48: {  	_ =	shalt  }
0x49: {  	_ =	shalt  }
0x4a: {  	_ =	shalt  }
0x4b: {  	_ =	shalt  }
0x4c: {  	_ =	shalt  }
0x4d: {  	_ =	shalt  }
0x4e: {  	_ =	shalt  }
0x4f: {  	_ =	shalt  }
0x50: {  	_ =	shalt  }
0x51: {  	_ =	shalt  }
0x52: {  	_ =	shalt  }
0x53: {  	_ =	shalt  }
0x54: {  	_ =	shalt  }
0x55: {  	_ =	shalt  }
0x56: {  	_ =	shalt  }
0x57: {  	_ =	shalt  }
0x58: {  	_ =	shalt  }
0x59: {  	_ =	shalt  }
0x5a: {  	_ =	shalt  }
0x5b: {  	_ =	shalt  }
0x5c: {  	_ =	shalt  }
0x5d: {  	_ =	shalt  }
0x5e: {  	_ =	shalt  }
0x5f: {  	_ =	shalt  }
0x60: {  	_ =	shalt  }
0x61: {  	_ =	shalt  }
0x62: {  	_ =	shalt  }
0x63: {  	_ =	shalt  }
0x64: {  	_ =	shalt  }
0x65: {  	_ =	shalt  }
0x66: {  	_ =	shalt  }
0x67: {  	_ =	shalt  }
0x68: {  	_ =	shalt  }
0x69: {  	_ =	shalt  }
0x6a: {  	_ =	shalt  }
0x6b: {  	_ =	shalt  }
0x6c: {  	_ =	shalt  }
0x6d: {  	_ =	shalt  }
0x6e: {  	_ =	shalt  }
0x6f: {  	_ =	shalt  }
0x70: {  	_ =	shalt  }
0x71: {  	_ =	shalt  }
0x72: {  	_ =	shalt  }
0x73: {  	_ =	shalt  }
0x74: {  	_ =	shalt  }
0x75: {  	_ =	shalt  }
0x76: {  	_ =	shalt  }
0x77: {  	_ =	shalt  }
0x78: {  	_ =	shalt  }
0x79: {  	_ =	shalt  }
0x7a: {  	_ =	shalt  }
0x7b: {  	_ =	shalt  }
0x7c: {  	_ =	shalt  }
0x7d: {  	_ =	shalt  }
0x7e: {  	_ =	shalt  }
0x7f: {  	_ =	shalt  }
0x80: {  	_ =	shalt  }
0x81: {  	_ =	shalt  }
0x82: {  	_ =	shalt  }
0x83: {  	_ =	shalt  }
0x84: {  	_ =	shalt  }
0x85: {  	_ =	shalt  }
0x86: {  	_ =	shalt  }
0x87: {  	_ =	shalt  }
.Lfunc_end0:
.L_simem_size_0:
called_computation_lowered:
.L_overlay_start_0:
0x88: {  	s2 =	sld [smem:$0x3FD9]  }
0x89: {  	s3 =	sld [smem:$0x3FFE];
	_ =	sdelay $0x1  }
0x8a: {  	s1 =	srdreg.scid  }
0x8b: {  	s0 =	sand.u32 $0x1, s1  }
0x8c: {  	s14 =	sshll.u32 s0, $0xA;
	s2 =	sadd.s32 s3, s2  }
0x8d: {  	s2 =	sadd.s32 s2, s14  }
0x8e: {  	[smem:$0x3FC6] =	sst s2  }
0x8f: {  	_ = 	snop  }
0x90: {  	s2 =	sld [smem:$0x3FD0];
	_ =	sdelay $0x2  }
0x91: {  	s15 =	simm.s32 $0xA;
	s4 =	simm.s32 $0x10  }
0x92: {  	[smem:s4], [sflag:s15] =	dma.local [hbm:s2], $0x1  }
0x93: {  	_ =	swait.eq [sflag:s15], $0x1  }
0x94: {  	[sflag:s15] =	ssyncset.done $0x0  }
0x95: {  	[sflag:s15] =	ssyncadd.s32 $0xFFFFFFFF  }
0x96: {  	s16 =	sld [smem:$0x10];
	(tm) =	ssettm $0x1  }
0x97: {  	s17 =	sld [smem:$0x3FFB];
	_ =	sdelay $0x3  }
0x98: {  	_ =	strace s17  }
0x99: {  	s3 =	sld [smem:$0x3FFC];
	_ =	sdelay $0x3  }
0x9a: {  	_ =	strace s3  }
0x9b: {  	s3 =	sld [smem:$0x3FFD];
	_ =	sdelay $0x3  }
0x9c: {  	_ =	strace s3  }
0x9d: {  	_ =	strace $0x8FFFFFFF  }
0x9e: {  	s18 =	sld [smem:$0x3FDB];
	_ =	sdelay $0x1  }
0x9f: {  	s19 =	simm.s32 $_scs_section_size  }
0xa0: {  	s5 =	simm.s32 $_size__tile_overlayer_lowered;
	s6 =	simm.s32 $_tile_overlayer_lowered  }
0xa1: {  	s22 =	simm.s32 $0x1BFF;
	s21 =	sshll.u32 s6, $0x1;
	s3 =	sadd.s32 s19, s18  }
0xa2: {  	s7 =	simm.s32 $0x0;
	s20 =	sshll.u32 s5, $0x1;
	s5 =	sadd.s32 s21, s3  }
0xa3: {  	[timem:s7], [sflag:s22] =	dma.local [hbm:s5], s20  }
0xa4: {  	_ =	swait.ge [sflag:s22], s20  }
0xa5: {  	s4 =	ssub.s32 $0x0, s20;
	[sflag:s22] =	ssyncset.done $0x0  }
0xa6: {  	[sflag:s22] =	ssyncadd.s32 s4;
	_ =	sdelay $0x1  }
0xa7: {  	s23 =	simm.s32 $0x1B8B  }
0xa8: {  	_ =	swait.ge [sflag:s23], $0x1  }
0xa9: {  	[sflag:s23] =	ssyncset.done $0x0  }
0xaa: {  	s25 =	simm.s32 $0x1B8E;
	s24 =	sld [smem:$0x3FFE];
	[sflag:s23] =	ssyncadd.s32 $0xFFFFFFFF  }
0xab: {  	s26 =	simm.s32 $execute0_lowered;
	[smem:$0x3FD2] =	sst s25  }
0xac: {  	s5 =	sshll.u32 s26, $0x1;
	_ =	strace $0x80000046;
	[dreg:$0x1] =	wrdreg $0xFFFFFFFF  }
0xad: {  	s28 =	simm.s32 $_size_execute0_lowered;
	s3 =	sadd.s32 s3, s5;
	[dreg:$0x0] =	wrdreg $0x0  }
0xae: {  	s5 =	sshll.u32 s28, $0x1;
	[dreg:$0x2] =	wrdreg s3  }
0xaf: {  	[dreg:$0x3] =	wrdreg s5  }
0xb0: {  	[dreg:$0x4] =	wrdreg $0xC0  }
0xb1: {  	_ =	task [dreg:s7], $0x5FFFF  }
0xb2: {  	[dreg:$0x1] =	wrdreg $0xFFFFFFFF  }
0xb3: {  	[dreg:$0x0] =	wrdreg $0x60  }
0xb4: {  	[dreg:$0x2] =	wrdreg s16  }
0xb5: {  	[dreg:$0x3] =	wrdreg s24  }
0xb6: {  	[dreg:$0x4] =	wrdreg $0x9  }
0xb7: {  	_ =	task.clear_ibuf [dreg:s7], $0x5FFFF;
	_ =	strace $0x90000046  }
0xb8: {  	s29 =	simm.s32 $0x9;
	_ =	strace $0x80000048  }
0xb9: {  	_ =	swait.ge [sflag:s29], $0x1  }
0xba: {  	[sflag:s29] =	ssyncadd.s32 $0xFFFFFFFF  }
0xbb: {  	_ =	strace $0x90000048  }
0xbc: {  	_ =	sfence  }
0xbd: {  	s30 =	sld [smem:$0x0];
	_ =	sdelay $0x2  }
0xbe: {  	s31 =	sshll.u32 s1, $0xD;
	s1 =	sshrl.u32 s1, $0x2  }
0xbf: {  	s3 =	sand.u32 $0x4000, s31;
	s1 =	sadd.s32 s1, s30  }
0xc0: {  	s0 =	sor.u32 s3, s0;
	s1 =	sshll.u32 s1, $0x11  }
0xc1: {  	s0 =	sor.u32 s1, s0  }
0xc2: {  	s0 =	sadd.s32 $0x8F2B, s0  }
0xc3: {  	[sflag:s0] =	ssyncadd.remote.s32 $0x1  }
0xc4: {  	_ =	sfence.sel $0xFFFF  }
0xc5: {  	[dreg:$0x0] =	wrdreg $0xFFFFFFFF;
	(pc) =	sbr.abs _section_cstart, $3  }
0xc6: {  	[dreg:$0x1] =	wrdreg $0xFFFFFFFF  }
0xc7: {  	_ =	task.clear_ibuf [dreg:s7], $0x2FFFF;
	_ =	strace $0x9FFFFFFF  }
0xc8: {  	(tm) =	ssettm $0x7FFFFFFF  }
0xc9: {  	_ =	shalt  }
tec
execute0_lowered:
.L_overlay_start_1:
0x0: {  	(tag) =	ssettag $0x1  }
0x1: {  	s1 =	rddreg [dreg:$0x0]  }
0x2: {  	s0 =	rddreg [dreg:$0x1]  }
0x3: {  	s2 =	srdreg.scid;
	s3 =	simm.s32 $0x0;
	s7 =	stileid.u32  }
0x4: {  	s11 =	simm.s32 $0x14300;
	s12 =	simm.s32 $0x14400;
	s13 =	simm.s32 $0x14500  }
0x5: {  	s14 =	simm.s32 $0x14600;
	s15 =	simm.s32 $0x14700;
	s16 =	simm.s32 $0x3  }
0x6: {  	s17 =	simm.s32 $0x1;
	s18 =	simm.s32 $0x14080;
	s19 =	simm.s32 $0x14180  }
0x7: {  	s20 =	simm.s32 $0x14280;
	s21 =	simm.s32 $0x14380;
	s22 =	simm.s32 $0x14480  }
0x8: {  	s23 =	simm.s32 $0x14580;
	s24 =	simm.s32 $0x14680;
	s25 =	simm.s32 $0x14780  }
0x9: {  	s26 =	simm.s32 $0xA000;
	s28 =	simm.s32 $0x2;
	s2 =	sand.u32 $0x1, s2  }
0xa: {  	[smem:$0x7FF] =	sst s3;
	s4 =	sshll.u32 s7, $0x1;
	p0 =	slt.u32 s7, $0xA  }
.Ltmp0:
0xb: {  	s5 =	ssub.s32 $0x2, s2;
	s2 =	sor.u32 s2, s4;
	(pc) =	sbr.rel .LBB2_1-.Ltmp0, $4  }
0xc: {  	_ =	strace $0x80000047;
	s6 =	sshrl.u32 s5, $0x1;
	s31 =	smul.u32 $0xF, s2  }
0xd: {  	s4 =	sadd.s32 $0x800, s0;
	s2 =	smin.u32 s2, $0x14;
	s30 =	ssub.s32 s5, s6  }
0xe: {  	s5 =	simm.s32 $0x10;
	s6 =	sadd.s32 s2, s31;
	s0 =	smax.u32 s30, $0x1  }
0xf: {  	v0 =	vimm.f32 $0.0e+00;
	v1 =	vlaneseq.u32;
	v2 =	vimm.f32 $1.000000000e+00;
	s5 =	simm.s32 @!p0 $0xF;
	s2 =	simm.s32 $0x0;
	[dreg:$0x3] =	wrdreg s0  }
.LBB2_23:
0x10: {  	_ =	swait.ge [sflag:s17], $0xA000  }
0x11: {  	[sflag:s17] =	ssyncset.done $0x0  }
0x12: {  	[sflag:s17] =	ssyncadd.s32 $0xFFFF6000  }
0x13: {  	_ =	swait.ge [sflag:s28], $0xA000  }
0x14: {  	s2 =	rddreg [dreg:$0x4]  }
0x15: {  	s0 =	rddreg [dreg:$0x3];
	s2 =	sadd.s32 $0x1, s2  }
0x16: {  	p0 =	sne.s32 s2, s0  }
.Ltmp1:
0x17: {  	_ = 	snop;
	(pc) =	sbr.rel @!p0 .LBB2_24-.Ltmp1, $3  }
0x18: {  	_ =	sdelay $0x1  }
0x19: {  	[sflag:s28] =	ssyncset.done $0x0  }
0x1a: {  	[sflag:s28] =	ssyncadd.s32 $0xFFFF6000  }
.LBB2_1:
0x1b: {  	[dreg:$0x4] =	wrdreg s2;
	s0 =	simm.s32 $0xFFFF6000  }
0x1c: {  	s2 =	simm.s32 $0x0;
	s31 =	simm.s32 $0x0;
	s7 =	simm.s32 $0x0  }
.LBB2_2:
0x1d: {  	s8 =	sadd.s32 $0xA000, s0  }
0x1e: {  	s9 =	sand.u32 $0x380, s7;
	s8 =	sand.u32 $0xE000, s8  }
0x1f: {  	s8 =	sor.u32 s9, s8  }
0x20: {  	[tilespmem:s8+$0x0] =	vst v0  }
0x21: {  	[tilespmem:s8+$0x10] =	vst v0  }
0x22: {  	[tilespmem:s8+$0x20] =	vst v0  }
0x23: {  	[tilespmem:s8+$0x30] =	vst v0  }
0x24: {  	[tilespmem:s8+$0x40] =	vst v0  }
0x25: {  	[tilespmem:s8+$0x50] =	vst v0  }
0x26: {  	[tilespmem:s8+$0x60] =	vst v0  }
0x27: {  	[tilespmem:s8+$0x70] =	vst v0  }
0x28: {  	[tilespmem:s8+$0x400] =	vst v0  }
0x29: {  	[tilespmem:s8+$0x410] =	vst v0  }
0x2a: {  	[tilespmem:s8+$0x420] =	vst v0  }
0x2b: {  	[tilespmem:s8+$0x430] =	vst v0  }
0x2c: {  	[tilespmem:s8+$0x440] =	vst v0  }
0x2d: {  	[tilespmem:s8+$0x450] =	vst v0  }
0x2e: {  	[tilespmem:s8+$0x460] =	vst v0  }
0x2f: {  	[tilespmem:s8+$0x470] =	vst v0  }
0x30: {  	[tilespmem:s8+$0x800] =	vst v0  }
0x31: {  	[tilespmem:s8+$0x810] =	vst v0  }
0x32: {  	[tilespmem:s8+$0x820] =	vst v0  }
0x33: {  	[tilespmem:s8+$0x830] =	vst v0  }
0x34: {  	[tilespmem:s8+$0x840] =	vst v0  }
0x35: {  	[tilespmem:s8+$0x850] =	vst v0  }
0x36: {  	[tilespmem:s8+$0x860] =	vst v0  }
0x37: {  	[tilespmem:s8+$0x870] =	vst v0  }
0x38: {  	[tilespmem:s8+$0xC00] =	vst v0  }
0x39: {  	[tilespmem:s8+$0xC10] =	vst v0  }
0x3a: {  	[tilespmem:s8+$0xC20] =	vst v0  }
0x3b: {  	[tilespmem:s8+$0xC30] =	vst v0  }
0x3c: {  	[tilespmem:s8+$0xC40] =	vst v0  }
0x3d: {  	[tilespmem:s8+$0xC50] =	vst v0  }
0x3e: {  	[tilespmem:s8+$0xC60] =	vst v0  }
0x3f: {  	[tilespmem:s8+$0xC70] =	vst v0  }
0x40: {  	[tilespmem:s8+$0x1000] =	vst v0  }
0x41: {  	[tilespmem:s8+$0x1010] =	vst v0  }
0x42: {  	[tilespmem:s8+$0x1020] =	vst v0  }
0x43: {  	[tilespmem:s8+$0x1030] =	vst v0  }
0x44: {  	[tilespmem:s8+$0x1040] =	vst v0  }
0x45: {  	[tilespmem:s8+$0x1050] =	vst v0  }
0x46: {  	[tilespmem:s8+$0x1060] =	vst v0  }
0x47: {  	[tilespmem:s8+$0x1070] =	vst v0  }
0x48: {  	[tilespmem:s8+$0x1400] =	vst v0  }
0x49: {  	[tilespmem:s8+$0x1410] =	vst v0  }
0x4a: {  	[tilespmem:s8+$0x1420] =	vst v0  }
0x4b: {  	[tilespmem:s8+$0x1430] =	vst v0  }
0x4c: {  	[tilespmem:s8+$0x1440] =	vst v0  }
0x4d: {  	[tilespmem:s8+$0x1450] =	vst v0  }
0x4e: {  	[tilespmem:s8+$0x1460] =	vst v0  }
0x4f: {  	[tilespmem:s8+$0x1470] =	vst v0  }
0x50: {  	[tilespmem:s8+$0x1800] =	vst v0  }
0x51: {  	[tilespmem:s8+$0x1810] =	vst v0  }
0x52: {  	[tilespmem:s8+$0x1820] =	vst v0  }
0x53: {  	[tilespmem:s8+$0x1830] =	vst v0  }
0x54: {  	s10 =	sand.u32 $0x7, s2;
	[tilespmem:s8+$0x1840] =	vst v0  }
0x55: {  	s9 =	sshll.u32 s10, $0x7;
	[tilespmem:s8+$0x1850] =	vst v0  }
0x56: {  	s9 =	sadd.s32 s9, s31;
	[tilespmem:s8+$0x1860] =	vst v0  }
0x57: {  	[tilespmem:s8+$0x1870] =	vst v0;
	s29 =	sor.u32 $0x1C00, s9  }
0x58: {  	s10 =	sor.u32 $0x1C10, s9;
	[tilespmem:s29+$0x0] =	vst v0  }
0x59: {  	s29 =	sor.u32 $0x1C20, s9;
	[tilespmem:s10+$0x0] =	vst v0  }
0x5a: {  	p0 =	sne.s32 s7, $0x1380;
	s10 =	sor.u32 $0x1C30, s9;
	[tilespmem:s29+$0x0] =	vst v0  }
.Ltmp2:
0x5b: {  	s29 =	sor.u32 $0x1C40, s9;
	[tilespmem:s10+$0x0] =	vst v0;
	(pc) =	sbr.rel @p0 .LBB2_2-.Ltmp2, $4  }
0x5c: {  	s10 =	sor.u32 $0x1C50, s9;
	[tilespmem:s29+$0x0] =	vst v0  }
0x5d: {  	s29 =	sor.u32 $0x1C60, s9;
	[tilespmem:s10+$0x0] =	vst v0  }
0x5e: {  	s2 =	sadd.s32 $0x1, s2;
	s0 =	sadd.s32 $0x400, s0;
	s9 =	sor.u32 $0x1C70, s9;
	[tilespmem:s29+$0x0] =	vst v0  }
0x5f: {  	s7 =	sadd.s32 $0x80, s7;
	s30 =	simm.s32 $0x0;
	s31 =	sadd.s32 $0x400, s31;
	[tilespmem:s9+$0x0] =	vst v0  }
0x60: {  	s0 =	sand.u32 $0xE000, s30;
	s2 =	sand.u32 $0x380, s30  }
0x61: {  	s31 =	sor.u32 s2, s0  }
0x62: {  	[tilespmem:s31+$0xBC70] =	vst v0  }
0x63: {  	[tilespmem:s31+$0xA000] =	vst v0  }
0x64: {  	[tilespmem:s31+$0xA010] =	vst v0  }
0x65: {  	[tilespmem:s31+$0xA020] =	vst v0  }
0x66: {  	[tilespmem:s31+$0xA030] =	vst v0  }
0x67: {  	[tilespmem:s31+$0xA040] =	vst v0  }
0x68: {  	[tilespmem:s31+$0xA050] =	vst v0  }
0x69: {  	[tilespmem:s31+$0xA060] =	vst v0  }
0x6a: {  	[tilespmem:s31+$0xA070] =	vst v0  }
0x6b: {  	[tilespmem:s31+$0xA400] =	vst v0  }
0x6c: {  	[tilespmem:s31+$0xA410] =	vst v0  }
0x6d: {  	[tilespmem:s31+$0xA420] =	vst v0  }
0x6e: {  	[tilespmem:s31+$0xA430] =	vst v0  }
0x6f: {  	[tilespmem:s31+$0xA440] =	vst v0  }
0x70: {  	[tilespmem:s31+$0xA450] =	vst v0  }
0x71: {  	[tilespmem:s31+$0xA460] =	vst v0  }
0x72: {  	[tilespmem:s31+$0xA470] =	vst v0  }
0x73: {  	[tilespmem:s31+$0xA800] =	vst v0  }
0x74: {  	[tilespmem:s31+$0xA810] =	vst v0  }
0x75: {  	[tilespmem:s31+$0xA820] =	vst v0  }
0x76: {  	[tilespmem:s31+$0xA830] =	vst v0  }
0x77: {  	[tilespmem:s31+$0xA840] =	vst v0  }
0x78: {  	[tilespmem:s31+$0xA850] =	vst v0  }
0x79: {  	[tilespmem:s31+$0xA860] =	vst v0  }
0x7a: {  	[tilespmem:s31+$0xA870] =	vst v0  }
0x7b: {  	[tilespmem:s31+$0xAC00] =	vst v0  }
0x7c: {  	[tilespmem:s31+$0xAC10] =	vst v0  }
0x7d: {  	[tilespmem:s31+$0xAC20] =	vst v0  }
0x7e: {  	[tilespmem:s31+$0xAC30] =	vst v0  }
0x7f: {  	[tilespmem:s31+$0xAC40] =	vst v0  }
0x80: {  	[tilespmem:s31+$0xAC50] =	vst v0  }
0x81: {  	[tilespmem:s31+$0xAC60] =	vst v0  }
0x82: {  	[tilespmem:s31+$0xAC70] =	vst v0  }
0x83: {  	[tilespmem:s31+$0xB000] =	vst v0  }
0x84: {  	[tilespmem:s31+$0xB010] =	vst v0  }
0x85: {  	[tilespmem:s31+$0xB020] =	vst v0  }
0x86: {  	[tilespmem:s31+$0xB030] =	vst v0  }
0x87: {  	[tilespmem:s31+$0xB040] =	vst v0  }
0x88: {  	[tilespmem:s31+$0xB050] =	vst v0  }
0x89: {  	[tilespmem:s31+$0xB060] =	vst v0  }
0x8a: {  	[tilespmem:s31+$0xB070] =	vst v0  }
0x8b: {  	[tilespmem:s31+$0xB400] =	vst v0  }
0x8c: {  	[tilespmem:s31+$0xB410] =	vst v0  }
0x8d: {  	[tilespmem:s31+$0xB420] =	vst v0  }
0x8e: {  	[tilespmem:s31+$0xB430] =	vst v0  }
0x8f: {  	[tilespmem:s31+$0xB440] =	vst v0  }
0x90: {  	[tilespmem:s31+$0xB450] =	vst v0  }
0x91: {  	[tilespmem:s31+$0xB460] =	vst v0  }
0x92: {  	[tilespmem:s31+$0xB470] =	vst v0  }
0x93: {  	[tilespmem:s31+$0xB800] =	vst v0  }
0x94: {  	[tilespmem:s31+$0xB810] =	vst v0  }
0x95: {  	[tilespmem:s31+$0xB820] =	vst v0  }
0x96: {  	[tilespmem:s31+$0xB830] =	vst v0  }
0x97: {  	[tilespmem:s31+$0xB840] =	vst v0  }
0x98: {  	[tilespmem:s31+$0xB850] =	vst v0  }
0x99: {  	[tilespmem:s31+$0xB860] =	vst v0  }
0x9a: {  	[tilespmem:s31+$0xB870] =	vst v0  }
0x9b: {  	[tilespmem:s31+$0xBC00] =	vst v0  }
0x9c: {  	[tilespmem:s31+$0xBC10] =	vst v0  }
0x9d: {  	[tilespmem:s31+$0xBC20] =	vst v0  }
0x9e: {  	[tilespmem:s31+$0xBC30] =	vst v0  }
0x9f: {  	s29 =	sadd.s32 $0x400, s30;
	s0 =	sadd.s32 $0x80, s30;
	[tilespmem:s31+$0xBC40] =	vst v0  }
0xa0: {  	s7 =	sand.u32 $0xE000, s29;
	s2 =	sadd.s32 $0x400, s29;
	s8 =	sand.u32 $0x380, s0;
	[tilespmem:s31+$0xBC50] =	vst v0  }
.LBB2_4:
0xa1: {  	p0 =	sne.s32 s2, $0x9C00;
	[tilespmem:s31+$0xBC60] =	vst v0;
	s31 =	sor.u32 s8, s7  }
0xa2: {  	[tilespmem:s31+$0xBC70] =	vst v0  }
0xa3: {  	[tilespmem:s31+$0xA000] =	vst v0  }
0xa4: {  	[tilespmem:s31+$0xA010] =	vst v0  }
0xa5: {  	[tilespmem:s31+$0xA020] =	vst v0  }
0xa6: {  	[tilespmem:s31+$0xA030] =	vst v0  }
0xa7: {  	[tilespmem:s31+$0xA040] =	vst v0  }
0xa8: {  	[tilespmem:s31+$0xA050] =	vst v0  }
0xa9: {  	[tilespmem:s31+$0xA060] =	vst v0  }
0xaa: {  	[tilespmem:s31+$0xA070] =	vst v0  }
0xab: {  	[tilespmem:s31+$0xA400] =	vst v0  }
0xac: {  	[tilespmem:s31+$0xA410] =	vst v0  }
0xad: {  	[tilespmem:s31+$0xA420] =	vst v0  }
0xae: {  	[tilespmem:s31+$0xA430] =	vst v0  }
0xaf: {  	[tilespmem:s31+$0xA440] =	vst v0  }
0xb0: {  	[tilespmem:s31+$0xA450] =	vst v0  }
0xb1: {  	[tilespmem:s31+$0xA460] =	vst v0  }
0xb2: {  	[tilespmem:s31+$0xA470] =	vst v0  }
0xb3: {  	[tilespmem:s31+$0xA800] =	vst v0  }
0xb4: {  	[tilespmem:s31+$0xA810] =	vst v0  }
0xb5: {  	[tilespmem:s31+$0xA820] =	vst v0  }
0xb6: {  	[tilespmem:s31+$0xA830] =	vst v0  }
0xb7: {  	[tilespmem:s31+$0xA840] =	vst v0  }
0xb8: {  	[tilespmem:s31+$0xA850] =	vst v0  }
0xb9: {  	[tilespmem:s31+$0xA860] =	vst v0  }
0xba: {  	[tilespmem:s31+$0xA870] =	vst v0  }
0xbb: {  	[tilespmem:s31+$0xAC00] =	vst v0  }
0xbc: {  	[tilespmem:s31+$0xAC10] =	vst v0  }
0xbd: {  	[tilespmem:s31+$0xAC20] =	vst v0  }
0xbe: {  	[tilespmem:s31+$0xAC30] =	vst v0  }
0xbf: {  	[tilespmem:s31+$0xAC40] =	vst v0  }
0xc0: {  	[tilespmem:s31+$0xAC50] =	vst v0  }
0xc1: {  	[tilespmem:s31+$0xAC60] =	vst v0  }
0xc2: {  	[tilespmem:s31+$0xAC70] =	vst v0  }
0xc3: {  	[tilespmem:s31+$0xB000] =	vst v0  }
0xc4: {  	[tilespmem:s31+$0xB010] =	vst v0  }
0xc5: {  	[tilespmem:s31+$0xB020] =	vst v0  }
0xc6: {  	[tilespmem:s31+$0xB030] =	vst v0  }
0xc7: {  	[tilespmem:s31+$0xB040] =	vst v0  }
0xc8: {  	[tilespmem:s31+$0xB050] =	vst v0  }
0xc9: {  	[tilespmem:s31+$0xB060] =	vst v0  }
0xca: {  	[tilespmem:s31+$0xB070] =	vst v0  }
0xcb: {  	[tilespmem:s31+$0xB400] =	vst v0  }
0xcc: {  	[tilespmem:s31+$0xB410] =	vst v0  }
0xcd: {  	[tilespmem:s31+$0xB420] =	vst v0  }
0xce: {  	[tilespmem:s31+$0xB430] =	vst v0  }
0xcf: {  	[tilespmem:s31+$0xB440] =	vst v0  }
0xd0: {  	[tilespmem:s31+$0xB450] =	vst v0  }
0xd1: {  	[tilespmem:s31+$0xB460] =	vst v0  }
0xd2: {  	[tilespmem:s31+$0xB470] =	vst v0  }
0xd3: {  	[tilespmem:s31+$0xB800] =	vst v0  }
0xd4: {  	[tilespmem:s31+$0xB810] =	vst v0  }
0xd5: {  	[tilespmem:s31+$0xB820] =	vst v0  }
0xd6: {  	[tilespmem:s31+$0xB830] =	vst v0  }
0xd7: {  	[tilespmem:s31+$0xB840] =	vst v0  }
0xd8: {  	[tilespmem:s31+$0xB850] =	vst v0  }
0xd9: {  	[tilespmem:s31+$0xB860] =	vst v0  }
0xda: {  	[tilespmem:s31+$0xB870] =	vst v0  }
0xdb: {  	[tilespmem:s31+$0xBC00] =	vst v0  }
.Ltmp3:
0xdc: {  	[tilespmem:s31+$0xBC10] =	vst v0;
	(pc) =	sbr.rel @p0 .LBB2_4-.Ltmp3, $4  }
0xdd: {  	[tilespmem:s31+$0xBC20] =	vst v0  }
0xde: {  	[tilespmem:s31+$0xBC30] =	vst v0  }
0xdf: {  	s0 =	sadd.s32 $0x80, s0;
	[tilespmem:s31+$0xBC40] =	vst v0  }
0xe0: {  	s7 =	sand.u32 $0xE000, s2;
	s2 =	sadd.s32 $0x400, s2;
	s8 =	sand.u32 $0x380, s0;
	[tilespmem:s31+$0xBC50] =	vst v0  }
0xe1: {  	s0 =	sor.u32 s8, s7;
	[tilespmem:s31+$0xBC60] =	vst v0  }
0xe2: {  	[tilespmem:s0+$0xBC70] =	vst v0  }
0xe3: {  	[tilespmem:s0+$0xA000] =	vst v0  }
0xe4: {  	[tilespmem:s0+$0xA010] =	vst v0  }
0xe5: {  	[tilespmem:s0+$0xA020] =	vst v0  }
0xe6: {  	[tilespmem:s0+$0xA030] =	vst v0  }
0xe7: {  	[tilespmem:s0+$0xA040] =	vst v0  }
0xe8: {  	[tilespmem:s0+$0xA050] =	vst v0  }
0xe9: {  	[tilespmem:s0+$0xA060] =	vst v0  }
0xea: {  	[tilespmem:s0+$0xA070] =	vst v0  }
0xeb: {  	[tilespmem:s0+$0xA400] =	vst v0  }
0xec: {  	[tilespmem:s0+$0xA410] =	vst v0  }
0xed: {  	[tilespmem:s0+$0xA420] =	vst v0  }
0xee: {  	[tilespmem:s0+$0xA430] =	vst v0  }
0xef: {  	[tilespmem:s0+$0xA440] =	vst v0  }
0xf0: {  	[tilespmem:s0+$0xA450] =	vst v0  }
0xf1: {  	[tilespmem:s0+$0xA460] =	vst v0  }
0xf2: {  	[tilespmem:s0+$0xA470] =	vst v0  }
0xf3: {  	[tilespmem:s0+$0xA800] =	vst v0  }
0xf4: {  	[tilespmem:s0+$0xA810] =	vst v0  }
0xf5: {  	[tilespmem:s0+$0xA820] =	vst v0  }
0xf6: {  	[tilespmem:s0+$0xA830] =	vst v0  }
0xf7: {  	[tilespmem:s0+$0xA840] =	vst v0  }
0xf8: {  	[tilespmem:s0+$0xA850] =	vst v0  }
0xf9: {  	[tilespmem:s0+$0xA860] =	vst v0  }
0xfa: {  	[tilespmem:s0+$0xA870] =	vst v0  }
0xfb: {  	[tilespmem:s0+$0xAC00] =	vst v0  }
0xfc: {  	[tilespmem:s0+$0xAC10] =	vst v0  }
0xfd: {  	[tilespmem:s0+$0xAC20] =	vst v0  }
0xfe: {  	[tilespmem:s0+$0xAC30] =	vst v0  }
0xff: {  	[tilespmem:s0+$0xAC40] =	vst v0  }
0x100: {  	[tilespmem:s0+$0xAC50] =	vst v0  }
0x101: {  	[tilespmem:s0+$0xAC60] =	vst v0  }
0x102: {  	[tilespmem:s0+$0xAC70] =	vst v0  }
0x103: {  	[tilespmem:s0+$0xB000] =	vst v0  }
0x104: {  	[tilespmem:s0+$0xB010] =	vst v0  }
0x105: {  	[tilespmem:s0+$0xB020] =	vst v0  }
0x106: {  	[tilespmem:s0+$0xB030] =	vst v0  }
0x107: {  	[tilespmem:s0+$0xB040] =	vst v0  }
0x108: {  	[tilespmem:s0+$0xB050] =	vst v0  }
0x109: {  	[tilespmem:s0+$0xB060] =	vst v0  }
0x10a: {  	[tilespmem:s0+$0xB070] =	vst v0  }
0x10b: {  	[tilespmem:s0+$0xB400] =	vst v0  }
0x10c: {  	[tilespmem:s0+$0xB410] =	vst v0  }
0x10d: {  	[tilespmem:s0+$0xB420] =	vst v0  }
0x10e: {  	[tilespmem:s0+$0xB430] =	vst v0  }
0x10f: {  	[tilespmem:s0+$0xB440] =	vst v0  }
0x110: {  	[tilespmem:s0+$0xB450] =	vst v0  }
0x111: {  	[tilespmem:s0+$0xB460] =	vst v0  }
0x112: {  	[tilespmem:s0+$0xB470] =	vst v0  }
0x113: {  	[tilespmem:s0+$0xB800] =	vst v0  }
0x114: {  	[tilespmem:s0+$0xB810] =	vst v0  }
0x115: {  	[tilespmem:s0+$0xB820] =	vst v0  }
0x116: {  	[tilespmem:s0+$0xB830] =	vst v0  }
0x117: {  	[tilespmem:s0+$0xB840] =	vst v0  }
0x118: {  	[tilespmem:s0+$0xB850] =	vst v0  }
0x119: {  	[tilespmem:s0+$0xB860] =	vst v0  }
0x11a: {  	[tilespmem:s0+$0xB870] =	vst v0  }
0x11b: {  	[tilespmem:s0+$0xBC00] =	vst v0  }
0x11c: {  	[tilespmem:s0+$0xBC10] =	vst v0  }
.Ltmp4:
0x11d: {  	[tilespmem:s0+$0xBC20] =	vst v0;
	(pc) =	sbr.rel .LBB2_6-.Ltmp4, $4  }
0x11e: {  	[tilespmem:s0+$0xBC30] =	vst v0  }
0x11f: {  	[tilespmem:s0+$0xBC40] =	vst v0  }
0x120: {  	[tilespmem:s0+$0xBC50] =	vst v0  }
0x121: {  	[tilespmem:s0+$0xBC60] =	vst v0  }
.LBB2_22:
0x122: {  	s30 =	sadd.s32 $0x1, s30  }
0x123: {  	p0 =	sne.s32 s30, $0x9  }
.Ltmp5:
0x124: {  	_ = 	snop;
	(pc) =	sbr.rel @!p0 .LBB2_23-.Ltmp5, $1  }
0x125: {  	_ =	sdelay $0x3  }
.LBB2_6:
0x126: {  	s31 =	sshll.u32 s30, $0x1  }
0x127: {  	p1 =	sge.u32 s31, s5  }
.Ltmp6:
0x128: {  	_ = 	snop;
	(pc) =	sbr.rel @p1 .LBB2_14-.Ltmp6, $2  }
0x129: {  	_ =	sdelay $0x2  }
0x12a: {  	p0 =	seq.s32 s30, $0x0  }
.Ltmp7:
0x12b: {  	(pc) =	sbr.rel @p0 .LBB2_11-.Ltmp7, $2  }
0x12c: {  	_ =	sdelay $0x2  }
0x12d: {  	s0 =	sadd.s32 s6, s31  }
0x12e: {  	s2 =	sadd.s32 $0xFFFFFFFE, s0  }
0x12f: {  	s7 =	smulhi.u32 $0x51EB851F, s2;
	s8 =	sshra.s32 s2, $0x1F  }
0x130: {  	s8 =	smul.u32 $0x51EB851F, s8;
	_ =	sdelay $0x1  }
0x131: {  	s7 =	sadd.s32 s8, s7  }
0x132: {  	s8 =	sshrl.u32 s7, $0x1F;
	s7 =	sshra.s32 s7, $0x3  }
0x133: {  	s7 =	sadd.s32 s8, s7  }
0x134: {  	s7 =	smul.u32 $0x19, s7;
	_ =	sdelay $0x1  }
0x135: {  	s2 =	ssub.s32 s2, s7  }
0x136: {  	p1 =	slt.s32 s2, $0x0;
	s7 =	sadd.s32 $0x19, s2  }
0x137: {  	_ =	swait.ge [sflag:s17], $0xA000;
	s2 =	smov.u32 @p1 s7  }
0x138: {  	[sflag:s17] =	ssyncset.done $0x0;
	s7 =	smul.u32 $0x28, s2  }
0x139: {  	[sflag:s17] =	ssyncadd.s32 $0xFFFF6000;
	s2 =	simm.s32 $0x0  }
0x13a: {  	s9 =	sand.u32 $0x70, s2;
	s29 =	sand.u32 $0x700, s2;
	s10 =	sadd.s32 $0x28, s7  }
0x13b: {  	v3 =	vmov s7;
	s8 =	sor.u32 s9, s29;
	s7 =	simm.s32 $0x10;
	s29 =	simm.s32 $0x0;
	v4 =	vmov s10  }
.LBB2_9:
0x13c: {  	p1 =	sne.s32 s7, $0x3F0;
	v5 =	vld [tilespmem:s8+$0x14000];
	_ =	sdelay $0x1  }
0x13d: {  	v6 =	vmov s2  }
0x13e: {  	v7 =	vor.u32 s2, v1;
	s2 =	smov.u32 s7;
	v6 =	vshll.u32 v6, $0x3  }
0x13f: {  	v7 =	vand.u32 $0x7F, v7;
	v6 =	vand.u32 $0x1C00, v6  }
0x140: {  	v6 =	vor.u32 v6, v7;
	vm0 =	vgt.s32 v5, $0x0;
	vm1 =	vlt.s32 v5, v4  }
0x141: {  	vm2 =	vge.s32 v5, v3;
	v7 =	vsub.s32 v5, v3;
	v5 =	vshll.u32 v5, $0x7  }
0x142: {  	vm0 =	vmand vm0, vm2;
	v7 =	vshll.u32 v7, $0xA;
	v5 =	vand.u32 $0x380, v5  }
0x143: {  	vm0 =	vmand vm1, vm0;
	v7 =	vand.u32 $0xFFFFE000, v7;
	v5 =	vor.u32 v5, v6  }
0x144: {  	v5 =	vor.u32 v7, v5  }
.Ltmp8:
0x145: {  	(pc) =	sbr.rel @p1 .LBB2_9-.Ltmp8, $4  }
0x146: {  	_ = 	snop  }
0x147: {  	s29 =	sadd.s32 $0x20, s29  }
0x148: {  	s8 =	sand.u32 $0x70, s7;
	s9 =	sand.u32 $0x700, s29  }
0x149: {  	s7 =	sadd.s32 $0x10, s7;
	s8 =	sor.u32 s8, s9;
	[tilespmem:v5+s3+$0x0] =	vst.idx.msk vm0, v0  }
0x14a: {  	v5 =	vld [tilespmem:s8+$0x14000];
	_ =	sdelay $0x1  }
0x14b: {  	v6 =	vmov s2  }
0x14c: {  	v7 =	vor.u32 s2, v1;
	v6 =	vshll.u32 v6, $0x3  }
0x14d: {  	v7 =	vand.u32 $0x7F, v7;
	v6 =	vand.u32 $0x1C00, v6  }
0x14e: {  	v63 =	vor.u32 v6, v7;
	vm0 =	vgt.s32 v5, $0x0;
	vm1 =	vlt.s32 v5, v4  }
0x14f: {  	vm2 =	vge.s32 v5, v3;
	v3 =	vsub.s32 v5, v3;
	v5 =	vshll.u32 v5, $0x7  }
0x150: {  	vm0 =	vmand vm0, vm2;
	v3 =	vshll.u32 v3, $0xA;
	v5 =	vand.u32 $0x380, v5  }
0x151: {  	vm0 =	vmand vm1, vm0;
	v3 =	vand.u32 $0xFFFFE000, v3;
	v4 =	vor.u32 v5, v63  }
0x152: {  	v3 =	vor.u32 v3, v4;
	_ =	sdelay $0x4  }
0x153: {  	[tilespmem:v3+s3+$0x0] =	vst.idx.msk vm0, v0  }
.LBB2_11:
0x154: {  	s2 =	smulhi.u32 $0x51EB851F, s0;
	_ =	sdelay $0x1  }
0x155: {  	s2 =	sshrl.u32 s2, $0x3  }
0x156: {  	s7 =	sshll.u32 s2, $0xA;
	s8 =	sshll.u32 s2, $0x7  }
0x157: {  	s7 =	sand.u32 $0xFFFFE000, s7;
	s8 =	sand.u32 $0x380, s8  }
0x158: {  	s7 =	sor.u32 s8, s7  }
0x159: {  	s7 =	sshrl.u32 s7, $0x3  }
0x15a: {  	s9 =	simm.s32 $0x14000;
	s8 =	sadd.s32 s1, s7;
	s7 =	simm.s32 $0x0  }
0x15b: {  	[tilespmem:s9], [sflag:$0x3] =	stream.linear.gather [hbm4b:s8+s7], $0x80, $0x38;
	[tilespmem:$0x14800] =	vst v63  }
0x15c: {  	s10 =	simm.s32 $0x14100;
	s9 =	sadd.s32 $0x80, s8  }
0x15d: {  	[tilespmem:s10], [sflag:$0x3] =	stream.linear.gather [hbm4b:s9+s7], $0x80, $0x38;
	[tilespmem:$0x14800] =	vst v63  }
0x15e: {  	s9 =	sadd.s32 $0x100, s8;
	s10 =	simm.s32 $0x14200  }
0x15f: {  	[tilespmem:s10], [sflag:$0x3] =	stream.linear.gather [hbm4b:s9+s7], $0x80, $0x38;
	[tilespmem:$0x14800] =	vst v63  }
0x160: {  	s10 =	sadd.s32 $0x180, s8  }
0x161: {  	[tilespmem:s11], [sflag:$0x3] =	stream.linear.gather [hbm4b:s10+s7], $0x80, $0x38;
	[tilespmem:$0x14800] =	vst v63  }
0x162: {  	s10 =	sadd.s32 $0x200, s8  }
0x163: {  	[tilespmem:s12], [sflag:$0x3] =	stream.linear.gather [hbm4b:s10+s7], $0x80, $0x38;
	[tilespmem:$0x14800] =	vst v63  }
0x164: {  	s10 =	sadd.s32 $0x280, s8  }
0x165: {  	[tilespmem:s13], [sflag:$0x3] =	stream.linear.gather [hbm4b:s10+s7], $0x80, $0x38;
	[tilespmem:$0x14800] =	vst v63  }
0x166: {  	s10 =	sadd.s32 $0x300, s8  }
0x167: {  	[tilespmem:s14], [sflag:$0x3] =	stream.linear.gather [hbm4b:s10+s7], $0x80, $0x38;
	[tilespmem:$0x14800] =	vst v63  }
0x168: {  	s8 =	sadd.s32 $0x380, s8;
	s10 =	smul.u32 $0x19, s2  }
0x169: {  	[tilespmem:s15], [sflag:$0x3] =	stream.linear.gather [hbm4b:s8+s7], $0x80, $0x38;
	[tilespmem:$0x14800] =	vst v63  }
0x16a: {  	s0 =	ssub.s32 s0, s10  }
0x16b: {  	_ =	swait.ge [sflag:s16], $0x400;
	s8 =	smul.u32 $0x28, s0  }
0x16c: {  	s29 =	sand.u32 $0x70, s7;
	[sflag:s16] =	ssyncset.done $0x0  }
0x16d: {  	s10 =	sand.u32 $0x700, s7;
	[sflag:s16] =	ssyncadd.s32 $0xFFFFFC00;
	s9 =	sadd.s32 $0x28, s8  }
0x16e: {  	v3 =	vmov s8;
	s8 =	simm.s32 $0x0;
	v4 =	vmov s9;
	s9 =	sor.u32 s29, s10;
	s29 =	simm.s32 $0x10  }
.LBB2_12:
0x16f: {  	p1 =	sne.s32 s29, $0x3F0;
	v5 =	vld [tilespmem:s9+$0x14000];
	_ =	sdelay $0x1  }
0x170: {  	v6 =	vmov s7  }
0x171: {  	v7 =	vor.u32 s7, v1;
	s7 =	smov.u32 s29;
	v6 =	vshll.u32 v6, $0x3  }
0x172: {  	v7 =	vand.u32 $0x7F, v7;
	v6 =	vand.u32 $0x1C00, v6  }
0x173: {  	v6 =	vor.u32 v6, v7;
	vm0 =	vgt.s32 v5, $0x0;
	vm1 =	vlt.s32 v5, v4  }
0x174: {  	vm2 =	vge.s32 v5, v3;
	v7 =	vsub.s32 v5, v3;
	v5 =	vshll.u32 v5, $0x7  }
0x175: {  	vm0 =	vmand vm0, vm2;
	v7 =	vshll.u32 v7, $0xA;
	v5 =	vand.u32 $0x380, v5  }
0x176: {  	vm0 =	vmand vm1, vm0;
	v7 =	vand.u32 $0xFFFFE000, v7;
	v5 =	vor.u32 v5, v6  }
0x177: {  	v5 =	vor.u32 v7, v5  }
.Ltmp9:
0x178: {  	(pc) =	sbr.rel @p1 .LBB2_12-.Ltmp9, $4  }
0x179: {  	_ = 	snop  }
0x17a: {  	s8 =	sadd.s32 $0x20, s8  }
0x17b: {  	s9 =	sand.u32 $0x70, s29;
	s10 =	sand.u32 $0x700, s8  }
0x17c: {  	s29 =	sadd.s32 $0x10, s29;
	s9 =	sor.u32 s9, s10;
	[tilespmem:v5+s3+$0x0] =	vst.idx.msk vm0, v2  }
0x17d: {  	v5 =	vld [tilespmem:s9+$0x14000];
	_ =	sdelay $0x1  }
0x17e: {  	v6 =	vmov s7  }
0x17f: {  	v7 =	vor.u32 s7, v1;
	v6 =	vshll.u32 v6, $0x3  }
0x180: {  	v7 =	vand.u32 $0x7F, v7;
	v6 =	vand.u32 $0x1C00, v6  }
0x181: {  	v63 =	vor.u32 v6, v7;
	vm0 =	vgt.s32 v5, $0x0;
	vm1 =	vlt.s32 v5, v4  }
0x182: {  	vm2 =	vge.s32 v5, v3;
	v3 =	vsub.s32 v5, v3;
	v5 =	vshll.u32 v5, $0x7  }
0x183: {  	vm0 =	vmand vm0, vm2;
	v3 =	vshll.u32 v3, $0xA;
	v5 =	vand.u32 $0x380, v5  }
0x184: {  	vm0 =	vmand vm1, vm0;
	v3 =	vand.u32 $0xFFFFE000, v3;
	v4 =	vor.u32 v5, v63  }
0x185: {  	s2 =	smul.u32 $0xFA000, s2;
	v3 =	vor.u32 v3, v4  }
0x186: {  	s0 =	smul.u32 $0xA000, s0;
	_ =	sdelay $0x1  }
0x187: {  	s0 =	sadd.s32 s0, s2  }
0x188: {  	s0 =	sshrl.u32 s0, $0x3  }
0x189: {  	s0 =	sadd.s32 s4, s0;
	[tilespmem:v3+s3+$0x0] =	vst.idx.msk vm0, v2  }
0x18a: {  	[hbm4b:s0+s3] =	stream.linear.scatter [tilespmem:s3], [sflag:$0x1], $0xA000, $0x38;
	[tilespmem:$0x14800] =	vst v63  }
.LBB2_14:
0x18b: {  	s0 =	sor.u32 $0x1, s31  }
0x18c: {  	p1 =	sge.u32 s0, s5  }
.Ltmp10:
0x18d: {  	_ = 	snop;
	(pc) =	sbr.rel @p1 .LBB2_22-.Ltmp10, $1  }
0x18e: {  	_ =	sdelay $0x3  }
.Ltmp11:
0x18f: {  	(pc) =	sbr.rel @p0 .LBB2_19-.Ltmp11, $2  }
0x190: {  	_ =	sdelay $0x2  }
0x191: {  	s0 =	sadd.s32 s6, s0  }
0x192: {  	s2 =	sadd.s32 $0xFFFFFFFE, s0  }
0x193: {  	s7 =	smulhi.u32 $0x51EB851F, s2;
	s8 =	sshra.s32 s2, $0x1F  }
0x194: {  	s8 =	smul.u32 $0x51EB851F, s8;
	_ =	sdelay $0x1  }
0x195: {  	s7 =	sadd.s32 s8, s7  }
0x196: {  	s8 =	sshrl.u32 s7, $0x1F;
	s7 =	sshra.s32 s7, $0x3  }
0x197: {  	s7 =	sadd.s32 s8, s7  }
0x198: {  	s7 =	smul.u32 $0x19, s7;
	_ =	sdelay $0x1  }
0x199: {  	s2 =	ssub.s32 s2, s7  }
0x19a: {  	p0 =	slt.s32 s2, $0x0;
	s7 =	sadd.s32 $0x19, s2  }
0x19b: {  	_ =	swait.ge [sflag:s28], $0xA000;
	s2 =	smov.u32 @p0 s7  }
0x19c: {  	[sflag:s28] =	ssyncset.done $0x0;
	s7 =	smul.u32 $0x28, s2  }
0x19d: {  	[sflag:s28] =	ssyncadd.s32 $0xFFFF6000;
	s2 =	simm.s32 $0x0  }
0x19e: {  	s9 =	sand.u32 $0x70, s2;
	s10 =	sand.u32 $0x700, s2;
	s31 =	sadd.s32 $0x28, s7  }
0x19f: {  	s8 =	simm.s32 $0x0;
	v3 =	vmov s7;
	s9 =	sor.u32 s9, s10;
	s7 =	simm.s32 $0x10;
	v4 =	vmov s31  }
.LBB2_17:
0x1a0: {  	p0 =	sne.s32 s7, $0x3F0;
	v5 =	vld [tilespmem:s9+$0x14080];
	_ =	sdelay $0x1  }
0x1a1: {  	v6 =	vmov s2  }
0x1a2: {  	v7 =	vor.u32 s2, v1;
	s2 =	smov.u32 s7;
	v6 =	vshll.u32 v6, $0x3  }
0x1a3: {  	v7 =	vand.u32 $0x7F, v7;
	v6 =	vand.u32 $0x1C00, v6  }
0x1a4: {  	v6 =	vor.u32 v6, v7;
	vm0 =	vgt.s32 v5, $0x0;
	vm1 =	vlt.s32 v5, v4  }
0x1a5: {  	vm2 =	vge.s32 v5, v3;
	v7 =	vsub.s32 v5, v3;
	v5 =	vshll.u32 v5, $0x7  }
0x1a6: {  	vm0 =	vmand vm0, vm2;
	v7 =	vshll.u32 v7, $0xA;
	v5 =	vand.u32 $0x380, v5  }
0x1a7: {  	vm0 =	vmand vm1, vm0;
	v7 =	vand.u32 $0xFFFFE000, v7;
	v5 =	vor.u32 v5, v6  }
0x1a8: {  	v5 =	vor.u32 v7, v5  }
.Ltmp12:
0x1a9: {  	(pc) =	sbr.rel @p0 .LBB2_17-.Ltmp12, $4  }
0x1aa: {  	_ = 	snop  }
0x1ab: {  	s8 =	sadd.s32 $0x20, s8  }
0x1ac: {  	s9 =	sand.u32 $0x70, s7;
	s10 =	sand.u32 $0x700, s8  }
0x1ad: {  	s7 =	sadd.s32 $0x10, s7;
	s9 =	sor.u32 s9, s10;
	[tilespmem:v5+s26+$0x0] =	vst.idx.msk vm0, v0  }
0x1ae: {  	v5 =	vld [tilespmem:s9+$0x14080];
	_ =	sdelay $0x1  }
0x1af: {  	v6 =	vmov s2  }
0x1b0: {  	v7 =	vor.u32 s2, v1;
	v6 =	vshll.u32 v6, $0x3  }
0x1b1: {  	v7 =	vand.u32 $0x7F, v7;
	v6 =	vand.u32 $0x1C00, v6  }
0x1b2: {  	v63 =	vor.u32 v6, v7;
	vm0 =	vgt.s32 v5, $0x0;
	vm1 =	vlt.s32 v5, v4  }
0x1b3: {  	vm2 =	vge.s32 v5, v3;
	v3 =	vsub.s32 v5, v3;
	v5 =	vshll.u32 v5, $0x7  }
0x1b4: {  	vm0 =	vmand vm0, vm2;
	v3 =	vshll.u32 v3, $0xA;
	v5 =	vand.u32 $0x380, v5  }
0x1b5: {  	vm0 =	vmand vm1, vm0;
	v3 =	vand.u32 $0xFFFFE000, v3;
	v4 =	vor.u32 v5, v63  }
0x1b6: {  	v3 =	vor.u32 v3, v4;
	_ =	sdelay $0x4  }
0x1b7: {  	[tilespmem:v3+s26+$0x0] =	vst.idx.msk vm0, v0  }
.LBB2_19:
0x1b8: {  	s2 =	smulhi.u32 $0x51EB851F, s0;
	_ =	sdelay $0x1  }
0x1b9: {  	s2 =	sshrl.u32 s2, $0x3  }
0x1ba: {  	s7 =	sshll.u32 s2, $0xA;
	s8 =	sshll.u32 s2, $0x7  }
0x1bb: {  	s7 =	sand.u32 $0xFFFFE000, s7;
	s8 =	sand.u32 $0x380, s8  }
0x1bc: {  	s7 =	sor.u32 s8, s7  }
0x1bd: {  	s7 =	sshrl.u32 s7, $0x3  }
0x1be: {  	s8 =	sadd.s32 s1, s7;
	s7 =	simm.s32 $0x0  }
0x1bf: {  	[tilespmem:s18], [sflag:$0x3] =	stream.linear.gather [hbm4b:s8+s7], $0x80, $0x38;
	[tilespmem:$0x14800] =	vst v63  }
0x1c0: {  	s9 =	sadd.s32 $0x80, s8  }
0x1c1: {  	[tilespmem:s19], [sflag:$0x3] =	stream.linear.gather [hbm4b:s9+s7], $0x80, $0x38;
	[tilespmem:$0x14800] =	vst v63  }
0x1c2: {  	s10 =	sadd.s32 $0x100, s8  }
0x1c3: {  	[tilespmem:s20], [sflag:$0x3] =	stream.linear.gather [hbm4b:s10+s7], $0x80, $0x38;
	[tilespmem:$0x14800] =	vst v63  }
0x1c4: {  	s31 =	sadd.s32 $0x180, s8  }
0x1c5: {  	[tilespmem:s21], [sflag:$0x3] =	stream.linear.gather [hbm4b:s31+s7], $0x80, $0x38;
	[tilespmem:$0x14800] =	vst v63  }
0x1c6: {  	s10 =	sadd.s32 $0x200, s8  }
0x1c7: {  	[tilespmem:s22], [sflag:$0x3] =	stream.linear.gather [hbm4b:s10+s7], $0x80, $0x38;
	[tilespmem:$0x14800] =	vst v63  }
0x1c8: {  	s31 =	sadd.s32 $0x280, s8  }
0x1c9: {  	[tilespmem:s23], [sflag:$0x3] =	stream.linear.gather [hbm4b:s31+s7], $0x80, $0x38;
	[tilespmem:$0x14800] =	vst v63  }
0x1ca: {  	s10 =	sadd.s32 $0x300, s8;
	s31 =	smul.u32 $0x19, s2  }
0x1cb: {  	[tilespmem:s24], [sflag:$0x3] =	stream.linear.gather [hbm4b:s10+s7], $0x80, $0x38;
	[tilespmem:$0x14800] =	vst v63  }
0x1cc: {  	s0 =	ssub.s32 s0, s31  }
0x1cd: {  	s8 =	sadd.s32 $0x380, s8;
	s9 =	smul.u32 $0x28, s0  }
0x1ce: {  	[tilespmem:s25], [sflag:$0x3] =	stream.linear.gather [hbm4b:s8+s7], $0x80, $0x38;
	[tilespmem:$0x14800] =	vst v63  }
0x1cf: {  	s29 =	sand.u32 $0x700, s7;
	s10 =	sand.u32 $0x70, s7;
	_ =	swait.ge [sflag:s16], $0x400  }
0x1d0: {  	s8 =	simm.s32 $0x0;
	s31 =	sadd.s32 $0x28, s9;
	[sflag:s16] =	ssyncset.done $0x0  }
0x1d1: {  	v3 =	vmov s9;
	s9 =	sor.u32 s10, s29;
	s29 =	simm.s32 $0x10;
	v4 =	vmov s31;
	[sflag:s16] =	ssyncadd.s32 $0xFFFFFC00  }
.LBB2_20:
0x1d2: {  	p0 =	sne.s32 s29, $0x3F0;
	v5 =	vld [tilespmem:s9+$0x14080];
	_ =	sdelay $0x1  }
0x1d3: {  	v6 =	vmov s7  }
0x1d4: {  	v7 =	vor.u32 s7, v1;
	s7 =	smov.u32 s29;
	v6 =	vshll.u32 v6, $0x3  }
0x1d5: {  	v7 =	vand.u32 $0x7F, v7;
	v6 =	vand.u32 $0x1C00, v6  }
0x1d6: {  	v6 =	vor.u32 v6, v7;
	vm0 =	vgt.s32 v5, $0x0;
	vm1 =	vlt.s32 v5, v4  }
0x1d7: {  	vm2 =	vge.s32 v5, v3;
	v7 =	vsub.s32 v5, v3;
	v5 =	vshll.u32 v5, $0x7  }
0x1d8: {  	vm0 =	vmand vm0, vm2;
	v7 =	vshll.u32 v7, $0xA;
	v5 =	vand.u32 $0x380, v5  }
0x1d9: {  	vm0 =	vmand vm1, vm0;
	v7 =	vand.u32 $0xFFFFE000, v7;
	v5 =	vor.u32 v5, v6  }
0x1da: {  	v5 =	vor.u32 v7, v5  }
.Ltmp13:
0x1db: {  	(pc) =	sbr.rel @p0 .LBB2_20-.Ltmp13, $4  }
0x1dc: {  	_ = 	snop  }
0x1dd: {  	s8 =	sadd.s32 $0x20, s8  }
0x1de: {  	s9 =	sand.u32 $0x70, s29;
	s10 =	sand.u32 $0x700, s8  }
0x1df: {  	s29 =	sadd.s32 $0x10, s29;
	s9 =	sor.u32 s9, s10;
	[tilespmem:v5+s26+$0x0] =	vst.idx.msk vm0, v2  }
0x1e0: {  	v5 =	vld [tilespmem:s9+$0x14080];
	_ =	sdelay $0x1  }
0x1e1: {  	v6 =	vmov s7  }
0x1e2: {  	v7 =	vor.u32 s7, v1;
	v6 =	vshll.u32 v6, $0x3  }
0x1e3: {  	v7 =	vand.u32 $0x7F, v7;
	v6 =	vand.u32 $0x1C00, v6  }
0x1e4: {  	v63 =	vor.u32 v6, v7;
	vm0 =	vgt.s32 v5, $0x0;
	vm1 =	vlt.s32 v5, v4  }
0x1e5: {  	vm2 =	vge.s32 v5, v3;
	v3 =	vsub.s32 v5, v3;
	v5 =	vshll.u32 v5, $0x7  }
0x1e6: {  	vm0 =	vmand vm0, vm2;
	v3 =	vshll.u32 v3, $0xA;
	v5 =	vand.u32 $0x380, v5  }
0x1e7: {  	vm0 =	vmand vm1, vm0;
	v3 =	vand.u32 $0xFFFFE000, v3;
	v4 =	vor.u32 v5, v63  }
0x1e8: {  	s2 =	smul.u32 $0xFA000, s2;
	v3 =	vor.u32 v3, v4  }
0x1e9: {  	s0 =	smul.u32 $0xA000, s0  }
.Ltmp14:
0x1ea: {  	_ = 	snop;
	(pc) =	sbr.rel .LBB2_22-.Ltmp14, $4  }
0x1eb: {  	s0 =	sadd.s32 s0, s2  }
0x1ec: {  	s0 =	sshrl.u32 s0, $0x3  }
0x1ed: {  	s0 =	sadd.s32 s4, s0;
	[tilespmem:v3+s26+$0x0] =	vst.idx.msk vm0, v2  }
0x1ee: {  	[hbm4b:s0+s3] =	stream.linear.scatter [tilespmem:s26], [sflag:$0x2], $0xA000, $0x38;
	[tilespmem:$0x14800] =	vst v63  }
.LBB2_24:
0x1ef: {  	_ =	sfence.sel $0x180000  }
0x1f0: {  	[bflag:$0x0] =	sbarrier.arrive $0xFFFF  }
0x1f1: {  	_ =	strace $0x90000047  }
0x1f2: {  	s0 =	stileid.u32;
	[bflag:$0x2] =	sbarrier.arrive $0xFFFF  }
0x1f3: {  	p0 =	sne.s32 s0, $0x0;
	s0 =	rddreg [dreg:$0x2]  }
0x1f4: {  	s0 =	sadd.s32 @!p0 $0x100000, s0  }
0x1f5: {  	[sflag:s0] =	ssyncadd.tile.s32 @!p0 $0x1;
	_ =	shalt  }
.Lfunc_end2:
_tile_overlayer_lowered:
.L_overlay_start_2:
0x1f6: {  	(tag) =	ssettag $0x2  }
0x1f7: {  	s0 =	rddreg [dreg:$0x0];
	s2 =	stileid.u32  }
0x1f8: {  	s1 =	rddreg [dreg:$0x1];
	p0 =	sne.s32 s2, $0x0  }
0x1f9: {  	s3 =	rddreg [dreg:$0x2];
	[bflag:$0x3] =	sbarrier.arrive $0xFFFF;
	s2 =	simm.s32 @!p0 $0x1C03  }
0x1fa: {  	[timem:s3], [sflag:s2] =	dma.local @!p0 [hbm:s0], s1  }
0x1fb: {  	s0 =	simm.s32 @!p0 $0x3  }
0x1fc: {  	_ =	swait.ge @!p0 [sflag:s0], s1  }
0x1fd: {  	s1 =	ssub.s32 @!p0 $0x0, s1;
	[sflag:s0] =	ssyncset.done @!p0 $0x0  }
0x1fe: {  	[sflag:s0] =	ssyncadd.s32 @!p0 s1  }
0x1ff: {  	[bflag:$0x3] =	sbarrier.arrive $0xFFFF  }
0x200: {  	_ =	shalt  }

</sc_bundles>
